<compile_context>
chip_gen: v7x
topology: tpu7x:2x2x1
jax: 0.10.2.dev20260603
libtpu: 0.0.44.dev20260713+nightly
codegen_flags: <defaults>
</compile_context>

<pallas_src>
import jax
import jax.numpy as jnp
from jax import lax
from jax.experimental import pallas as pl
from jax.experimental.pallas import tpu as pltpu
from jax.experimental.pallas import tpu_sc as plsc

N = 10000
E = 320000
D = 128
DH = D // 2

NC = 2
NS = 16
EPS = E // NS
CH = 80
NCHUNK = EPS // CH
NBUF = 4
NMAIN = (NCHUNK // NBUF) * NBUF
NP = 10240
RPZ = NP // NS

BN = 2048
GRID = NP // BN



def _dot_t(a, w):
    return lax.dot_general(a, w, (((1,), (1,)), ((), ())),
                           preferred_element_type=jnp.float32)


def _pre_body(x_ref, wl_ref, wr_ref, b_ref, ya_ref, yb_ref, r_ref):
    xb = x_ref[...]
    y = _dot_t(xb, wl_ref[...])
    ya_ref[...] = y[:, :DH]
    yb_ref[...] = y[:, DH:]
    r_ref[...] = _dot_t(xb, wr_ref[...]) + b_ref[...]


def _tc_pre(x, wl, wr, b):
    return pl.pallas_call(
        _pre_body,
        grid=(GRID,),
        in_specs=[
            pl.BlockSpec((BN, D), lambda i: (i, 0)),
            pl.BlockSpec((D, D), lambda i: (0, 0)),
            pl.BlockSpec((D, D), lambda i: (0, 0)),
            pl.BlockSpec((1, D), lambda i: (0, 0)),
        ],
        out_specs=[
            pl.BlockSpec((BN, DH), lambda i: (i, 0)),
            pl.BlockSpec((BN, DH), lambda i: (i, 0)),
            pl.BlockSpec((BN, D), lambda i: (i, 0)),
        ],
        out_shape=[
            jax.ShapeDtypeStruct((N, DH), jnp.float32),
            jax.ShapeDtypeStruct((N, DH), jnp.float32),
            jax.ShapeDtypeStruct((N, D), jnp.float32),
        ],
    )(x, wl, wr, b)


def _combine(s_ref, cnt_ref, r_ref):
    summed = jnp.concatenate([s_ref[0], s_ref[1]], axis=1)
    inv = 1.0 / jnp.maximum(cnt_ref[0, :], 1.0)
    return summed * inv[:, None] + r_ref[...]


def _combine_pre_body(s_ref, cnt_ref, r_ref, wl_ref, wr_ref, b_ref,
                      ya_ref, yb_ref, r2_ref):
    h = jnp.maximum(_combine(s_ref, cnt_ref, r_ref), 0.0)
    y = _dot_t(h, wl_ref[...])
    ya_ref[...] = y[:, :DH]
    yb_ref[...] = y[:, DH:]
    r2_ref[...] = _dot_t(h, wr_ref[...]) + b_ref[...]


def _tc_combine_pre(s, cnt, r, wl, wr, b):
    return pl.pallas_call(
        _combine_pre_body,
        grid=(GRID,),
        in_specs=[
            pl.BlockSpec((NC, BN, DH), lambda i: (0, i, 0)),
            pl.BlockSpec((8, BN), lambda i: (0, i)),
            pl.BlockSpec((BN, D), lambda i: (i, 0)),
            pl.BlockSpec((D, D), lambda i: (0, 0)),
            pl.BlockSpec((D, D), lambda i: (0, 0)),
            pl.BlockSpec((1, D), lambda i: (0, 0)),
        ],
        out_specs=[
            pl.BlockSpec((BN, DH), lambda i: (i, 0)),
            pl.BlockSpec((BN, DH), lambda i: (i, 0)),
            pl.BlockSpec((BN, D), lambda i: (i, 0)),
        ],
        out_shape=[
            jax.ShapeDtypeStruct((N, DH), jnp.float32),
            jax.ShapeDtypeStruct((N, DH), jnp.float32),
            jax.ShapeDtypeStruct((N, D), jnp.float32),
        ],
    )(s, cnt, r, wl, wr, b)


def _final_body(s_ref, cnt_ref, r_ref, o_ref):
    o_ref[...] = _combine(s_ref, cnt_ref, r_ref)


def _tc_final(s, cnt, r):
    return pl.pallas_call(
        _final_body,
        grid=(GRID,),
        in_specs=[
            pl.BlockSpec((NC, BN, DH), lambda i: (0, i, 0)),
            pl.BlockSpec((8, BN), lambda i: (0, i)),
            pl.BlockSpec((BN, D), lambda i: (i, 0)),
        ],
        out_specs=pl.BlockSpec((BN, D), lambda i: (i, 0)),
        out_shape=jax.ShapeDtypeStruct((N, D), jnp.float32),
    )(s, cnt, r)



def _make_segsum(with_counts):
    mesh = plsc.VectorSubcoreMesh(core_axis_name="c", subcore_axis_name="s",
                                  num_cores=NC, num_subcores=NS)
    out_type = [jax.ShapeDtypeStruct((NC, NP, DH), jnp.float32)]
    if with_counts:
        out_type.append(jax.ShapeDtypeStruct((8, NP), jnp.float32))
    scratch = (
        [pltpu.VMEM((EPS,), jnp.int32)]
        + [pltpu.VMEM((CH, DH), jnp.float32)] * NBUF
        + [pltpu.VMEM((CH,), jnp.int32)] * NBUF
        + [
            pltpu.VMEM((CH,), jnp.float32),
            pltpu.VMEM_SHARED((NP, DH), jnp.float32),
            pltpu.VMEM_SHARED((NP,), jnp.float32),
        ]
        + [pltpu.SemaphoreType.DMA] * (4 * NBUF)
    )

    def body(ya_hbm, yb_hbm, src_hbm, dst_hbm, zf_hbm, zc_hbm, *rest):
        if with_counts:
            (s_out, cnt_out, srca, *rest2) = rest
        else:
            (s_out, srca, *rest2) = rest
            cnt_out = None
        rows = tuple(rest2[:NBUF])
        dstb = tuple(rest2[NBUF:2 * NBUF])
        ones, acc, cacc = rest2[2 * NBUF:2 * NBUF + 3]
        sems = rest2[2 * NBUF + 3:]
        gsem = tuple(sems[:NBUF])
        ssem = tuple(sems[NBUF:2 * NBUF])
        csem = tuple(sems[2 * NBUF:3 * NBUF])
        isem = tuple(sems[3 * NBUF:4 * NBUF])
        c = lax.axis_index("c")
        s = lax.axis_index("s")
        pltpu.sync_copy(zf_hbm.at[pl.ds(s * RPZ, RPZ)],
                        acc.at[pl.ds(s * RPZ, RPZ)])
        base = s * EPS
        pltpu.sync_copy(src_hbm.at[pl.ds(base, EPS)], srca)
        for b in range(NBUF):
            pltpu.sync_copy(dst_hbm.at[pl.ds(base + b * CH, CH)], dstb[b])
        if with_counts:
            @pl.when(jnp.logical_and(c == 0, s == 0))
            def _():
                pltpu.sync_copy(zc_hbm, cacc)

            def fill(i, carry):
                ones[pl.ds(i * 16, 16)] = jnp.ones((16,), jnp.float32)
                return carry
            lax.fori_loop(0, CH // 16, fill, 0)
        plsc.subcore_barrier()

        def issue_gather(t, b):
            idx = srca.at[pl.ds(t * CH, CH)]

            @pl.when(c == 0)
            def _():
                pltpu.async_copy(ya_hbm.at[idx], rows[b], gsem[b])

            @pl.when(c == 1)
            def _():
                pltpu.async_copy(yb_hbm.at[idx], rows[b], gsem[b])

        def drain_gather(b):
            pltpu.make_async_copy(ya_hbm.at[pl.ds(0, CH)], rows[b],
                                  gsem[b]).wait()

        def drain_scatter(b):
            pltpu.make_async_copy(rows[b], acc.at[pl.ds(0, CH)],
                                  ssem[b]).wait()

        def drain_count(b):
            pltpu.make_async_copy(ones, cacc.at[pl.ds(0, CH)],
                                  csem[b]).wait()

        def drain_idx(b):
            pltpu.make_async_copy(dst_hbm.at[pl.ds(0, CH)], dstb[b],
                                  isem[b]).wait()

        for b in range(NBUF):
            issue_gather(b, b)

        def outer(i, carry):
            for b in range(NBUF):
                t = i * NBUF + b
                b1 = (b + NBUF - 1) % NBUF
                b2 = (b + 2) % NBUF
                drain_gather(b)

                @pl.when(t >= NBUF)
                def _():
                    drain_idx(b)

                @pl.when(t >= 1)
                def _():
                    drain_scatter(b1)
                    if with_counts:
                        @pl.when(c == 0)
                        def _():
                            drain_count(b1)

                pltpu.async_copy(rows[b], acc.at[dstb[b]], ssem[b],
                                 add=True)
                if with_counts:
                    @pl.when(c == 0)
                    def _():
                        pltpu.async_copy(ones, cacc.at[dstb[b]], csem[b],
                                         add=True)

                @pl.when(jnp.logical_and(t >= NBUF - 2, t + 2 < NCHUNK))
                def _():
                    pltpu.async_copy(
                        dst_hbm.at[pl.ds(base + (t + 2) * CH, CH)],
                        dstb[b2], isem[b2])
                    issue_gather(t + 2, b2)
            return carry
        lax.fori_loop(0, NMAIN // NBUF, outer, 0)
        for t in range(NMAIN, NCHUNK):
            b = t % NBUF
            b1 = (b + NBUF - 1) % NBUF
            drain_gather(b)
            drain_idx(b)
            drain_scatter(b1)
            if with_counts:
                @pl.when(c == 0)
                def _():
                    drain_count(b1)
            pltpu.async_copy(rows[b], acc.at[dstb[b]], ssem[b], add=True)
            if with_counts:
                @pl.when(c == 0)
                def _():
                    pltpu.async_copy(ones, cacc.at[dstb[b]], csem[b],
                                     add=True)
        drain_scatter((NCHUNK - 1) % NBUF)
        if with_counts:
            @pl.when(c == 0)
            def _():
                drain_count((NCHUNK - 1) % NBUF)
        plsc.subcore_barrier()

        pltpu.sync_copy(acc.at[pl.ds(s * RPZ, RPZ)],
                        s_out.at[c, pl.ds(s * RPZ, RPZ)])
        if with_counts:
            @pl.when(jnp.logical_and(c == 0, s == 0))
            def _():
                pltpu.sync_copy(cacc, cnt_out.at[0])

    return pl.kernel(body, out_type=out_type, mesh=mesh,
                     scratch_types=scratch,
                     compiler_params=pltpu.CompilerParams(
                         use_tc_tiling_on_sc=False))


_segsum_counts = _make_segsum(True)
_segsum_plain = _make_segsum(False)



def kernel(x, edge_index, W1_l, b1_l, W1_r, W2_l, b2_l, W2_r):
    src = edge_index[0]
    dst = edge_index[1]
    zf = jnp.zeros((NP, DH), jnp.float32)
    zc = jnp.zeros((NP,), jnp.float32)

    y1a, y1b, r1 = _tc_pre(x, W1_l, W1_r, b1_l.reshape(1, D))
    s1, cnt = _segsum_counts(y1a, y1b, src, dst, zf, zc)
    y2a, y2b, r2 = _tc_combine_pre(s1, cnt, r1, W2_l, W2_r, b2_l.reshape(1, D))
    (s2,) = _segsum_plain(y2a, y2b, src, dst, zf, zc)
    return _tc_final(s2, cnt, r2)

# --- scband reference (transcript-rebuilt; emitter-appended) ---
"""Pipeline reference for scband-graph-sagemodel-17944373363173 (READ-ONLY COPY).

The authoritative reference and input builder live on the scoring server;
editing this copy changes nothing except your own understanding.
"""

import jax, jax.numpy as jnp
import numpy as np

N = 10000
E = 320000
D_IN = 128
D_H = 128
D_OUT = 128


def _sage_conv(x, src, dst, W_l, b_l, W_r):
    # PyG SAGEConv (mean aggregation):
    #   out = lin_l(mean_{j in N(i)} x_j) + lin_r(x_i)
    msgs = jnp.take(x, src, axis=0)                     # gather source features [E, d]
    summed = jax.ops.segment_sum(msgs, dst, num_segments=N)
    cnt = jax.ops.segment_sum(jnp.ones((src.shape[0],), dtype=x.dtype), dst, num_segments=N)
    mean = summed / jnp.clip(cnt, 1.0)[:, None]
    return mean @ W_l.T + b_l + x @ W_r.T


def setup_inputs(seed: int = 0) -> dict:
    key = jax.random.key(seed)
    ks = jax.random.split(key, 8)
    x = jax.random.normal(ks[0], (N, D_IN), dtype=jnp.float32)
    edge_index = jax.random.randint(ks[1], (2, E), 0, N, dtype=jnp.int32)
    s1 = 1.0 / np.sqrt(D_IN)
    s2 = 1.0 / np.sqrt(D_H)
    W1_l = jax.random.uniform(ks[2], (D_H, D_IN), dtype=jnp.float32, minval=-s1, maxval=s1)
    b1_l = jnp.zeros((D_H,), dtype=jnp.float32)
    W1_r = jax.random.uniform(ks[3], (D_H, D_IN), dtype=jnp.float32, minval=-s1, maxval=s1)
    W2_l = jax.random.uniform(ks[4], (D_OUT, D_H), dtype=jnp.float32, minval=-s2, maxval=s2)
    b2_l = jnp.zeros((D_OUT,), dtype=jnp.float32)
    W2_r = jax.random.uniform(ks[5], (D_OUT, D_H), dtype=jnp.float32, minval=-s2, maxval=s2)
    return {"x": x, "edge_index": edge_index, "W1_l": W1_l, "b1_l": b1_l, "W1_r": W1_r,
            "W2_l": W2_l, "b2_l": b2_l, "W2_r": W2_r}


def reference(x, edge_index, W1_l, b1_l, W1_r, W2_l, b2_l, W2_r):
    src = edge_index[0]
    dst = edge_index[1]
    h = _sage_conv(x, src, dst, W1_l, b1_l, W1_r)
    h = jax.nn.relu(h)
    # dropout is identity in eval mode
    out = _sage_conv(h, src, dst, W2_l, b2_l, W2_r)
    return out

if __name__ == "__main__":
    import jax
    _d = setup_inputs()
    print(jax.jit(kernel)(*tuple(_d.values())))

</pallas_src>

<mosaic_0001>
#map = affine_map<(d0, d1) -> (0, 0)>
#map1 = affine_map<(d0, d1) -> (0)>
#map2 = affine_map<(d0, d1) -> (0, 0, 0)>
module attributes {stable_mosaic.version = 14 : i64} {
  func.func @body(%arg0: i32, %arg1: i32, %arg2: memref<10000x64xf32, #tpu.memory_space<hbm>>, %arg3: memref<10000x64xf32, #tpu.memory_space<hbm>>, %arg4: memref<320000xi32, #tpu.memory_space<hbm>>, %arg5: memref<320000xi32, #tpu.memory_space<hbm>>, %arg6: memref<10240x64xf32, #tpu.memory_space<hbm>>, %arg7: memref<10240xf32, #tpu.memory_space<hbm>>, %arg8: memref<2x10240x64xf32, #tpu.memory_space<hbm>>, %arg9: memref<8x10240xf32, #tpu.memory_space<hbm>>, %arg10: memref<20000xi32, #tpu.memory_space<vmem>>, %arg11: memref<80x64xf32, #tpu.memory_space<vmem>>, %arg12: memref<80x64xf32, #tpu.memory_space<vmem>>, %arg13: memref<80x64xf32, #tpu.memory_space<vmem>>, %arg14: memref<80x64xf32, #tpu.memory_space<vmem>>, %arg15: memref<80xi32, #tpu.memory_space<vmem>>, %arg16: memref<80xi32, #tpu.memory_space<vmem>>, %arg17: memref<80xi32, #tpu.memory_space<vmem>>, %arg18: memref<80xi32, #tpu.memory_space<vmem>>, %arg19: memref<80xf32, #tpu.memory_space<vmem>>, %arg20: memref<10240x64xf32, #tpu.memory_space<vmem_shared>>, %arg21: memref<10240xf32, #tpu.memory_space<vmem_shared>>, %arg22: memref<!tpu.dma_semaphore, #tpu.memory_space<semaphore_mem>>, %arg23: memref<!tpu.dma_semaphore, #tpu.memory_space<semaphore_mem>>, %arg24: memref<!tpu.dma_semaphore, #tpu.memory_space<semaphore_mem>>, %arg25: memref<!tpu.dma_semaphore, #tpu.memory_space<semaphore_mem>>, %arg26: memref<!tpu.dma_semaphore, #tpu.memory_space<semaphore_mem>>, %arg27: memref<!tpu.dma_semaphore, #tpu.memory_space<semaphore_mem>>, %arg28: memref<!tpu.dma_semaphore, #tpu.memory_space<semaphore_mem>>, %arg29: memref<!tpu.dma_semaphore, #tpu.memory_space<semaphore_mem>>, %arg30: memref<!tpu.dma_semaphore, #tpu.memory_space<semaphore_mem>>, %arg31: memref<!tpu.dma_semaphore, #tpu.memory_space<semaphore_mem>>, %arg32: memref<!tpu.dma_semaphore, #tpu.memory_space<semaphore_mem>>, %arg33: memref<!tpu.dma_semaphore, #tpu.memory_space<semaphore_mem>>, %arg34: memref<!tpu.dma_semaphore, #tpu.memory_space<semaphore_mem>>, %arg35: memref<!tpu.dma_semaphore, #tpu.memory_space<semaphore_mem>>, %arg36: memref<!tpu.dma_semaphore, #tpu.memory_space<semaphore_mem>>, %arg37: memref<!tpu.dma_semaphore, #tpu.memory_space<semaphore_mem>>) attributes {dimension_semantics = [#tpu.dimension_semantics<core_parallel>, #tpu.dimension_semantics<subcore_parallel>], iteration_bounds = array<i64: 2, 16>, scalar_prefetch = 0 : i64, scratch_operands = 28 : i64, tpu.core_type = #tpu.core_type<sc_vector_subcore>, window_params = [{transform_indices = #map}, {transform_indices = #map}, {transform_indices = #map1}, {transform_indices = #map1}, {transform_indices = #map}, {transform_indices = #map1}, {transform_indices = #map2}, {transform_indices = #map}]} {
    %mul3A = arith.constant 640 : i32
    %mul3A_0 = arith.muli %arg1, %mul3A : i32
    %mul3A_1 = arith.constant 640 : i32
    %mul3A_2 = arith.muli %arg1, %mul3A_1 : i32
    "tpu.region"() ({
      %run_scoped3A = tpu.sem_alloc : memref<!tpu.dma_semaphore, #tpu.memory_space<semaphore_mem>>
      %dma_start3A_147 = arith.constant 0 : i32
      %dma_start3A_148 = tpu.memref_slice %arg20[%mul3A_2, %dma_start3A_147] : memref<10240x64xf32, #tpu.memory_space<vmem_shared>> -> memref<640x64xf32, #tpu.memory_space<vmem_shared>>
      %dma_start3A_149 = arith.constant 0 : i32
      %dma_start3A_150 = tpu.memref_slice %arg6[%mul3A_0, %dma_start3A_149] : memref<10240x64xf32, #tpu.memory_space<hbm>> -> memref<640x64xf32, #tpu.memory_space<hbm>>
      tpu.enqueue_dma source(%dma_start3A_150 : memref<640x64xf32, #tpu.memory_space<hbm>>) target(%dma_start3A_148 : memref<640x64xf32, #tpu.memory_space<vmem_shared>>) target_semaphore(%run_scoped3A : memref<!tpu.dma_semaphore, #tpu.memory_space<semaphore_mem>>)
      %dma_wait3A_151 = arith.constant 0 : i32
      %dma_wait3A_152 = tpu.memref_slice %arg20[%mul3A_2, %dma_wait3A_151] : memref<10240x64xf32, #tpu.memory_space<vmem_shared>> -> memref<640x64xf32, #tpu.memory_space<vmem_shared>>
      %dma_wait3A_153 = arith.constant 0 : i32
      %dma_wait3A_154 = tpu.memref_slice %arg6[%mul3A_0, %dma_wait3A_153] : memref<10240x64xf32, #tpu.memory_space<hbm>> -> memref<640x64xf32, #tpu.memory_space<hbm>>
      tpu.wait_dma2 semaphore(%run_scoped3A : memref<!tpu.dma_semaphore, #tpu.memory_space<semaphore_mem>>) src(%dma_wait3A_154 : memref<640x64xf32, #tpu.memory_space<hbm>>) dst(%dma_wait3A_152 : memref<640x64xf32, #tpu.memory_space<vmem_shared>>)
      tpu.yield
    }) : () -> ()
    %mul3A_3 = arith.constant 20000 : i32
    %mul3A_4 = arith.muli %arg1, %mul3A_3 : i32
    "tpu.region"() ({
      %run_scoped3A = tpu.sem_alloc : memref<!tpu.dma_semaphore, #tpu.memory_space<semaphore_mem>>
      %dma_start3A_147 = tpu.memref_slice %arg4[%mul3A_4] : memref<320000xi32, #tpu.memory_space<hbm>> -> memref<20000xi32, #tpu.memory_space<hbm>>
      %dma_start3A_148 = tpu.memref_slice %arg4[%mul3A_4] : memref<320000xi32, #tpu.memory_space<hbm>> -> memref<20000xi32, #tpu.memory_space<hbm>>
      tpu.enqueue_dma source(%dma_start3A_148 : memref<20000xi32, #tpu.memory_space<hbm>>) target(%arg10 : memref<20000xi32, #tpu.memory_space<vmem>>) target_semaphore(%run_scoped3A : memref<!tpu.dma_semaphore, #tpu.memory_space<semaphore_mem>>)
      %dma_wait3A_149 = tpu.memref_slice %arg4[%mul3A_4] : memref<320000xi32, #tpu.memory_space<hbm>> -> memref<20000xi32, #tpu.memory_space<hbm>>
      %dma_wait3A_150 = tpu.memref_slice %arg4[%mul3A_4] : memref<320000xi32, #tpu.memory_space<hbm>> -> memref<20000xi32, #tpu.memory_space<hbm>>
      tpu.wait_dma2 semaphore(%run_scoped3A : memref<!tpu.dma_semaphore, #tpu.memory_space<semaphore_mem>>) src(%dma_wait3A_150 : memref<20000xi32, #tpu.memory_space<hbm>>) dst(%arg10 : memref<20000xi32, #tpu.memory_space<vmem>>)
      tpu.yield
    }) : () -> ()
    %add3A = arith.constant 0 : i32
    %add3A_5 = arith.addi %mul3A_4, %add3A : i32
    "tpu.region"() ({
      %run_scoped3A = tpu.sem_alloc : memref<!tpu.dma_semaphore, #tpu.memory_space<semaphore_mem>>
      %dma_start3A_147 = tpu.memref_slice %arg5[%add3A_5] : memref<320000xi32, #tpu.memory_space<hbm>> -> memref<80xi32, #tpu.memory_space<hbm>>
      %dma_start3A_148 = tpu.memref_slice %arg5[%add3A_5] : memref<320000xi32, #tpu.memory_space<hbm>> -> memref<80xi32, #tpu.memory_space<hbm>>
      tpu.enqueue_dma source(%dma_start3A_148 : memref<80xi32, #tpu.memory_space<hbm>>) target(%arg15 : memref<80xi32, #tpu.memory_space<vmem>>) target_semaphore(%run_scoped3A : memref<!tpu.dma_semaphore, #tpu.memory_space<semaphore_mem>>)
      %dma_wait3A_149 = tpu.memref_slice %arg5[%add3A_5] : memref<320000xi32, #tpu.memory_space<hbm>> -> memref<80xi32, #tpu.memory_space<hbm>>
      %dma_wait3A_150 = tpu.memref_slice %arg5[%add3A_5] : memref<320000xi32, #tpu.memory_space<hbm>> -> memref<80xi32, #tpu.memory_space<hbm>>
      tpu.wait_dma2 semaphore(%run_scoped3A : memref<!tpu.dma_semaphore, #tpu.memory_space<semaphore_mem>>) src(%dma_wait3A_150 : memref<80xi32, #tpu.memory_space<hbm>>) dst(%arg15 : memref<80xi32, #tpu.memory_space<vmem>>)
      tpu.yield
    }) : () -> ()
    %add3A_6 = arith.constant 80 : i32
    %add3A_7 = arith.addi %mul3A_4, %add3A_6 : i32
    "tpu.region"() ({
      %run_scoped3A = tpu.sem_alloc : memref<!tpu.dma_semaphore, #tpu.memory_space<semaphore_mem>>
      %dma_start3A_147 = tpu.memref_slice %arg5[%add3A_7] : memref<320000xi32, #tpu.memory_space<hbm>> -> memref<80xi32, #tpu.memory_space<hbm>>
      %dma_start3A_148 = tpu.memref_slice %arg5[%add3A_7] : memref<320000xi32, #tpu.memory_space<hbm>> -> memref<80xi32, #tpu.memory_space<hbm>>
      tpu.enqueue_dma source(%dma_start3A_148 : memref<80xi32, #tpu.memory_space<hbm>>) target(%arg16 : memref<80xi32, #tpu.memory_space<vmem>>) target_semaphore(%run_scoped3A : memref<!tpu.dma_semaphore, #tpu.memory_space<semaphore_mem>>)
      %dma_wait3A_149 = tpu.memref_slice %arg5[%add3A_7] : memref<320000xi32, #tpu.memory_space<hbm>> -> memref<80xi32, #tpu.memory_space<hbm>>
      %dma_wait3A_150 = tpu.memref_slice %arg5[%add3A_7] : memref<320000xi32, #tpu.memory_space<hbm>> -> memref<80xi32, #tpu.memory_space<hbm>>
      tpu.wait_dma2 semaphore(%run_scoped3A : memref<!tpu.dma_semaphore, #tpu.memory_space<semaphore_mem>>) src(%dma_wait3A_150 : memref<80xi32, #tpu.memory_space<hbm>>) dst(%arg16 : memref<80xi32, #tpu.memory_space<vmem>>)
      tpu.yield
    }) : () -> ()
    %add3A_8 = arith.constant 160 : i32
    %add3A_9 = arith.addi %mul3A_4, %add3A_8 : i32
    "tpu.region"() ({
      %run_scoped3A = tpu.sem_alloc : memref<!tpu.dma_semaphore, #tpu.memory_space<semaphore_mem>>
      %dma_start3A_147 = tpu.memref_slice %arg5[%add3A_9] : memref<320000xi32, #tpu.memory_space<hbm>> -> memref<80xi32, #tpu.memory_space<hbm>>
      %dma_start3A_148 = tpu.memref_slice %arg5[%add3A_9] : memref<320000xi32, #tpu.memory_space<hbm>> -> memref<80xi32, #tpu.memory_space<hbm>>
      tpu.enqueue_dma source(%dma_start3A_148 : memref<80xi32, #tpu.memory_space<hbm>>) target(%arg17 : memref<80xi32, #tpu.memory_space<vmem>>) target_semaphore(%run_scoped3A : memref<!tpu.dma_semaphore, #tpu.memory_space<semaphore_mem>>)
      %dma_wait3A_149 = tpu.memref_slice %arg5[%add3A_9] : memref<320000xi32, #tpu.memory_space<hbm>> -> memref<80xi32, #tpu.memory_space<hbm>>
      %dma_wait3A_150 = tpu.memref_slice %arg5[%add3A_9] : memref<320000xi32, #tpu.memory_space<hbm>> -> memref<80xi32, #tpu.memory_space<hbm>>
      tpu.wait_dma2 semaphore(%run_scoped3A : memref<!tpu.dma_semaphore, #tpu.memory_space<semaphore_mem>>) src(%dma_wait3A_150 : memref<80xi32, #tpu.memory_space<hbm>>) dst(%arg17 : memref<80xi32, #tpu.memory_space<vmem>>)
      tpu.yield
    }) : () -> ()
    %add3A_10 = arith.constant 240 : i32
    %add3A_11 = arith.addi %mul3A_4, %add3A_10 : i32
    "tpu.region"() ({
      %run_scoped3A = tpu.sem_alloc : memref<!tpu.dma_semaphore, #tpu.memory_space<semaphore_mem>>
      %dma_start3A_147 = tpu.memref_slice %arg5[%add3A_11] : memref<320000xi32, #tpu.memory_space<hbm>> -> memref<80xi32, #tpu.memory_space<hbm>>
      %dma_start3A_148 = tpu.memref_slice %arg5[%add3A_11] : memref<320000xi32, #tpu.memory_space<hbm>> -> memref<80xi32, #tpu.memory_space<hbm>>
      tpu.enqueue_dma source(%dma_start3A_148 : memref<80xi32, #tpu.memory_space<hbm>>) target(%arg18 : memref<80xi32, #tpu.memory_space<vmem>>) target_semaphore(%run_scoped3A : memref<!tpu.dma_semaphore, #tpu.memory_space<semaphore_mem>>)
      %dma_wait3A_149 = tpu.memref_slice %arg5[%add3A_11] : memref<320000xi32, #tpu.memory_space<hbm>> -> memref<80xi32, #tpu.memory_space<hbm>>
      %dma_wait3A_150 = tpu.memref_slice %arg5[%add3A_11] : memref<320000xi32, #tpu.memory_space<hbm>> -> memref<80xi32, #tpu.memory_space<hbm>>
      tpu.wait_dma2 semaphore(%run_scoped3A : memref<!tpu.dma_semaphore, #tpu.memory_space<semaphore_mem>>) src(%dma_wait3A_150 : memref<80xi32, #tpu.memory_space<hbm>>) dst(%arg18 : memref<80xi32, #tpu.memory_space<vmem>>)
      tpu.yield
    }) : () -> ()
    %eq3A = arith.constant 0 : i32
    %eq3A_12 = arith.cmpi eq, %arg0, %eq3A : i32
    %eq3A_13 = arith.constant 0 : i32
    %eq3A_14 = arith.cmpi eq, %arg1, %eq3A_13 : i32
    %and3A = arith.andi %eq3A_12, %eq3A_14 : i1
    %convert_element_type3A = arith.extui %and3A : i1 to i32
    %cond3A = arith.constant 0 : i32
    %cond3A_15 = arith.cmpi ne, %convert_element_type3A, %cond3A : i32
    scf.if %cond3A_15 {
      "tpu.region"() ({
        %run_scoped3A = tpu.sem_alloc : memref<!tpu.dma_semaphore, #tpu.memory_space<semaphore_mem>>
        tpu.enqueue_dma source(%arg7 : memref<10240xf32, #tpu.memory_space<hbm>>) target(%arg21 : memref<10240xf32, #tpu.memory_space<vmem_shared>>) target_semaphore(%run_scoped3A : memref<!tpu.dma_semaphore, #tpu.memory_space<semaphore_mem>>)
        tpu.wait_dma2 semaphore(%run_scoped3A : memref<!tpu.dma_semaphore, #tpu.memory_space<semaphore_mem>>) src(%arg7 : memref<10240xf32, #tpu.memory_space<hbm>>) dst(%arg21 : memref<10240xf32, #tpu.memory_space<vmem_shared>>)
        tpu.yield
      }) : () -> ()
    } else {
    }
    %scan3A = arith.constant 0 : i32
    %scan3A_16 = arith.constant 0 : i32
    %scan3A_17 = arith.constant 5 : i32
    %scan3A_18 = arith.addi %scan3A_16, %scan3A_17 : i32
    %scan3A_19 = arith.constant 1 : i32
    scf.for %scan3A_147 = %scan3A_16 to %scan3A_18 step %scan3A_19  : i32 {
      %broadcast_in_dim3A = arith.constant 1.000000e+00 : f32
      %broadcast_in_dim3A_148 = vector.broadcast %broadcast_in_dim3A : f32 to vector<16xf32>
      %mul3A_149 = arith.constant 16 : i32
      %mul3A_150 = arith.muli %scan3A_147, %mul3A_149 : i32
      %swap3A = arith.index_cast %mul3A_150 : i32 to index
      %swap3A_151 = tpu.vector_load %arg19[%swap3A] {strides = array<i32>} : memref<80xf32, #tpu.memory_space<vmem>>, vector<16xf32>,
      %swap3A_152 = vector.shape_cast %swap3A_151 : vector<16xf32> to vector<16xf32>
      %swap3A_153 = vector.shape_cast %broadcast_in_dim3A_148 : vector<16xf32> to vector<16xf32>
      tpu.vector_store %arg19[%swap3A], %swap3A_153 {strides = array<i32>} : memref<80xf32, #tpu.memory_space<vmem>>, vector<16xf32>,
    }
    %scan3A_20 = arith.constant 5 : i32
    %barrier3A = arith.constant 0 : index
    tpu.barrier barrier_id(%barrier3A)
    %eq3A_21 = arith.constant 0 : i32
    %eq3A_22 = arith.cmpi eq, %arg0, %eq3A_21 : i32
    %convert_element_type3A_23 = arith.extui %eq3A_22 : i1 to i32
    %cond3A_24 = arith.constant 0 : i32
    %cond3A_25 = arith.cmpi ne, %convert_element_type3A_23, %cond3A_24 : i32
    scf.if %cond3A_25 {
      %dma_start3A_147 = arith.constant 0 : i32
      %dma_start3A_148 = tpu.memref_slice %arg10[%dma_start3A_147] : memref<20000xi32, #tpu.memory_space<vmem>> -> memref<80xi32, #tpu.memory_space<vmem>>
      %dma_start3A_149 = arith.constant 0 : i32
      %dma_start3A_150 = arith.constant 0 : i32
      %dma_start3A_151 = tpu.memref_slice %arg2[%dma_start3A_149, %dma_start3A_150] : memref<10000x64xf32, #tpu.memory_space<hbm>> -> memref<10000x64xf32, #tpu.memory_space<hbm>>
      tpu.enqueue_indirect_dma source(%dma_start3A_151 : memref<10000x64xf32, #tpu.memory_space<hbm>>) target(%arg11 : memref<80x64xf32, #tpu.memory_space<vmem>>) offsets(%dma_start3A_148 : memref<80xi32, #tpu.memory_space<vmem>>) semaphore(%arg22 : memref<!tpu.dma_semaphore, #tpu.memory_space<semaphore_mem>>)
    } else {
    }
    %eq3A_26 = arith.constant 1 : i32
    %eq3A_27 = arith.cmpi eq, %arg0, %eq3A_26 : i32
    %convert_element_type3A_28 = arith.extui %eq3A_27 : i1 to i32
    %cond3A_29 = arith.constant 0 : i32
    %cond3A_30 = arith.cmpi ne, %convert_element_type3A_28, %cond3A_29 : i32
    scf.if %cond3A_30 {
      %dma_start3A_147 = arith.constant 0 : i32
      %dma_start3A_148 = tpu.memref_slice %arg10[%dma_start3A_147] : memref<20000xi32, #tpu.memory_space<vmem>> -> memref<80xi32, #tpu.memory_space<vmem>>
      %dma_start3A_149 = arith.constant 0 : i32
      %dma_start3A_150 = arith.constant 0 : i32
      %dma_start3A_151 = tpu.memref_slice %arg3[%dma_start3A_149, %dma_start3A_150] : memref<10000x64xf32, #tpu.memory_space<hbm>> -> memref<10000x64xf32, #tpu.memory_space<hbm>>
      tpu.enqueue_indirect_dma source(%dma_start3A_151 : memref<10000x64xf32, #tpu.memory_space<hbm>>) target(%arg11 : memref<80x64xf32, #tpu.memory_space<vmem>>) offsets(%dma_start3A_148 : memref<80xi32, #tpu.memory_space<vmem>>) semaphore(%arg22 : memref<!tpu.dma_semaphore, #tpu.memory_space<semaphore_mem>>)
    } else {
    }
    %eq3A_31 = arith.constant 0 : i32
    %eq3A_32 = arith.cmpi eq, %arg0, %eq3A_31 : i32
    %convert_element_type3A_33 = arith.extui %eq3A_32 : i1 to i32
    %cond3A_34 = arith.constant 0 : i32
    %cond3A_35 = arith.cmpi ne, %convert_element_type3A_33, %cond3A_34 : i32
    scf.if %cond3A_35 {
      %dma_start3A_147 = arith.constant 80 : i32
      %dma_start3A_148 = tpu.memref_slice %arg10[%dma_start3A_147] : memref<20000xi32, #tpu.memory_space<vmem>> -> memref<80xi32, #tpu.memory_space<vmem>>
      %dma_start3A_149 = arith.constant 0 : i32
      %dma_start3A_150 = arith.constant 0 : i32
      %dma_start3A_151 = tpu.memref_slice %arg2[%dma_start3A_149, %dma_start3A_150] : memref<10000x64xf32, #tpu.memory_space<hbm>> -> memref<10000x64xf32, #tpu.memory_space<hbm>>
      tpu.enqueue_indirect_dma source(%dma_start3A_151 : memref<10000x64xf32, #tpu.memory_space<hbm>>) target(%arg12 : memref<80x64xf32, #tpu.memory_space<vmem>>) offsets(%dma_start3A_148 : memref<80xi32, #tpu.memory_space<vmem>>) semaphore(%arg23 : memref<!tpu.dma_semaphore, #tpu.memory_space<semaphore_mem>>)
    } else {
    }
    %eq3A_36 = arith.constant 1 : i32
    %eq3A_37 = arith.cmpi eq, %arg0, %eq3A_36 : i32
    %convert_element_type3A_38 = arith.extui %eq3A_37 : i1 to i32
    %cond3A_39 = arith.constant 0 : i32
    %cond3A_40 = arith.cmpi ne, %convert_element_type3A_38, %cond3A_39 : i32
    scf.if %cond3A_40 {
      %dma_start3A_147 = arith.constant 80 : i32
      %dma_start3A_148 = tpu.memref_slice %arg10[%dma_start3A_147] : memref<20000xi32, #tpu.memory_space<vmem>> -> memref<80xi32, #tpu.memory_space<vmem>>
      %dma_start3A_149 = arith.constant 0 : i32
      %dma_start3A_150 = arith.constant 0 : i32
      %dma_start3A_151 = tpu.memref_slice %arg3[%dma_start3A_149, %dma_start3A_150] : memref<10000x64xf32, #tpu.memory_space<hbm>> -> memref<10000x64xf32, #tpu.memory_space<hbm>>
      tpu.enqueue_indirect_dma source(%dma_start3A_151 : memref<10000x64xf32, #tpu.memory_space<hbm>>) target(%arg12 : memref<80x64xf32, #tpu.memory_space<vmem>>) offsets(%dma_start3A_148 : memref<80xi32, #tpu.memory_space<vmem>>) semaphore(%arg23 : memref<!tpu.dma_semaphore, #tpu.memory_space<semaphore_mem>>)
    } else {
    }
    %eq3A_41 = arith.constant 0 : i32
    %eq3A_42 = arith.cmpi eq, %arg0, %eq3A_41 : i32
    %convert_element_type3A_43 = arith.extui %eq3A_42 : i1 to i32
    %cond3A_44 = arith.constant 0 : i32
    %cond3A_45 = arith.cmpi ne, %convert_element_type3A_43, %cond3A_44 : i32
    scf.if %cond3A_45 {
      %dma_start3A_147 = arith.constant 160 : i32
      %dma_start3A_148 = tpu.memref_slice %arg10[%dma_start3A_147] : memref<20000xi32, #tpu.memory_space<vmem>> -> memref<80xi32, #tpu.memory_space<vmem>>
      %dma_start3A_149 = arith.constant 0 : i32
      %dma_start3A_150 = arith.constant 0 : i32
      %dma_start3A_151 = tpu.memref_slice %arg2[%dma_start3A_149, %dma_start3A_150] : memref<10000x64xf32, #tpu.memory_space<hbm>> -> memref<10000x64xf32, #tpu.memory_space<hbm>>
      tpu.enqueue_indirect_dma source(%dma_start3A_151 : memref<10000x64xf32, #tpu.memory_space<hbm>>) target(%arg13 : memref<80x64xf32, #tpu.memory_space<vmem>>) offsets(%dma_start3A_148 : memref<80xi32, #tpu.memory_space<vmem>>) semaphore(%arg24 : memref<!tpu.dma_semaphore, #tpu.memory_space<semaphore_mem>>)
    } else {
    }
    %eq3A_46 = arith.constant 1 : i32
    %eq3A_47 = arith.cmpi eq, %arg0, %eq3A_46 : i32
    %convert_element_type3A_48 = arith.extui %eq3A_47 : i1 to i32
    %cond3A_49 = arith.constant 0 : i32
    %cond3A_50 = arith.cmpi ne, %convert_element_type3A_48, %cond3A_49 : i32
    scf.if %cond3A_50 {
      %dma_start3A_147 = arith.constant 160 : i32
      %dma_start3A_148 = tpu.memref_slice %arg10[%dma_start3A_147] : memref<20000xi32, #tpu.memory_space<vmem>> -> memref<80xi32, #tpu.memory_space<vmem>>
      %dma_start3A_149 = arith.constant 0 : i32
      %dma_start3A_150 = arith.constant 0 : i32
      %dma_start3A_151 = tpu.memref_slice %arg3[%dma_start3A_149, %dma_start3A_150] : memref<10000x64xf32, #tpu.memory_space<hbm>> -> memref<10000x64xf32, #tpu.memory_space<hbm>>
      tpu.enqueue_indirect_dma source(%dma_start3A_151 : memref<10000x64xf32, #tpu.memory_space<hbm>>) target(%arg13 : memref<80x64xf32, #tpu.memory_space<vmem>>) offsets(%dma_start3A_148 : memref<80xi32, #tpu.memory_space<vmem>>) semaphore(%arg24 : memref<!tpu.dma_semaphore, #tpu.memory_space<semaphore_mem>>)
    } else {
    }
    %eq3A_51 = arith.constant 0 : i32
    %eq3A_52 = arith.cmpi eq, %arg0, %eq3A_51 : i32
    %convert_element_type3A_53 = arith.extui %eq3A_52 : i1 to i32
    %cond3A_54 = arith.constant 0 : i32
    %cond3A_55 = arith.cmpi ne, %convert_element_type3A_53, %cond3A_54 : i32
    scf.if %cond3A_55 {
      %dma_start3A_147 = arith.constant 240 : i32
      %dma_start3A_148 = tpu.memref_slice %arg10[%dma_start3A_147] : memref<20000xi32, #tpu.memory_space<vmem>> -> memref<80xi32, #tpu.memory_space<vmem>>
      %dma_start3A_149 = arith.constant 0 : i32
      %dma_start3A_150 = arith.constant 0 : i32
      %dma_start3A_151 = tpu.memref_slice %arg2[%dma_start3A_149, %dma_start3A_150] : memref<10000x64xf32, #tpu.memory_space<hbm>> -> memref<10000x64xf32, #tpu.memory_space<hbm>>
      tpu.enqueue_indirect_dma source(%dma_start3A_151 : memref<10000x64xf32, #tpu.memory_space<hbm>>) target(%arg14 : memref<80x64xf32, #tpu.memory_space<vmem>>) offsets(%dma_start3A_148 : memref<80xi32, #tpu.memory_space<vmem>>) semaphore(%arg25 : memref<!tpu.dma_semaphore, #tpu.memory_space<semaphore_mem>>)
    } else {
    }
    %eq3A_56 = arith.constant 1 : i32
    %eq3A_57 = arith.cmpi eq, %arg0, %eq3A_56 : i32
    %convert_element_type3A_58 = arith.extui %eq3A_57 : i1 to i32
    %cond3A_59 = arith.constant 0 : i32
    %cond3A_60 = arith.cmpi ne, %convert_element_type3A_58, %cond3A_59 : i32
    scf.if %cond3A_60 {
      %dma_start3A_147 = arith.constant 240 : i32
      %dma_start3A_148 = tpu.memref_slice %arg10[%dma_start3A_147] : memref<20000xi32, #tpu.memory_space<vmem>> -> memref<80xi32, #tpu.memory_space<vmem>>
      %dma_start3A_149 = arith.constant 0 : i32
      %dma_start3A_150 = arith.constant 0 : i32
      %dma_start3A_151 = tpu.memref_slice %arg3[%dma_start3A_149, %dma_start3A_150] : memref<10000x64xf32, #tpu.memory_space<hbm>> -> memref<10000x64xf32, #tpu.memory_space<hbm>>
      tpu.enqueue_indirect_dma source(%dma_start3A_151 : memref<10000x64xf32, #tpu.memory_space<hbm>>) target(%arg14 : memref<80x64xf32, #tpu.memory_space<vmem>>) offsets(%dma_start3A_148 : memref<80xi32, #tpu.memory_space<vmem>>) semaphore(%arg25 : memref<!tpu.dma_semaphore, #tpu.memory_space<semaphore_mem>>)
    } else {
    }
    %scan3A_61 = arith.constant 0 : i32
    %scan3A_62 = arith.constant 0 : i32
    %scan3A_63 = arith.constant 62 : i32
    %scan3A_64 = arith.addi %scan3A_62, %scan3A_63 : i32
    %scan3A_65 = arith.constant 1 : i32
    scf.for %scan3A_147 = %scan3A_62 to %scan3A_64 step %scan3A_65  : i32 {
      %mul3A_148 = arith.constant 4 : i32
      %mul3A_149 = arith.muli %scan3A_147, %mul3A_148 : i32
      %add3A_150 = arith.constant 0 : i32
      %add3A_151 = arith.addi %mul3A_149, %add3A_150 : i32
      %dma_wait3A_152 = arith.constant 0 : i32
      %dma_wait3A_153 = arith.constant 0 : i32
      %dma_wait3A_154 = tpu.memref_slice %arg2[%dma_wait3A_152, %dma_wait3A_153] : memref<10000x64xf32, #tpu.memory_space<hbm>> -> memref<80x64xf32, #tpu.memory_space<hbm>>
      %dma_wait3A_155 = arith.constant 0 : i32
      %dma_wait3A_156 = arith.constant 0 : i32
      %dma_wait3A_157 = tpu.memref_slice %arg2[%dma_wait3A_155, %dma_wait3A_156] : memref<10000x64xf32, #tpu.memory_space<hbm>> -> memref<80x64xf32, #tpu.memory_space<hbm>>
      tpu.wait_dma2 semaphore(%arg22 : memref<!tpu.dma_semaphore, #tpu.memory_space<semaphore_mem>>) src(%dma_wait3A_157 : memref<80x64xf32, #tpu.memory_space<hbm>>) dst(%arg11 : memref<80x64xf32, #tpu.memory_space<vmem>>)
      %ge3A = arith.constant 4 : i32
      %ge3A_158 = arith.cmpi sge, %add3A_151, %ge3A : i32
      %convert_element_type3A_159 = arith.extui %ge3A_158 : i1 to i32
      %cond3A_160 = arith.constant 0 : i32
      %cond3A_161 = arith.cmpi ne, %convert_element_type3A_159, %cond3A_160 : i32
      scf.if %cond3A_161 {
        %dma_wait3A_298 = arith.constant 0 : i32
        %dma_wait3A_299 = tpu.memref_slice %arg5[%dma_wait3A_298] : memref<320000xi32, #tpu.memory_space<hbm>> -> memref<80xi32, #tpu.memory_space<hbm>>
        %dma_wait3A_300 = arith.constant 0 : i32
        %dma_wait3A_301 = tpu.memref_slice %arg5[%dma_wait3A_300] : memref<320000xi32, #tpu.memory_space<hbm>> -> memref<80xi32, #tpu.memory_space<hbm>>
        tpu.wait_dma2 semaphore(%arg34 : memref<!tpu.dma_semaphore, #tpu.memory_space<semaphore_mem>>) src(%dma_wait3A_301 : memref<80xi32, #tpu.memory_space<hbm>>) dst(%arg15 : memref<80xi32, #tpu.memory_space<vmem>>)
      } else {
      }
      %ge3A_162 = arith.constant 1 : i32
      %ge3A_163 = arith.cmpi sge, %add3A_151, %ge3A_162 : i32
      %convert_element_type3A_164 = arith.extui %ge3A_163 : i1 to i32
      %cond3A_165 = arith.constant 0 : i32
      %cond3A_166 = arith.cmpi ne, %convert_element_type3A_164, %cond3A_165 : i32
      scf.if %cond3A_166 {
        %dma_wait3A_298 = arith.constant 0 : i32
        %dma_wait3A_299 = arith.constant 0 : i32
        %dma_wait3A_300 = tpu.memref_slice %arg20[%dma_wait3A_298, %dma_wait3A_299] : memref<10240x64xf32, #tpu.memory_space<vmem_shared>> -> memref<80x64xf32, #tpu.memory_space<vmem_shared>>
        %dma_wait3A_301 = arith.constant 0 : i32
        %dma_wait3A_302 = arith.constant 0 : i32
        %dma_wait3A_303 = tpu.memref_slice %arg20[%dma_wait3A_301, %dma_wait3A_302] : memref<10240x64xf32, #tpu.memory_space<vmem_shared>> -> memref<80x64xf32, #tpu.memory_space<vmem_shared>>
        tpu.wait_dma2 semaphore(%arg29 : memref<!tpu.dma_semaphore, #tpu.memory_space<semaphore_mem>>) src(%arg14 : memref<80x64xf32, #tpu.memory_space<vmem>>) dst(%dma_wait3A_303 : memref<80x64xf32, #tpu.memory_space<vmem_shared>>)
        %eq3A_304 = arith.constant 0 : i32
        %eq3A_305 = arith.cmpi eq, %arg0, %eq3A_304 : i32
        %convert_element_type3A_306 = arith.extui %eq3A_305 : i1 to i32
        %cond3A_307 = arith.constant 0 : i32
        %cond3A_308 = arith.cmpi ne, %convert_element_type3A_306, %cond3A_307 : i32
        scf.if %cond3A_308 {
          %dma_wait3A_309 = arith.constant 0 : i32
          %dma_wait3A_310 = tpu.memref_slice %arg21[%dma_wait3A_309] : memref<10240xf32, #tpu.memory_space<vmem_shared>> -> memref<80xf32, #tpu.memory_space<vmem_shared>>
          %dma_wait3A_311 = arith.constant 0 : i32
          %dma_wait3A_312 = tpu.memref_slice %arg21[%dma_wait3A_311] : memref<10240xf32, #tpu.memory_space<vmem_shared>> -> memref<80xf32, #tpu.memory_space<vmem_shared>>
          tpu.wait_dma2 semaphore(%arg33 : memref<!tpu.dma_semaphore, #tpu.memory_space<semaphore_mem>>) src(%arg19 : memref<80xf32, #tpu.memory_space<vmem>>) dst(%dma_wait3A_312 : memref<80xf32, #tpu.memory_space<vmem_shared>>)
        } else {
        }
      } else {
      }
      %dma_start3A_167 = arith.constant 0 : i32
      %dma_start3A_168 = arith.constant 0 : i32
      %dma_start3A_169 = tpu.memref_slice %arg20[%dma_start3A_167, %dma_start3A_168] : memref<10240x64xf32, #tpu.memory_space<vmem_shared>> -> memref<10240x64xf32, #tpu.memory_space<vmem_shared>>
      tpu.enqueue_indirect_dma source(%arg11 : memref<80x64xf32, #tpu.memory_space<vmem>>) target(%dma_start3A_169 : memref<10240x64xf32, #tpu.memory_space<vmem_shared>>) offsets(%arg15 : memref<80xi32, #tpu.memory_space<vmem>>) semaphore(%arg26 : memref<!tpu.dma_semaphore, #tpu.memory_space<semaphore_mem>>) {add = true}
      %eq3A_170 = arith.constant 0 : i32
      %eq3A_171 = arith.cmpi eq, %arg0, %eq3A_170 : i32
      %convert_element_type3A_172 = arith.extui %eq3A_171 : i1 to i32
      %cond3A_173 = arith.constant 0 : i32
      %cond3A_174 = arith.cmpi ne, %convert_element_type3A_172, %cond3A_173 : i32
      scf.if %cond3A_174 {
        %dma_start3A_298 = arith.constant 0 : i32
        %dma_start3A_299 = tpu.memref_slice %arg21[%dma_start3A_298] : memref<10240xf32, #tpu.memory_space<vmem_shared>> -> memref<10240xf32, #tpu.memory_space<vmem_shared>>
        tpu.enqueue_indirect_dma source(%arg19 : memref<80xf32, #tpu.memory_space<vmem>>) target(%dma_start3A_299 : memref<10240xf32, #tpu.memory_space<vmem_shared>>) offsets(%arg15 : memref<80xi32, #tpu.memory_space<vmem>>) semaphore(%arg30 : memref<!tpu.dma_semaphore, #tpu.memory_space<semaphore_mem>>) {add = true}
      } else {
      }
      %ge3A_175 = arith.constant 2 : i32
      %ge3A_176 = arith.cmpi sge, %add3A_151, %ge3A_175 : i32
      %add3A_177 = arith.constant 2 : i32
      %add3A_178 = arith.addi %add3A_151, %add3A_177 : i32
      %lt3A = arith.constant 250 : i32
      %lt3A_179 = arith.cmpi slt, %add3A_178, %lt3A : i32
      %and3A_180 = arith.andi %ge3A_176, %lt3A_179 : i1
      %convert_element_type3A_181 = arith.extui %and3A_180 : i1 to i32
      %cond3A_182 = arith.constant 0 : i32
      %cond3A_183 = arith.cmpi ne, %convert_element_type3A_181, %cond3A_182 : i32
      scf.if %cond3A_183 {
        %add3A_298 = arith.constant 2 : i32
        %add3A_299 = arith.addi %add3A_151, %add3A_298 : i32
        %mul3A_300 = arith.constant 80 : i32
        %mul3A_301 = arith.muli %add3A_299, %mul3A_300 : i32
        %add3A_302 = arith.addi %mul3A_4, %mul3A_301 : i32
        %dma_start3A_303 = tpu.memref_slice %arg5[%add3A_302] : memref<320000xi32, #tpu.memory_space<hbm>> -> memref<80xi32, #tpu.memory_space<hbm>>
        %dma_start3A_304 = tpu.memref_slice %arg5[%add3A_302] : memref<320000xi32, #tpu.memory_space<hbm>> -> memref<80xi32, #tpu.memory_space<hbm>>
        tpu.enqueue_dma source(%dma_start3A_304 : memref<80xi32, #tpu.memory_space<hbm>>) target(%arg17 : memref<80xi32, #tpu.memory_space<vmem>>) target_semaphore(%arg36 : memref<!tpu.dma_semaphore, #tpu.memory_space<semaphore_mem>>)
        %add3A_305 = arith.constant 2 : i32
        %add3A_306 = arith.addi %add3A_151, %add3A_305 : i32
        %mul3A_307 = arith.constant 80 : i32
        %mul3A_308 = arith.muli %add3A_306, %mul3A_307 : i32
        %eq3A_309 = arith.constant 0 : i32
        %eq3A_310 = arith.cmpi eq, %arg0, %eq3A_309 : i32
        %convert_element_type3A_311 = arith.extui %eq3A_310 : i1 to i32
        %cond3A_312 = arith.constant 0 : i32
        %cond3A_313 = arith.cmpi ne, %convert_element_type3A_311, %cond3A_312 : i32
        scf.if %cond3A_313 {
          %dma_start3A_319 = tpu.memref_slice %arg10[%mul3A_308] : memref<20000xi32, #tpu.memory_space<vmem>> -> memref<80xi32, #tpu.memory_space<vmem>>
          %dma_start3A_320 = arith.constant 0 : i32
          %dma_start3A_321 = arith.constant 0 : i32
          %dma_start3A_322 = tpu.memref_slice %arg2[%dma_start3A_320, %dma_start3A_321] : memref<10000x64xf32, #tpu.memory_space<hbm>> -> memref<10000x64xf32, #tpu.memory_space<hbm>>
          tpu.enqueue_indirect_dma source(%dma_start3A_322 : memref<10000x64xf32, #tpu.memory_space<hbm>>) target(%arg13 : memref<80x64xf32, #tpu.memory_space<vmem>>) offsets(%dma_start3A_319 : memref<80xi32, #tpu.memory_space<vmem>>) semaphore(%arg24 : memref<!tpu.dma_semaphore, #tpu.memory_space<semaphore_mem>>)
        } else {
        }
        %eq3A_314 = arith.constant 1 : i32
        %eq3A_315 = arith.cmpi eq, %arg0, %eq3A_314 : i32
        %convert_element_type3A_316 = arith.extui %eq3A_315 : i1 to i32
        %cond3A_317 = arith.constant 0 : i32
        %cond3A_318 = arith.cmpi ne, %convert_element_type3A_316, %cond3A_317 : i32
        scf.if %cond3A_318 {
          %dma_start3A_319 = tpu.memref_slice %arg10[%mul3A_308] : memref<20000xi32, #tpu.memory_space<vmem>> -> memref<80xi32, #tpu.memory_space<vmem>>
          %dma_start3A_320 = arith.constant 0 : i32
          %dma_start3A_321 = arith.constant 0 : i32
          %dma_start3A_322 = tpu.memref_slice %arg3[%dma_start3A_320, %dma_start3A_321] : memref<10000x64xf32, #tpu.memory_space<hbm>> -> memref<10000x64xf32, #tpu.memory_space<hbm>>
          tpu.enqueue_indirect_dma source(%dma_start3A_322 : memref<10000x64xf32, #tpu.memory_space<hbm>>) target(%arg13 : memref<80x64xf32, #tpu.memory_space<vmem>>) offsets(%dma_start3A_319 : memref<80xi32, #tpu.memory_space<vmem>>) semaphore(%arg24 : memref<!tpu.dma_semaphore, #tpu.memory_space<semaphore_mem>>)
        } else {
        }
      } else {
      }
      %mul3A_184 = arith.constant 4 : i32
      %mul3A_185 = arith.muli %scan3A_147, %mul3A_184 : i32
      %add3A_186 = arith.constant 1 : i32
      %add3A_187 = arith.addi %mul3A_185, %add3A_186 : i32
      %dma_wait3A_188 = arith.constant 0 : i32
      %dma_wait3A_189 = arith.constant 0 : i32
      %dma_wait3A_190 = tpu.memref_slice %arg2[%dma_wait3A_188, %dma_wait3A_189] : memref<10000x64xf32, #tpu.memory_space<hbm>> -> memref<80x64xf32, #tpu.memory_space<hbm>>
      %dma_wait3A_191 = arith.constant 0 : i32
      %dma_wait3A_192 = arith.constant 0 : i32
      %dma_wait3A_193 = tpu.memref_slice %arg2[%dma_wait3A_191, %dma_wait3A_192] : memref<10000x64xf32, #tpu.memory_space<hbm>> -> memref<80x64xf32, #tpu.memory_space<hbm>>
      tpu.wait_dma2 semaphore(%arg23 : memref<!tpu.dma_semaphore, #tpu.memory_space<semaphore_mem>>) src(%dma_wait3A_193 : memref<80x64xf32, #tpu.memory_space<hbm>>) dst(%arg12 : memref<80x64xf32, #tpu.memory_space<vmem>>)
      %ge3A_194 = arith.constant 4 : i32
      %ge3A_195 = arith.cmpi sge, %add3A_187, %ge3A_194 : i32
      %convert_element_type3A_196 = arith.extui %ge3A_195 : i1 to i32
      %cond3A_197 = arith.constant 0 : i32
      %cond3A_198 = arith.cmpi ne, %convert_element_type3A_196, %cond3A_197 : i32
      scf.if %cond3A_198 {
        %dma_wait3A_298 = arith.constant 0 : i32
        %dma_wait3A_299 = tpu.memref_slice %arg5[%dma_wait3A_298] : memref<320000xi32, #tpu.memory_space<hbm>> -> memref<80xi32, #tpu.memory_space<hbm>>
        %dma_wait3A_300 = arith.constant 0 : i32
        %dma_wait3A_301 = tpu.memref_slice %arg5[%dma_wait3A_300] : memref<320000xi32, #tpu.memory_space<hbm>> -> memref<80xi32, #tpu.memory_space<hbm>>
        tpu.wait_dma2 semaphore(%arg35 : memref<!tpu.dma_semaphore, #tpu.memory_space<semaphore_mem>>) src(%dma_wait3A_301 : memref<80xi32, #tpu.memory_space<hbm>>) dst(%arg16 : memref<80xi32, #tpu.memory_space<vmem>>)
      } else {
      }
      %ge3A_199 = arith.constant 1 : i32
      %ge3A_200 = arith.cmpi sge, %add3A_187, %ge3A_199 : i32
      %convert_element_type3A_201 = arith.extui %ge3A_200 : i1 to i32
      %cond3A_202 = arith.constant 0 : i32
      %cond3A_203 = arith.cmpi ne, %convert_element_type3A_201, %cond3A_202 : i32
      scf.if %cond3A_203 {
        %dma_wait3A_298 = arith.constant 0 : i32
        %dma_wait3A_299 = arith.constant 0 : i32
        %dma_wait3A_300 = tpu.memref_slice %arg20[%dma_wait3A_298, %dma_wait3A_299] : memref<10240x64xf32, #tpu.memory_space<vmem_shared>> -> memref<80x64xf32, #tpu.memory_space<vmem_shared>>
        %dma_wait3A_301 = arith.constant 0 : i32
        %dma_wait3A_302 = arith.constant 0 : i32
        %dma_wait3A_303 = tpu.memref_slice %arg20[%dma_wait3A_301, %dma_wait3A_302] : memref<10240x64xf32, #tpu.memory_space<vmem_shared>> -> memref<80x64xf32, #tpu.memory_space<vmem_shared>>
        tpu.wait_dma2 semaphore(%arg26 : memref<!tpu.dma_semaphore, #tpu.memory_space<semaphore_mem>>) src(%arg11 : memref<80x64xf32, #tpu.memory_space<vmem>>) dst(%dma_wait3A_303 : memref<80x64xf32, #tpu.memory_space<vmem_shared>>)
        %eq3A_304 = arith.constant 0 : i32
        %eq3A_305 = arith.cmpi eq, %arg0, %eq3A_304 : i32
        %convert_element_type3A_306 = arith.extui %eq3A_305 : i1 to i32
        %cond3A_307 = arith.constant 0 : i32
        %cond3A_308 = arith.cmpi ne, %convert_element_type3A_306, %cond3A_307 : i32
        scf.if %cond3A_308 {
          %dma_wait3A_309 = arith.constant 0 : i32
          %dma_wait3A_310 = tpu.memref_slice %arg21[%dma_wait3A_309] : memref<10240xf32, #tpu.memory_space<vmem_shared>> -> memref<80xf32, #tpu.memory_space<vmem_shared>>
          %dma_wait3A_311 = arith.constant 0 : i32
          %dma_wait3A_312 = tpu.memref_slice %arg21[%dma_wait3A_311] : memref<10240xf32, #tpu.memory_space<vmem_shared>> -> memref<80xf32, #tpu.memory_space<vmem_shared>>
          tpu.wait_dma2 semaphore(%arg30 : memref<!tpu.dma_semaphore, #tpu.memory_space<semaphore_mem>>) src(%arg19 : memref<80xf32, #tpu.memory_space<vmem>>) dst(%dma_wait3A_312 : memref<80xf32, #tpu.memory_space<vmem_shared>>)
        } else {
        }
      } else {
      }
      %dma_start3A_204 = arith.constant 0 : i32
      %dma_start3A_205 = arith.constant 0 : i32
      %dma_start3A_206 = tpu.memref_slice %arg20[%dma_start3A_204, %dma_start3A_205] : memref<10240x64xf32, #tpu.memory_space<vmem_shared>> -> memref<10240x64xf32, #tpu.memory_space<vmem_shared>>
      tpu.enqueue_indirect_dma source(%arg12 : memref<80x64xf32, #tpu.memory_space<vmem>>) target(%dma_start3A_206 : memref<10240x64xf32, #tpu.memory_space<vmem_shared>>) offsets(%arg16 : memref<80xi32, #tpu.memory_space<vmem>>) semaphore(%arg27 : memref<!tpu.dma_semaphore, #tpu.memory_space<semaphore_mem>>) {add = true}
      %eq3A_207 = arith.constant 0 : i32
      %eq3A_208 = arith.cmpi eq, %arg0, %eq3A_207 : i32
      %convert_element_type3A_209 = arith.extui %eq3A_208 : i1 to i32
      %cond3A_210 = arith.constant 0 : i32
      %cond3A_211 = arith.cmpi ne, %convert_element_type3A_209, %cond3A_210 : i32
      scf.if %cond3A_211 {
        %dma_start3A_298 = arith.constant 0 : i32
        %dma_start3A_299 = tpu.memref_slice %arg21[%dma_start3A_298] : memref<10240xf32, #tpu.memory_space<vmem_shared>> -> memref<10240xf32, #tpu.memory_space<vmem_shared>>
        tpu.enqueue_indirect_dma source(%arg19 : memref<80xf32, #tpu.memory_space<vmem>>) target(%dma_start3A_299 : memref<10240xf32, #tpu.memory_space<vmem_shared>>) offsets(%arg16 : memref<80xi32, #tpu.memory_space<vmem>>) semaphore(%arg31 : memref<!tpu.dma_semaphore, #tpu.memory_space<semaphore_mem>>) {add = true}
      } else {
      }
      %ge3A_212 = arith.constant 2 : i32
      %ge3A_213 = arith.cmpi sge, %add3A_187, %ge3A_212 : i32
      %add3A_214 = arith.constant 2 : i32
      %add3A_215 = arith.addi %add3A_187, %add3A_214 : i32
      %lt3A_216 = arith.constant 250 : i32
      %lt3A_217 = arith.cmpi slt, %add3A_215, %lt3A_216 : i32
      %and3A_218 = arith.andi %ge3A_213, %lt3A_217 : i1
      %convert_element_type3A_219 = arith.extui %and3A_218 : i1 to i32
      %cond3A_220 = arith.constant 0 : i32
      %cond3A_221 = arith.cmpi ne, %convert_element_type3A_219, %cond3A_220 : i32
      scf.if %cond3A_221 {
        %add3A_298 = arith.constant 2 : i32
        %add3A_299 = arith.addi %add3A_187, %add3A_298 : i32
        %mul3A_300 = arith.constant 80 : i32
        %mul3A_301 = arith.muli %add3A_299, %mul3A_300 : i32
        %add3A_302 = arith.addi %mul3A_4, %mul3A_301 : i32
        %dma_start3A_303 = tpu.memref_slice %arg5[%add3A_302] : memref<320000xi32, #tpu.memory_space<hbm>> -> memref<80xi32, #tpu.memory_space<hbm>>
        %dma_start3A_304 = tpu.memref_slice %arg5[%add3A_302] : memref<320000xi32, #tpu.memory_space<hbm>> -> memref<80xi32, #tpu.memory_space<hbm>>
        tpu.enqueue_dma source(%dma_start3A_304 : memref<80xi32, #tpu.memory_space<hbm>>) target(%arg18 : memref<80xi32, #tpu.memory_space<vmem>>) target_semaphore(%arg37 : memref<!tpu.dma_semaphore, #tpu.memory_space<semaphore_mem>>)
        %add3A_305 = arith.constant 2 : i32
        %add3A_306 = arith.addi %add3A_187, %add3A_305 : i32
        %mul3A_307 = arith.constant 80 : i32
        %mul3A_308 = arith.muli %add3A_306, %mul3A_307 : i32
        %eq3A_309 = arith.constant 0 : i32
        %eq3A_310 = arith.cmpi eq, %arg0, %eq3A_309 : i32
        %convert_element_type3A_311 = arith.extui %eq3A_310 : i1 to i32
        %cond3A_312 = arith.constant 0 : i32
        %cond3A_313 = arith.cmpi ne, %convert_element_type3A_311, %cond3A_312 : i32
        scf.if %cond3A_313 {
          %dma_start3A_319 = tpu.memref_slice %arg10[%mul3A_308] : memref<20000xi32, #tpu.memory_space<vmem>> -> memref<80xi32, #tpu.memory_space<vmem>>
          %dma_start3A_320 = arith.constant 0 : i32
          %dma_start3A_321 = arith.constant 0 : i32
          %dma_start3A_322 = tpu.memref_slice %arg2[%dma_start3A_320, %dma_start3A_321] : memref<10000x64xf32, #tpu.memory_space<hbm>> -> memref<10000x64xf32, #tpu.memory_space<hbm>>
          tpu.enqueue_indirect_dma source(%dma_start3A_322 : memref<10000x64xf32, #tpu.memory_space<hbm>>) target(%arg14 : memref<80x64xf32, #tpu.memory_space<vmem>>) offsets(%dma_start3A_319 : memref<80xi32, #tpu.memory_space<vmem>>) semaphore(%arg25 : memref<!tpu.dma_semaphore, #tpu.memory_space<semaphore_mem>>)
        } else {
        }
        %eq3A_314 = arith.constant 1 : i32
        %eq3A_315 = arith.cmpi eq, %arg0, %eq3A_314 : i32
        %convert_element_type3A_316 = arith.extui %eq3A_315 : i1 to i32
        %cond3A_317 = arith.constant 0 : i32
        %cond3A_318 = arith.cmpi ne, %convert_element_type3A_316, %cond3A_317 : i32
        scf.if %cond3A_318 {
          %dma_start3A_319 = tpu.memref_slice %arg10[%mul3A_308] : memref<20000xi32, #tpu.memory_space<vmem>> -> memref<80xi32, #tpu.memory_space<vmem>>
          %dma_start3A_320 = arith.constant 0 : i32
          %dma_start3A_321 = arith.constant 0 : i32
          %dma_start3A_322 = tpu.memref_slice %arg3[%dma_start3A_320, %dma_start3A_321] : memref<10000x64xf32, #tpu.memory_space<hbm>> -> memref<10000x64xf32, #tpu.memory_space<hbm>>
          tpu.enqueue_indirect_dma source(%dma_start3A_322 : memref<10000x64xf32, #tpu.memory_space<hbm>>) target(%arg14 : memref<80x64xf32, #tpu.memory_space<vmem>>) offsets(%dma_start3A_319 : memref<80xi32, #tpu.memory_space<vmem>>) semaphore(%arg25 : memref<!tpu.dma_semaphore, #tpu.memory_space<semaphore_mem>>)
        } else {
        }
      } else {
      }
      %mul3A_222 = arith.constant 4 : i32
      %mul3A_223 = arith.muli %scan3A_147, %mul3A_222 : i32
      %add3A_224 = arith.constant 2 : i32
      %add3A_225 = arith.addi %mul3A_223, %add3A_224 : i32
      %dma_wait3A_226 = arith.constant 0 : i32
      %dma_wait3A_227 = arith.constant 0 : i32
      %dma_wait3A_228 = tpu.memref_slice %arg2[%dma_wait3A_226, %dma_wait3A_227] : memref<10000x64xf32, #tpu.memory_space<hbm>> -> memref<80x64xf32, #tpu.memory_space<hbm>>
      %dma_wait3A_229 = arith.constant 0 : i32
      %dma_wait3A_230 = arith.constant 0 : i32
      %dma_wait3A_231 = tpu.memref_slice %arg2[%dma_wait3A_229, %dma_wait3A_230] : memref<10000x64xf32, #tpu.memory_space<hbm>> -> memref<80x64xf32, #tpu.memory_space<hbm>>
      tpu.wait_dma2 semaphore(%arg24 : memref<!tpu.dma_semaphore, #tpu.memory_space<semaphore_mem>>) src(%dma_wait3A_231 : memref<80x64xf32, #tpu.memory_space<hbm>>) dst(%arg13 : memref<80x64xf32, #tpu.memory_space<vmem>>)
      %ge3A_232 = arith.constant 4 : i32
      %ge3A_233 = arith.cmpi sge, %add3A_225, %ge3A_232 : i32
      %convert_element_type3A_234 = arith.extui %ge3A_233 : i1 to i32
      %cond3A_235 = arith.constant 0 : i32
      %cond3A_236 = arith.cmpi ne, %convert_element_type3A_234, %cond3A_235 : i32
      scf.if %cond3A_236 {
        %dma_wait3A_298 = arith.constant 0 : i32
        %dma_wait3A_299 = tpu.memref_slice %arg5[%dma_wait3A_298] : memref<320000xi32, #tpu.memory_space<hbm>> -> memref<80xi32, #tpu.memory_space<hbm>>
        %dma_wait3A_300 = arith.constant 0 : i32
        %dma_wait3A_301 = tpu.memref_slice %arg5[%dma_wait3A_300] : memref<320000xi32, #tpu.memory_space<hbm>> -> memref<80xi32, #tpu.memory_space<hbm>>
        tpu.wait_dma2 semaphore(%arg36 : memref<!tpu.dma_semaphore, #tpu.memory_space<semaphore_mem>>) src(%dma_wait3A_301 : memref<80xi32, #tpu.memory_space<hbm>>) dst(%arg17 : memref<80xi32, #tpu.memory_space<vmem>>)
      } else {
      }
      %ge3A_237 = arith.constant 1 : i32
      %ge3A_238 = arith.cmpi sge, %add3A_225, %ge3A_237 : i32
      %convert_element_type3A_239 = arith.extui %ge3A_238 : i1 to i32
      %cond3A_240 = arith.constant 0 : i32
      %cond3A_241 = arith.cmpi ne, %convert_element_type3A_239, %cond3A_240 : i32
      scf.if %cond3A_241 {
        %dma_wait3A_298 = arith.constant 0 : i32
        %dma_wait3A_299 = arith.constant 0 : i32
        %dma_wait3A_300 = tpu.memref_slice %arg20[%dma_wait3A_298, %dma_wait3A_299] : memref<10240x64xf32, #tpu.memory_space<vmem_shared>> -> memref<80x64xf32, #tpu.memory_space<vmem_shared>>
        %dma_wait3A_301 = arith.constant 0 : i32
        %dma_wait3A_302 = arith.constant 0 : i32
        %dma_wait3A_303 = tpu.memref_slice %arg20[%dma_wait3A_301, %dma_wait3A_302] : memref<10240x64xf32, #tpu.memory_space<vmem_shared>> -> memref<80x64xf32, #tpu.memory_space<vmem_shared>>
        tpu.wait_dma2 semaphore(%arg27 : memref<!tpu.dma_semaphore, #tpu.memory_space<semaphore_mem>>) src(%arg12 : memref<80x64xf32, #tpu.memory_space<vmem>>) dst(%dma_wait3A_303 : memref<80x64xf32, #tpu.memory_space<vmem_shared>>)
        %eq3A_304 = arith.constant 0 : i32
        %eq3A_305 = arith.cmpi eq, %arg0, %eq3A_304 : i32
        %convert_element_type3A_306 = arith.extui %eq3A_305 : i1 to i32
        %cond3A_307 = arith.constant 0 : i32
        %cond3A_308 = arith.cmpi ne, %convert_element_type3A_306, %cond3A_307 : i32
        scf.if %cond3A_308 {
          %dma_wait3A_309 = arith.constant 0 : i32
          %dma_wait3A_310 = tpu.memref_slice %arg21[%dma_wait3A_309] : memref<10240xf32, #tpu.memory_space<vmem_shared>> -> memref<80xf32, #tpu.memory_space<vmem_shared>>
          %dma_wait3A_311 = arith.constant 0 : i32
          %dma_wait3A_312 = tpu.memref_slice %arg21[%dma_wait3A_311] : memref<10240xf32, #tpu.memory_space<vmem_shared>> -> memref<80xf32, #tpu.memory_space<vmem_shared>>
          tpu.wait_dma2 semaphore(%arg31 : memref<!tpu.dma_semaphore, #tpu.memory_space<semaphore_mem>>) src(%arg19 : memref<80xf32, #tpu.memory_space<vmem>>) dst(%dma_wait3A_312 : memref<80xf32, #tpu.memory_space<vmem_shared>>)
        } else {
        }
      } else {
      }
      %dma_start3A_242 = arith.constant 0 : i32
      %dma_start3A_243 = arith.constant 0 : i32
      %dma_start3A_244 = tpu.memref_slice %arg20[%dma_start3A_242, %dma_start3A_243] : memref<10240x64xf32, #tpu.memory_space<vmem_shared>> -> memref<10240x64xf32, #tpu.memory_space<vmem_shared>>
      tpu.enqueue_indirect_dma source(%arg13 : memref<80x64xf32, #tpu.memory_space<vmem>>) target(%dma_start3A_244 : memref<10240x64xf32, #tpu.memory_space<vmem_shared>>) offsets(%arg17 : memref<80xi32, #tpu.memory_space<vmem>>) semaphore(%arg28 : memref<!tpu.dma_semaphore, #tpu.memory_space<semaphore_mem>>) {add = true}
      %eq3A_245 = arith.constant 0 : i32
      %eq3A_246 = arith.cmpi eq, %arg0, %eq3A_245 : i32
      %convert_element_type3A_247 = arith.extui %eq3A_246 : i1 to i32
      %cond3A_248 = arith.constant 0 : i32
      %cond3A_249 = arith.cmpi ne, %convert_element_type3A_247, %cond3A_248 : i32
      scf.if %cond3A_249 {
        %dma_start3A_298 = arith.constant 0 : i32
        %dma_start3A_299 = tpu.memref_slice %arg21[%dma_start3A_298] : memref<10240xf32, #tpu.memory_space<vmem_shared>> -> memref<10240xf32, #tpu.memory_space<vmem_shared>>
        tpu.enqueue_indirect_dma source(%arg19 : memref<80xf32, #tpu.memory_space<vmem>>) target(%dma_start3A_299 : memref<10240xf32, #tpu.memory_space<vmem_shared>>) offsets(%arg17 : memref<80xi32, #tpu.memory_space<vmem>>) semaphore(%arg32 : memref<!tpu.dma_semaphore, #tpu.memory_space<semaphore_mem>>) {add = true}
      } else {
      }
      %ge3A_250 = arith.constant 2 : i32
      %ge3A_251 = arith.cmpi sge, %add3A_225, %ge3A_250 : i32
      %add3A_252 = arith.constant 2 : i32
      %add3A_253 = arith.addi %add3A_225, %add3A_252 : i32
      %lt3A_254 = arith.constant 250 : i32
      %lt3A_255 = arith.cmpi slt, %add3A_253, %lt3A_254 : i32
      %and3A_256 = arith.andi %ge3A_251, %lt3A_255 : i1
      %convert_element_type3A_257 = arith.extui %and3A_256 : i1 to i32
      %cond3A_258 = arith.constant 0 : i32
      %cond3A_259 = arith.cmpi ne, %convert_element_type3A_257, %cond3A_258 : i32
      scf.if %cond3A_259 {
        %add3A_298 = arith.constant 2 : i32
        %add3A_299 = arith.addi %add3A_225, %add3A_298 : i32
        %mul3A_300 = arith.constant 80 : i32
        %mul3A_301 = arith.muli %add3A_299, %mul3A_300 : i32
        %add3A_302 = arith.addi %mul3A_4, %mul3A_301 : i32
        %dma_start3A_303 = tpu.memref_slice %arg5[%add3A_302] : memref<320000xi32, #tpu.memory_space<hbm>> -> memref<80xi32, #tpu.memory_space<hbm>>
        %dma_start3A_304 = tpu.memref_slice %arg5[%add3A_302] : memref<320000xi32, #tpu.memory_space<hbm>> -> memref<80xi32, #tpu.memory_space<hbm>>
        tpu.enqueue_dma source(%dma_start3A_304 : memref<80xi32, #tpu.memory_space<hbm>>) target(%arg15 : memref<80xi32, #tpu.memory_space<vmem>>) target_semaphore(%arg34 : memref<!tpu.dma_semaphore, #tpu.memory_space<semaphore_mem>>)
        %add3A_305 = arith.constant 2 : i32
        %add3A_306 = arith.addi %add3A_225, %add3A_305 : i32
        %mul3A_307 = arith.constant 80 : i32
        %mul3A_308 = arith.muli %add3A_306, %mul3A_307 : i32
        %eq3A_309 = arith.constant 0 : i32
        %eq3A_310 = arith.cmpi eq, %arg0, %eq3A_309 : i32
        %convert_element_type3A_311 = arith.extui %eq3A_310 : i1 to i32
        %cond3A_312 = arith.constant 0 : i32
        %cond3A_313 = arith.cmpi ne, %convert_element_type3A_311, %cond3A_312 : i32
        scf.if %cond3A_313 {
          %dma_start3A_319 = tpu.memref_slice %arg10[%mul3A_308] : memref<20000xi32, #tpu.memory_space<vmem>> -> memref<80xi32, #tpu.memory_space<vmem>>
          %dma_start3A_320 = arith.constant 0 : i32
          %dma_start3A_321 = arith.constant 0 : i32
          %dma_start3A_322 = tpu.memref_slice %arg2[%dma_start3A_320, %dma_start3A_321] : memref<10000x64xf32, #tpu.memory_space<hbm>> -> memref<10000x64xf32, #tpu.memory_space<hbm>>
          tpu.enqueue_indirect_dma source(%dma_start3A_322 : memref<10000x64xf32, #tpu.memory_space<hbm>>) target(%arg11 : memref<80x64xf32, #tpu.memory_space<vmem>>) offsets(%dma_start3A_319 : memref<80xi32, #tpu.memory_space<vmem>>) semaphore(%arg22 : memref<!tpu.dma_semaphore, #tpu.memory_space<semaphore_mem>>)
        } else {
        }
        %eq3A_314 = arith.constant 1 : i32
        %eq3A_315 = arith.cmpi eq, %arg0, %eq3A_314 : i32
        %convert_element_type3A_316 = arith.extui %eq3A_315 : i1 to i32
        %cond3A_317 = arith.constant 0 : i32
        %cond3A_318 = arith.cmpi ne, %convert_element_type3A_316, %cond3A_317 : i32
        scf.if %cond3A_318 {
          %dma_start3A_319 = tpu.memref_slice %arg10[%mul3A_308] : memref<20000xi32, #tpu.memory_space<vmem>> -> memref<80xi32, #tpu.memory_space<vmem>>
          %dma_start3A_320 = arith.constant 0 : i32
          %dma_start3A_321 = arith.constant 0 : i32
          %dma_start3A_322 = tpu.memref_slice %arg3[%dma_start3A_320, %dma_start3A_321] : memref<10000x64xf32, #tpu.memory_space<hbm>> -> memref<10000x64xf32, #tpu.memory_space<hbm>>
          tpu.enqueue_indirect_dma source(%dma_start3A_322 : memref<10000x64xf32, #tpu.memory_space<hbm>>) target(%arg11 : memref<80x64xf32, #tpu.memory_space<vmem>>) offsets(%dma_start3A_319 : memref<80xi32, #tpu.memory_space<vmem>>) semaphore(%arg22 : memref<!tpu.dma_semaphore, #tpu.memory_space<semaphore_mem>>)
        } else {
        }
      } else {
      }
      %mul3A_260 = arith.constant 4 : i32
      %mul3A_261 = arith.muli %scan3A_147, %mul3A_260 : i32
      %add3A_262 = arith.constant 3 : i32
      %add3A_263 = arith.addi %mul3A_261, %add3A_262 : i32
      %dma_wait3A_264 = arith.constant 0 : i32
      %dma_wait3A_265 = arith.constant 0 : i32
      %dma_wait3A_266 = tpu.memref_slice %arg2[%dma_wait3A_264, %dma_wait3A_265] : memref<10000x64xf32, #tpu.memory_space<hbm>> -> memref<80x64xf32, #tpu.memory_space<hbm>>
      %dma_wait3A_267 = arith.constant 0 : i32
      %dma_wait3A_268 = arith.constant 0 : i32
      %dma_wait3A_269 = tpu.memref_slice %arg2[%dma_wait3A_267, %dma_wait3A_268] : memref<10000x64xf32, #tpu.memory_space<hbm>> -> memref<80x64xf32, #tpu.memory_space<hbm>>
      tpu.wait_dma2 semaphore(%arg25 : memref<!tpu.dma_semaphore, #tpu.memory_space<semaphore_mem>>) src(%dma_wait3A_269 : memref<80x64xf32, #tpu.memory_space<hbm>>) dst(%arg14 : memref<80x64xf32, #tpu.memory_space<vmem>>)
      %ge3A_270 = arith.constant 4 : i32
      %ge3A_271 = arith.cmpi sge, %add3A_263, %ge3A_270 : i32
      %convert_element_type3A_272 = arith.extui %ge3A_271 : i1 to i32
      %cond3A_273 = arith.constant 0 : i32
      %cond3A_274 = arith.cmpi ne, %convert_element_type3A_272, %cond3A_273 : i32
      scf.if %cond3A_274 {
        %dma_wait3A_298 = arith.constant 0 : i32
        %dma_wait3A_299 = tpu.memref_slice %arg5[%dma_wait3A_298] : memref<320000xi32, #tpu.memory_space<hbm>> -> memref<80xi32, #tpu.memory_space<hbm>>
        %dma_wait3A_300 = arith.constant 0 : i32
        %dma_wait3A_301 = tpu.memref_slice %arg5[%dma_wait3A_300] : memref<320000xi32, #tpu.memory_space<hbm>> -> memref<80xi32, #tpu.memory_space<hbm>>
        tpu.wait_dma2 semaphore(%arg37 : memref<!tpu.dma_semaphore, #tpu.memory_space<semaphore_mem>>) src(%dma_wait3A_301 : memref<80xi32, #tpu.memory_space<hbm>>) dst(%arg18 : memref<80xi32, #tpu.memory_space<vmem>>)
      } else {
      }
      %ge3A_275 = arith.constant 1 : i32
      %ge3A_276 = arith.cmpi sge, %add3A_263, %ge3A_275 : i32
      %convert_element_type3A_277 = arith.extui %ge3A_276 : i1 to i32
      %cond3A_278 = arith.constant 0 : i32
      %cond3A_279 = arith.cmpi ne, %convert_element_type3A_277, %cond3A_278 : i32
      scf.if %cond3A_279 {
        %dma_wait3A_298 = arith.constant 0 : i32
        %dma_wait3A_299 = arith.constant 0 : i32
        %dma_wait3A_300 = tpu.memref_slice %arg20[%dma_wait3A_298, %dma_wait3A_299] : memref<10240x64xf32, #tpu.memory_space<vmem_shared>> -> memref<80x64xf32, #tpu.memory_space<vmem_shared>>
        %dma_wait3A_301 = arith.constant 0 : i32
        %dma_wait3A_302 = arith.constant 0 : i32
        %dma_wait3A_303 = tpu.memref_slice %arg20[%dma_wait3A_301, %dma_wait3A_302] : memref<10240x64xf32, #tpu.memory_space<vmem_shared>> -> memref<80x64xf32, #tpu.memory_space<vmem_shared>>
        tpu.wait_dma2 semaphore(%arg28 : memref<!tpu.dma_semaphore, #tpu.memory_space<semaphore_mem>>) src(%arg13 : memref<80x64xf32, #tpu.memory_space<vmem>>) dst(%dma_wait3A_303 : memref<80x64xf32, #tpu.memory_space<vmem_shared>>)
        %eq3A_304 = arith.constant 0 : i32
        %eq3A_305 = arith.cmpi eq, %arg0, %eq3A_304 : i32
        %convert_element_type3A_306 = arith.extui %eq3A_305 : i1 to i32
        %cond3A_307 = arith.constant 0 : i32
        %cond3A_308 = arith.cmpi ne, %convert_element_type3A_306, %cond3A_307 : i32
        scf.if %cond3A_308 {
          %dma_wait3A_309 = arith.constant 0 : i32
          %dma_wait3A_310 = tpu.memref_slice %arg21[%dma_wait3A_309] : memref<10240xf32, #tpu.memory_space<vmem_shared>> -> memref<80xf32, #tpu.memory_space<vmem_shared>>
          %dma_wait3A_311 = arith.constant 0 : i32
          %dma_wait3A_312 = tpu.memref_slice %arg21[%dma_wait3A_311] : memref<10240xf32, #tpu.memory_space<vmem_shared>> -> memref<80xf32, #tpu.memory_space<vmem_shared>>
          tpu.wait_dma2 semaphore(%arg32 : memref<!tpu.dma_semaphore, #tpu.memory_space<semaphore_mem>>) src(%arg19 : memref<80xf32, #tpu.memory_space<vmem>>) dst(%dma_wait3A_312 : memref<80xf32, #tpu.memory_space<vmem_shared>>)
        } else {
        }
      } else {
      }
      %dma_start3A_280 = arith.constant 0 : i32
      %dma_start3A_281 = arith.constant 0 : i32
      %dma_start3A_282 = tpu.memref_slice %arg20[%dma_start3A_280, %dma_start3A_281] : memref<10240x64xf32, #tpu.memory_space<vmem_shared>> -> memref<10240x64xf32, #tpu.memory_space<vmem_shared>>
      tpu.enqueue_indirect_dma source(%arg14 : memref<80x64xf32, #tpu.memory_space<vmem>>) target(%dma_start3A_282 : memref<10240x64xf32, #tpu.memory_space<vmem_shared>>) offsets(%arg18 : memref<80xi32, #tpu.memory_space<vmem>>) semaphore(%arg29 : memref<!tpu.dma_semaphore, #tpu.memory_space<semaphore_mem>>) {add = true}
      %eq3A_283 = arith.constant 0 : i32
      %eq3A_284 = arith.cmpi eq, %arg0, %eq3A_283 : i32
      %convert_element_type3A_285 = arith.extui %eq3A_284 : i1 to i32
      %cond3A_286 = arith.constant 0 : i32
      %cond3A_287 = arith.cmpi ne, %convert_element_type3A_285, %cond3A_286 : i32
      scf.if %cond3A_287 {
        %dma_start3A_298 = arith.constant 0 : i32
        %dma_start3A_299 = tpu.memref_slice %arg21[%dma_start3A_298] : memref<10240xf32, #tpu.memory_space<vmem_shared>> -> memref<10240xf32, #tpu.memory_space<vmem_shared>>
        tpu.enqueue_indirect_dma source(%arg19 : memref<80xf32, #tpu.memory_space<vmem>>) target(%dma_start3A_299 : memref<10240xf32, #tpu.memory_space<vmem_shared>>) offsets(%arg18 : memref<80xi32, #tpu.memory_space<vmem>>) semaphore(%arg33 : memref<!tpu.dma_semaphore, #tpu.memory_space<semaphore_mem>>) {add = true}
      } else {
      }
      %ge3A_288 = arith.constant 2 : i32
      %ge3A_289 = arith.cmpi sge, %add3A_263, %ge3A_288 : i32
      %add3A_290 = arith.constant 2 : i32
      %add3A_291 = arith.addi %add3A_263, %add3A_290 : i32
      %lt3A_292 = arith.constant 250 : i32
      %lt3A_293 = arith.cmpi slt, %add3A_291, %lt3A_292 : i32
      %and3A_294 = arith.andi %ge3A_289, %lt3A_293 : i1
      %convert_element_type3A_295 = arith.extui %and3A_294 : i1 to i32
      %cond3A_296 = arith.constant 0 : i32
      %cond3A_297 = arith.cmpi ne, %convert_element_type3A_295, %cond3A_296 : i32
      scf.if %cond3A_297 {
        %add3A_298 = arith.constant 2 : i32
        %add3A_299 = arith.addi %add3A_263, %add3A_298 : i32
        %mul3A_300 = arith.constant 80 : i32
        %mul3A_301 = arith.muli %add3A_299, %mul3A_300 : i32
        %add3A_302 = arith.addi %mul3A_4, %mul3A_301 : i32
        %dma_start3A_303 = tpu.memref_slice %arg5[%add3A_302] : memref<320000xi32, #tpu.memory_space<hbm>> -> memref<80xi32, #tpu.memory_space<hbm>>
        %dma_start3A_304 = tpu.memref_slice %arg5[%add3A_302] : memref<320000xi32, #tpu.memory_space<hbm>> -> memref<80xi32, #tpu.memory_space<hbm>>
        tpu.enqueue_dma source(%dma_start3A_304 : memref<80xi32, #tpu.memory_space<hbm>>) target(%arg16 : memref<80xi32, #tpu.memory_space<vmem>>) target_semaphore(%arg35 : memref<!tpu.dma_semaphore, #tpu.memory_space<semaphore_mem>>)
        %add3A_305 = arith.constant 2 : i32
        %add3A_306 = arith.addi %add3A_263, %add3A_305 : i32
        %mul3A_307 = arith.constant 80 : i32
        %mul3A_308 = arith.muli %add3A_306, %mul3A_307 : i32
        %eq3A_309 = arith.constant 0 : i32
        %eq3A_310 = arith.cmpi eq, %arg0, %eq3A_309 : i32
        %convert_element_type3A_311 = arith.extui %eq3A_310 : i1 to i32
        %cond3A_312 = arith.constant 0 : i32
        %cond3A_313 = arith.cmpi ne, %convert_element_type3A_311, %cond3A_312 : i32
        scf.if %cond3A_313 {
          %dma_start3A_319 = tpu.memref_slice %arg10[%mul3A_308] : memref<20000xi32, #tpu.memory_space<vmem>> -> memref<80xi32, #tpu.memory_space<vmem>>
          %dma_start3A_320 = arith.constant 0 : i32
          %dma_start3A_321 = arith.constant 0 : i32
          %dma_start3A_322 = tpu.memref_slice %arg2[%dma_start3A_320, %dma_start3A_321] : memref<10000x64xf32, #tpu.memory_space<hbm>> -> memref<10000x64xf32, #tpu.memory_space<hbm>>
          tpu.enqueue_indirect_dma source(%dma_start3A_322 : memref<10000x64xf32, #tpu.memory_space<hbm>>) target(%arg12 : memref<80x64xf32, #tpu.memory_space<vmem>>) offsets(%dma_start3A_319 : memref<80xi32, #tpu.memory_space<vmem>>) semaphore(%arg23 : memref<!tpu.dma_semaphore, #tpu.memory_space<semaphore_mem>>)
        } else {
        }
        %eq3A_314 = arith.constant 1 : i32
        %eq3A_315 = arith.cmpi eq, %arg0, %eq3A_314 : i32
        %convert_element_type3A_316 = arith.extui %eq3A_315 : i1 to i32
        %cond3A_317 = arith.constant 0 : i32
        %cond3A_318 = arith.cmpi ne, %convert_element_type3A_316, %cond3A_317 : i32
        scf.if %cond3A_318 {
          %dma_start3A_319 = tpu.memref_slice %arg10[%mul3A_308] : memref<20000xi32, #tpu.memory_space<vmem>> -> memref<80xi32, #tpu.memory_space<vmem>>
          %dma_start3A_320 = arith.constant 0 : i32
          %dma_start3A_321 = arith.constant 0 : i32
          %dma_start3A_322 = tpu.memref_slice %arg3[%dma_start3A_320, %dma_start3A_321] : memref<10000x64xf32, #tpu.memory_space<hbm>> -> memref<10000x64xf32, #tpu.memory_space<hbm>>
          tpu.enqueue_indirect_dma source(%dma_start3A_322 : memref<10000x64xf32, #tpu.memory_space<hbm>>) target(%arg12 : memref<80x64xf32, #tpu.memory_space<vmem>>) offsets(%dma_start3A_319 : memref<80xi32, #tpu.memory_space<vmem>>) semaphore(%arg23 : memref<!tpu.dma_semaphore, #tpu.memory_space<semaphore_mem>>)
        } else {
        }
      } else {
      }
    }
    %scan3A_66 = arith.constant 62 : i32
    %dma_wait3A = arith.constant 0 : i32
    %dma_wait3A_67 = arith.constant 0 : i32
    %dma_wait3A_68 = tpu.memref_slice %arg2[%dma_wait3A, %dma_wait3A_67] : memref<10000x64xf32, #tpu.memory_space<hbm>> -> memref<80x64xf32, #tpu.memory_space<hbm>>
    %dma_wait3A_69 = arith.constant 0 : i32
    %dma_wait3A_70 = arith.constant 0 : i32
    %dma_wait3A_71 = tpu.memref_slice %arg2[%dma_wait3A_69, %dma_wait3A_70] : memref<10000x64xf32, #tpu.memory_space<hbm>> -> memref<80x64xf32, #tpu.memory_space<hbm>>
    tpu.wait_dma2 semaphore(%arg22 : memref<!tpu.dma_semaphore, #tpu.memory_space<semaphore_mem>>) src(%dma_wait3A_71 : memref<80x64xf32, #tpu.memory_space<hbm>>) dst(%arg11 : memref<80x64xf32, #tpu.memory_space<vmem>>)
    %dma_wait3A_72 = arith.constant 0 : i32
    %dma_wait3A_73 = tpu.memref_slice %arg5[%dma_wait3A_72] : memref<320000xi32, #tpu.memory_space<hbm>> -> memref<80xi32, #tpu.memory_space<hbm>>
    %dma_wait3A_74 = arith.constant 0 : i32
    %dma_wait3A_75 = tpu.memref_slice %arg5[%dma_wait3A_74] : memref<320000xi32, #tpu.memory_space<hbm>> -> memref<80xi32, #tpu.memory_space<hbm>>
    tpu.wait_dma2 semaphore(%arg34 : memref<!tpu.dma_semaphore, #tpu.memory_space<semaphore_mem>>) src(%dma_wait3A_75 : memref<80xi32, #tpu.memory_space<hbm>>) dst(%arg15 : memref<80xi32, #tpu.memory_space<vmem>>)
    %dma_wait3A_76 = arith.constant 0 : i32
    %dma_wait3A_77 = arith.constant 0 : i32
    %dma_wait3A_78 = tpu.memref_slice %arg20[%dma_wait3A_76, %dma_wait3A_77] : memref<10240x64xf32, #tpu.memory_space<vmem_shared>> -> memref<80x64xf32, #tpu.memory_space<vmem_shared>>
    %dma_wait3A_79 = arith.constant 0 : i32
    %dma_wait3A_80 = arith.constant 0 : i32
    %dma_wait3A_81 = tpu.memref_slice %arg20[%dma_wait3A_79, %dma_wait3A_80] : memref<10240x64xf32, #tpu.memory_space<vmem_shared>> -> memref<80x64xf32, #tpu.memory_space<vmem_shared>>
    tpu.wait_dma2 semaphore(%arg29 : memref<!tpu.dma_semaphore, #tpu.memory_space<semaphore_mem>>) src(%arg14 : memref<80x64xf32, #tpu.memory_space<vmem>>) dst(%dma_wait3A_81 : memref<80x64xf32, #tpu.memory_space<vmem_shared>>)
    %eq3A_82 = arith.constant 0 : i32
    %eq3A_83 = arith.cmpi eq, %arg0, %eq3A_82 : i32
    %convert_element_type3A_84 = arith.extui %eq3A_83 : i1 to i32
    %cond3A_85 = arith.constant 0 : i32
    %cond3A_86 = arith.cmpi ne, %convert_element_type3A_84, %cond3A_85 : i32
    scf.if %cond3A_86 {
      %dma_wait3A_147 = arith.constant 0 : i32
      %dma_wait3A_148 = tpu.memref_slice %arg21[%dma_wait3A_147] : memref<10240xf32, #tpu.memory_space<vmem_shared>> -> memref<80xf32, #tpu.memory_space<vmem_shared>>
      %dma_wait3A_149 = arith.constant 0 : i32
      %dma_wait3A_150 = tpu.memref_slice %arg21[%dma_wait3A_149] : memref<10240xf32, #tpu.memory_space<vmem_shared>> -> memref<80xf32, #tpu.memory_space<vmem_shared>>
      tpu.wait_dma2 semaphore(%arg33 : memref<!tpu.dma_semaphore, #tpu.memory_space<semaphore_mem>>) src(%arg19 : memref<80xf32, #tpu.memory_space<vmem>>) dst(%dma_wait3A_150 : memref<80xf32, #tpu.memory_space<vmem_shared>>)
    } else {
    }
    %dma_start3A = arith.constant 0 : i32
    %dma_start3A_87 = arith.constant 0 : i32
    %dma_start3A_88 = tpu.memref_slice %arg20[%dma_start3A, %dma_start3A_87] : memref<10240x64xf32, #tpu.memory_space<vmem_shared>> -> memref<10240x64xf32, #tpu.memory_space<vmem_shared>>
    tpu.enqueue_indirect_dma source(%arg11 : memref<80x64xf32, #tpu.memory_space<vmem>>) target(%dma_start3A_88 : memref<10240x64xf32, #tpu.memory_space<vmem_shared>>) offsets(%arg15 : memref<80xi32, #tpu.memory_space<vmem>>) semaphore(%arg26 : memref<!tpu.dma_semaphore, #tpu.memory_space<semaphore_mem>>) {add = true}
    %eq3A_89 = arith.constant 0 : i32
    %eq3A_90 = arith.cmpi eq, %arg0, %eq3A_89 : i32
    %convert_element_type3A_91 = arith.extui %eq3A_90 : i1 to i32
    %cond3A_92 = arith.constant 0 : i32
    %cond3A_93 = arith.cmpi ne, %convert_element_type3A_91, %cond3A_92 : i32
    scf.if %cond3A_93 {
      %dma_start3A_147 = arith.constant 0 : i32
      %dma_start3A_148 = tpu.memref_slice %arg21[%dma_start3A_147] : memref<10240xf32, #tpu.memory_space<vmem_shared>> -> memref<10240xf32, #tpu.memory_space<vmem_shared>>
      tpu.enqueue_indirect_dma source(%arg19 : memref<80xf32, #tpu.memory_space<vmem>>) target(%dma_start3A_148 : memref<10240xf32, #tpu.memory_space<vmem_shared>>) offsets(%arg15 : memref<80xi32, #tpu.memory_space<vmem>>) semaphore(%arg30 : memref<!tpu.dma_semaphore, #tpu.memory_space<semaphore_mem>>) {add = true}
    } else {
    }
    %dma_wait3A_94 = arith.constant 0 : i32
    %dma_wait3A_95 = arith.constant 0 : i32
    %dma_wait3A_96 = tpu.memref_slice %arg2[%dma_wait3A_94, %dma_wait3A_95] : memref<10000x64xf32, #tpu.memory_space<hbm>> -> memref<80x64xf32, #tpu.memory_space<hbm>>
    %dma_wait3A_97 = arith.constant 0 : i32
    %dma_wait3A_98 = arith.constant 0 : i32
    %dma_wait3A_99 = tpu.memref_slice %arg2[%dma_wait3A_97, %dma_wait3A_98] : memref<10000x64xf32, #tpu.memory_space<hbm>> -> memref<80x64xf32, #tpu.memory_space<hbm>>
    tpu.wait_dma2 semaphore(%arg23 : memref<!tpu.dma_semaphore, #tpu.memory_space<semaphore_mem>>) src(%dma_wait3A_99 : memref<80x64xf32, #tpu.memory_space<hbm>>) dst(%arg12 : memref<80x64xf32, #tpu.memory_space<vmem>>)
    %dma_wait3A_100 = arith.constant 0 : i32
    %dma_wait3A_101 = tpu.memref_slice %arg5[%dma_wait3A_100] : memref<320000xi32, #tpu.memory_space<hbm>> -> memref<80xi32, #tpu.memory_space<hbm>>
    %dma_wait3A_102 = arith.constant 0 : i32
    %dma_wait3A_103 = tpu.memref_slice %arg5[%dma_wait3A_102] : memref<320000xi32, #tpu.memory_space<hbm>> -> memref<80xi32, #tpu.memory_space<hbm>>
    tpu.wait_dma2 semaphore(%arg35 : memref<!tpu.dma_semaphore, #tpu.memory_space<semaphore_mem>>) src(%dma_wait3A_103 : memref<80xi32, #tpu.memory_space<hbm>>) dst(%arg16 : memref<80xi32, #tpu.memory_space<vmem>>)
    %dma_wait3A_104 = arith.constant 0 : i32
    %dma_wait3A_105 = arith.constant 0 : i32
    %dma_wait3A_106 = tpu.memref_slice %arg20[%dma_wait3A_104, %dma_wait3A_105] : memref<10240x64xf32, #tpu.memory_space<vmem_shared>> -> memref<80x64xf32, #tpu.memory_space<vmem_shared>>
    %dma_wait3A_107 = arith.constant 0 : i32
    %dma_wait3A_108 = arith.constant 0 : i32
    %dma_wait3A_109 = tpu.memref_slice %arg20[%dma_wait3A_107, %dma_wait3A_108] : memref<10240x64xf32, #tpu.memory_space<vmem_shared>> -> memref<80x64xf32, #tpu.memory_space<vmem_shared>>
    tpu.wait_dma2 semaphore(%arg26 : memref<!tpu.dma_semaphore, #tpu.memory_space<semaphore_mem>>) src(%arg11 : memref<80x64xf32, #tpu.memory_space<vmem>>) dst(%dma_wait3A_109 : memref<80x64xf32, #tpu.memory_space<vmem_shared>>)
    %eq3A_110 = arith.constant 0 : i32
    %eq3A_111 = arith.cmpi eq, %arg0, %eq3A_110 : i32
    %convert_element_type3A_112 = arith.extui %eq3A_111 : i1 to i32
    %cond3A_113 = arith.constant 0 : i32
    %cond3A_114 = arith.cmpi ne, %convert_element_type3A_112, %cond3A_113 : i32
    scf.if %cond3A_114 {
      %dma_wait3A_147 = arith.constant 0 : i32
      %dma_wait3A_148 = tpu.memref_slice %arg21[%dma_wait3A_147] : memref<10240xf32, #tpu.memory_space<vmem_shared>> -> memref<80xf32, #tpu.memory_space<vmem_shared>>
      %dma_wait3A_149 = arith.constant 0 : i32
      %dma_wait3A_150 = tpu.memref_slice %arg21[%dma_wait3A_149] : memref<10240xf32, #tpu.memory_space<vmem_shared>> -> memref<80xf32, #tpu.memory_space<vmem_shared>>
      tpu.wait_dma2 semaphore(%arg30 : memref<!tpu.dma_semaphore, #tpu.memory_space<semaphore_mem>>) src(%arg19 : memref<80xf32, #tpu.memory_space<vmem>>) dst(%dma_wait3A_150 : memref<80xf32, #tpu.memory_space<vmem_shared>>)
    } else {
    }
    %dma_start3A_115 = arith.constant 0 : i32
    %dma_start3A_116 = arith.constant 0 : i32
    %dma_start3A_117 = tpu.memref_slice %arg20[%dma_start3A_115, %dma_start3A_116] : memref<10240x64xf32, #tpu.memory_space<vmem_shared>> -> memref<10240x64xf32, #tpu.memory_space<vmem_shared>>
    tpu.enqueue_indirect_dma source(%arg12 : memref<80x64xf32, #tpu.memory_space<vmem>>) target(%dma_start3A_117 : memref<10240x64xf32, #tpu.memory_space<vmem_shared>>) offsets(%arg16 : memref<80xi32, #tpu.memory_space<vmem>>) semaphore(%arg27 : memref<!tpu.dma_semaphore, #tpu.memory_space<semaphore_mem>>) {add = true}
    %eq3A_118 = arith.constant 0 : i32
    %eq3A_119 = arith.cmpi eq, %arg0, %eq3A_118 : i32
    %convert_element_type3A_120 = arith.extui %eq3A_119 : i1 to i32
    %cond3A_121 = arith.constant 0 : i32
    %cond3A_122 = arith.cmpi ne, %convert_element_type3A_120, %cond3A_121 : i32
    scf.if %cond3A_122 {
      %dma_start3A_147 = arith.constant 0 : i32
      %dma_start3A_148 = tpu.memref_slice %arg21[%dma_start3A_147] : memref<10240xf32, #tpu.memory_space<vmem_shared>> -> memref<10240xf32, #tpu.memory_space<vmem_shared>>
      tpu.enqueue_indirect_dma source(%arg19 : memref<80xf32, #tpu.memory_space<vmem>>) target(%dma_start3A_148 : memref<10240xf32, #tpu.memory_space<vmem_shared>>) offsets(%arg16 : memref<80xi32, #tpu.memory_space<vmem>>) semaphore(%arg31 : memref<!tpu.dma_semaphore, #tpu.memory_space<semaphore_mem>>) {add = true}
    } else {
    }
    %dma_wait3A_123 = arith.constant 0 : i32
    %dma_wait3A_124 = arith.constant 0 : i32
    %dma_wait3A_125 = tpu.memref_slice %arg20[%dma_wait3A_123, %dma_wait3A_124] : memref<10240x64xf32, #tpu.memory_space<vmem_shared>> -> memref<80x64xf32, #tpu.memory_space<vmem_shared>>
    %dma_wait3A_126 = arith.constant 0 : i32
    %dma_wait3A_127 = arith.constant 0 : i32
    %dma_wait3A_128 = tpu.memref_slice %arg20[%dma_wait3A_126, %dma_wait3A_127] : memref<10240x64xf32, #tpu.memory_space<vmem_shared>> -> memref<80x64xf32, #tpu.memory_space<vmem_shared>>
    tpu.wait_dma2 semaphore(%arg27 : memref<!tpu.dma_semaphore, #tpu.memory_space<semaphore_mem>>) src(%arg12 : memref<80x64xf32, #tpu.memory_space<vmem>>) dst(%dma_wait3A_128 : memref<80x64xf32, #tpu.memory_space<vmem_shared>>)
    %eq3A_129 = arith.constant 0 : i32
    %eq3A_130 = arith.cmpi eq, %arg0, %eq3A_129 : i32
    %convert_element_type3A_131 = arith.extui %eq3A_130 : i1 to i32
    %cond3A_132 = arith.constant 0 : i32
    %cond3A_133 = arith.cmpi ne, %convert_element_type3A_131, %cond3A_132 : i32
    scf.if %cond3A_133 {
      %dma_wait3A_147 = arith.constant 0 : i32
      %dma_wait3A_148 = tpu.memref_slice %arg21[%dma_wait3A_147] : memref<10240xf32, #tpu.memory_space<vmem_shared>> -> memref<80xf32, #tpu.memory_space<vmem_shared>>
      %dma_wait3A_149 = arith.constant 0 : i32
      %dma_wait3A_150 = tpu.memref_slice %arg21[%dma_wait3A_149] : memref<10240xf32, #tpu.memory_space<vmem_shared>> -> memref<80xf32, #tpu.memory_space<vmem_shared>>
      tpu.wait_dma2 semaphore(%arg31 : memref<!tpu.dma_semaphore, #tpu.memory_space<semaphore_mem>>) src(%arg19 : memref<80xf32, #tpu.memory_space<vmem>>) dst(%dma_wait3A_150 : memref<80xf32, #tpu.memory_space<vmem_shared>>)
    } else {
    }
    %barrier3A_134 = arith.constant 0 : index
    tpu.barrier barrier_id(%barrier3A_134)
    %mul3A_135 = arith.constant 640 : i32
    %mul3A_136 = arith.muli %arg1, %mul3A_135 : i32
    %mul3A_137 = arith.constant 640 : i32
    %mul3A_138 = arith.muli %arg1, %mul3A_137 : i32
    "tpu.region"() ({
      %run_scoped3A = tpu.sem_alloc : memref<!tpu.dma_semaphore, #tpu.memory_space<semaphore_mem>>
      %dma_start3A_147 = arith.constant 0 : i32
      %dma_start3A_148 = tpu.memref_slice %arg8[%arg0, %mul3A_138, %dma_start3A_147] : memref<2x10240x64xf32, #tpu.memory_space<hbm>> -> memref<1x640x64xf32, #tpu.memory_space<hbm>>
      %dma_start3A_149 = tpu.memref_squeeze %dma_start3A_148 : memref<1x640x64xf32, #tpu.memory_space<hbm>> -> memref<640x64xf32, #tpu.memory_space<hbm>>
      %dma_start3A_150 = arith.constant 0 : i32
      %dma_start3A_151 = tpu.memref_slice %arg20[%mul3A_136, %dma_start3A_150] : memref<10240x64xf32, #tpu.memory_space<vmem_shared>> -> memref<640x64xf32, #tpu.memory_space<vmem_shared>>
      tpu.enqueue_dma source(%dma_start3A_151 : memref<640x64xf32, #tpu.memory_space<vmem_shared>>) target(%dma_start3A_149 : memref<640x64xf32, #tpu.memory_space<hbm>>) target_semaphore(%run_scoped3A : memref<!tpu.dma_semaphore, #tpu.memory_space<semaphore_mem>>)
      %dma_wait3A_152 = arith.constant 0 : i32
      %dma_wait3A_153 = tpu.memref_slice %arg8[%arg0, %mul3A_138, %dma_wait3A_152] : memref<2x10240x64xf32, #tpu.memory_space<hbm>> -> memref<1x640x64xf32, #tpu.memory_space<hbm>>
      %dma_wait3A_154 = tpu.memref_squeeze %dma_wait3A_153 : memref<1x640x64xf32, #tpu.memory_space<hbm>> -> memref<640x64xf32, #tpu.memory_space<hbm>>
      %dma_wait3A_155 = arith.constant 0 : i32
      %dma_wait3A_156 = tpu.memref_slice %arg20[%mul3A_136, %dma_wait3A_155] : memref<10240x64xf32, #tpu.memory_space<vmem_shared>> -> memref<640x64xf32, #tpu.memory_space<vmem_shared>>
      tpu.wait_dma2 semaphore(%run_scoped3A : memref<!tpu.dma_semaphore, #tpu.memory_space<semaphore_mem>>) src(%dma_wait3A_156 : memref<640x64xf32, #tpu.memory_space<vmem_shared>>) dst(%dma_wait3A_154 : memref<640x64xf32, #tpu.memory_space<hbm>>)
      tpu.yield
    }) : () -> ()
    %eq3A_139 = arith.constant 0 : i32
    %eq3A_140 = arith.cmpi eq, %arg0, %eq3A_139 : i32
    %eq3A_141 = arith.constant 0 : i32
    %eq3A_142 = arith.cmpi eq, %arg1, %eq3A_141 : i32
    %and3A_143 = arith.andi %eq3A_140, %eq3A_142 : i1
    %convert_element_type3A_144 = arith.extui %and3A_143 : i1 to i32
    %cond3A_145 = arith.constant 0 : i32
    %cond3A_146 = arith.cmpi ne, %convert_element_type3A_144, %cond3A_145 : i32
    scf.if %cond3A_146 {
      %run_scoped3A = arith.constant 0 : i32
      "tpu.region"() ({
        %run_scoped3A_147 = tpu.sem_alloc : memref<!tpu.dma_semaphore, #tpu.memory_space<semaphore_mem>>
        %dma_start3A_148 = arith.constant 0 : i32
        %dma_start3A_149 = tpu.memref_slice %arg9[%run_scoped3A, %dma_start3A_148] : memref<8x10240xf32, #tpu.memory_space<hbm>> -> memref<1x10240xf32, #tpu.memory_space<hbm>>
        %dma_start3A_150 = tpu.memref_squeeze %dma_start3A_149 : memref<1x10240xf32, #tpu.memory_space<hbm>> -> memref<10240xf32, #tpu.memory_space<hbm>>
        tpu.enqueue_dma source(%arg21 : memref<10240xf32, #tpu.memory_space<vmem_shared>>) target(%dma_start3A_150 : memref<10240xf32, #tpu.memory_space<hbm>>) target_semaphore(%run_scoped3A_147 : memref<!tpu.dma_semaphore, #tpu.memory_space<semaphore_mem>>)
        %dma_wait3A_151 = arith.constant 0 : i32
        %dma_wait3A_152 = tpu.memref_slice %arg9[%run_scoped3A, %dma_wait3A_151] : memref<8x10240xf32, #tpu.memory_space<hbm>> -> memref<1x10240xf32, #tpu.memory_space<hbm>>
        %dma_wait3A_153 = tpu.memref_squeeze %dma_wait3A_152 : memref<1x10240xf32, #tpu.memory_space<hbm>> -> memref<10240xf32, #tpu.memory_space<hbm>>
        tpu.wait_dma2 semaphore(%run_scoped3A_147 : memref<!tpu.dma_semaphore, #tpu.memory_space<semaphore_mem>>) src(%arg21 : memref<10240xf32, #tpu.memory_space<vmem_shared>>) dst(%dma_wait3A_153 : memref<10240xf32, #tpu.memory_space<hbm>>)
        tpu.yield
      }) : () -> ()
    } else {
    }
    return
  }
}

#map = affine_map<(d0, d1) -> (0, 0)>
#map1 = affine_map<(d0, d1) -> (0)>
#map2 = affine_map<(d0, d1) -> (0, 0, 0)>
module attributes {stable_mosaic.version = 14 : i64} {
  func.func @body(%arg0: i32, %arg1: i32, %arg2: memref<10000x64xf32, #tpu.memory_space<hbm>>, %arg3: memref<10000x64xf32, #tpu.memory_space<hbm>>, %arg4: memref<320000xi32, #tpu.memory_space<hbm>>, %arg5: memref<320000xi32, #tpu.memory_space<hbm>>, %arg6: memref<10240x64xf32, #tpu.memory_space<hbm>>, %arg7: memref<10240xf32, #tpu.memory_space<hbm>>, %arg8: memref<2x10240x64xf32, #tpu.memory_space<hbm>>, %arg9: memref<20000xi32, #tpu.memory_space<vmem>>, %arg10: memref<80x64xf32, #tpu.memory_space<vmem>>, %arg11: memref<80x64xf32, #tpu.memory_space<vmem>>, %arg12: memref<80x64xf32, #tpu.memory_space<vmem>>, %arg13: memref<80x64xf32, #tpu.memory_space<vmem>>, %arg14: memref<80xi32, #tpu.memory_space<vmem>>, %arg15: memref<80xi32, #tpu.memory_space<vmem>>, %arg16: memref<80xi32, #tpu.memory_space<vmem>>, %arg17: memref<80xi32, #tpu.memory_space<vmem>>, %arg18: memref<80xf32, #tpu.memory_space<vmem>>, %arg19: memref<10240x64xf32, #tpu.memory_space<vmem_shared>>, %arg20: memref<10240xf32, #tpu.memory_space<vmem_shared>>, %arg21: memref<!tpu.dma_semaphore, #tpu.memory_space<semaphore_mem>>, %arg22: memref<!tpu.dma_semaphore, #tpu.memory_space<semaphore_mem>>, %arg23: memref<!tpu.dma_semaphore, #tpu.memory_space<semaphore_mem>>, %arg24: memref<!tpu.dma_semaphore, #tpu.memory_space<semaphore_mem>>, %arg25: memref<!tpu.dma_semaphore, #tpu.memory_space<semaphore_mem>>, %arg26: memref<!tpu.dma_semaphore, #tpu.memory_space<semaphore_mem>>, %arg27: memref<!tpu.dma_semaphore, #tpu.memory_space<semaphore_mem>>, %arg28: memref<!tpu.dma_semaphore, #tpu.memory_space<semaphore_mem>>, %arg29: memref<!tpu.dma_semaphore, #tpu.memory_space<semaphore_mem>>, %arg30: memref<!tpu.dma_semaphore, #tpu.memory_space<semaphore_mem>>, %arg31: memref<!tpu.dma_semaphore, #tpu.memory_space<semaphore_mem>>, %arg32: memref<!tpu.dma_semaphore, #tpu.memory_space<semaphore_mem>>, %arg33: memref<!tpu.dma_semaphore, #tpu.memory_space<semaphore_mem>>, %arg34: memref<!tpu.dma_semaphore, #tpu.memory_space<semaphore_mem>>, %arg35: memref<!tpu.dma_semaphore, #tpu.memory_space<semaphore_mem>>, %arg36: memref<!tpu.dma_semaphore, #tpu.memory_space<semaphore_mem>>) attributes {dimension_semantics = [#tpu.dimension_semantics<core_parallel>, #tpu.dimension_semantics<subcore_parallel>], iteration_bounds = array<i64: 2, 16>, scalar_prefetch = 0 : i64, scratch_operands = 28 : i64, tpu.core_type = #tpu.core_type<sc_vector_subcore>, window_params = [{transform_indices = #map}, {transform_indices = #map}, {transform_indices = #map1}, {transform_indices = #map1}, {transform_indices = #map}, {transform_indices = #map1}, {transform_indices = #map2}]} {
    %mul3A = arith.constant 640 : i32
    %mul3A_0 = arith.muli %arg1, %mul3A : i32
    %mul3A_1 = arith.constant 640 : i32
    %mul3A_2 = arith.muli %arg1, %mul3A_1 : i32
    "tpu.region"() ({
      %run_scoped3A = tpu.sem_alloc : memref<!tpu.dma_semaphore, #tpu.memory_space<semaphore_mem>>
      %dma_start3A_101 = arith.constant 0 : i32
      %dma_start3A_102 = tpu.memref_slice %arg19[%mul3A_2, %dma_start3A_101] : memref<10240x64xf32, #tpu.memory_space<vmem_shared>> -> memref<640x64xf32, #tpu.memory_space<vmem_shared>>
      %dma_start3A_103 = arith.constant 0 : i32
      %dma_start3A_104 = tpu.memref_slice %arg6[%mul3A_0, %dma_start3A_103] : memref<10240x64xf32, #tpu.memory_space<hbm>> -> memref<640x64xf32, #tpu.memory_space<hbm>>
      tpu.enqueue_dma source(%dma_start3A_104 : memref<640x64xf32, #tpu.memory_space<hbm>>) target(%dma_start3A_102 : memref<640x64xf32, #tpu.memory_space<vmem_shared>>) target_semaphore(%run_scoped3A : memref<!tpu.dma_semaphore, #tpu.memory_space<semaphore_mem>>)
      %dma_wait3A_105 = arith.constant 0 : i32
      %dma_wait3A_106 = tpu.memref_slice %arg19[%mul3A_2, %dma_wait3A_105] : memref<10240x64xf32, #tpu.memory_space<vmem_shared>> -> memref<640x64xf32, #tpu.memory_space<vmem_shared>>
      %dma_wait3A_107 = arith.constant 0 : i32
      %dma_wait3A_108 = tpu.memref_slice %arg6[%mul3A_0, %dma_wait3A_107] : memref<10240x64xf32, #tpu.memory_space<hbm>> -> memref<640x64xf32, #tpu.memory_space<hbm>>
      tpu.wait_dma2 semaphore(%run_scoped3A : memref<!tpu.dma_semaphore, #tpu.memory_space<semaphore_mem>>) src(%dma_wait3A_108 : memref<640x64xf32, #tpu.memory_space<hbm>>) dst(%dma_wait3A_106 : memref<640x64xf32, #tpu.memory_space<vmem_shared>>)
      tpu.yield
    }) : () -> ()
    %mul3A_3 = arith.constant 20000 : i32
    %mul3A_4 = arith.muli %arg1, %mul3A_3 : i32
    "tpu.region"() ({
      %run_scoped3A = tpu.sem_alloc : memref<!tpu.dma_semaphore, #tpu.memory_space<semaphore_mem>>
      %dma_start3A_101 = tpu.memref_slice %arg4[%mul3A_4] : memref<320000xi32, #tpu.memory_space<hbm>> -> memref<20000xi32, #tpu.memory_space<hbm>>
      %dma_start3A_102 = tpu.memref_slice %arg4[%mul3A_4] : memref<320000xi32, #tpu.memory_space<hbm>> -> memref<20000xi32, #tpu.memory_space<hbm>>
      tpu.enqueue_dma source(%dma_start3A_102 : memref<20000xi32, #tpu.memory_space<hbm>>) target(%arg9 : memref<20000xi32, #tpu.memory_space<vmem>>) target_semaphore(%run_scoped3A : memref<!tpu.dma_semaphore, #tpu.memory_space<semaphore_mem>>)
      %dma_wait3A_103 = tpu.memref_slice %arg4[%mul3A_4] : memref<320000xi32, #tpu.memory_space<hbm>> -> memref<20000xi32, #tpu.memory_space<hbm>>
      %dma_wait3A_104 = tpu.memref_slice %arg4[%mul3A_4] : memref<320000xi32, #tpu.memory_space<hbm>> -> memref<20000xi32, #tpu.memory_space<hbm>>
      tpu.wait_dma2 semaphore(%run_scoped3A : memref<!tpu.dma_semaphore, #tpu.memory_space<semaphore_mem>>) src(%dma_wait3A_104 : memref<20000xi32, #tpu.memory_space<hbm>>) dst(%arg9 : memref<20000xi32, #tpu.memory_space<vmem>>)
      tpu.yield
    }) : () -> ()
    %add3A = arith.constant 0 : i32
    %add3A_5 = arith.addi %mul3A_4, %add3A : i32
    "tpu.region"() ({
      %run_scoped3A = tpu.sem_alloc : memref<!tpu.dma_semaphore, #tpu.memory_space<semaphore_mem>>
      %dma_start3A_101 = tpu.memref_slice %arg5[%add3A_5] : memref<320000xi32, #tpu.memory_space<hbm>> -> memref<80xi32, #tpu.memory_space<hbm>>
      %dma_start3A_102 = tpu.memref_slice %arg5[%add3A_5] : memref<320000xi32, #tpu.memory_space<hbm>> -> memref<80xi32, #tpu.memory_space<hbm>>
      tpu.enqueue_dma source(%dma_start3A_102 : memref<80xi32, #tpu.memory_space<hbm>>) target(%arg14 : memref<80xi32, #tpu.memory_space<vmem>>) target_semaphore(%run_scoped3A : memref<!tpu.dma_semaphore, #tpu.memory_space<semaphore_mem>>)
      %dma_wait3A_103 = tpu.memref_slice %arg5[%add3A_5] : memref<320000xi32, #tpu.memory_space<hbm>> -> memref<80xi32, #tpu.memory_space<hbm>>
      %dma_wait3A_104 = tpu.memref_slice %arg5[%add3A_5] : memref<320000xi32, #tpu.memory_space<hbm>> -> memref<80xi32, #tpu.memory_space<hbm>>
      tpu.wait_dma2 semaphore(%run_scoped3A : memref<!tpu.dma_semaphore, #tpu.memory_space<semaphore_mem>>) src(%dma_wait3A_104 : memref<80xi32, #tpu.memory_space<hbm>>) dst(%arg14 : memref<80xi32, #tpu.memory_space<vmem>>)
      tpu.yield
    }) : () -> ()
    %add3A_6 = arith.constant 80 : i32
    %add3A_7 = arith.addi %mul3A_4, %add3A_6 : i32
    "tpu.region"() ({
      %run_scoped3A = tpu.sem_alloc : memref<!tpu.dma_semaphore, #tpu.memory_space<semaphore_mem>>
      %dma_start3A_101 = tpu.memref_slice %arg5[%add3A_7] : memref<320000xi32, #tpu.memory_space<hbm>> -> memref<80xi32, #tpu.memory_space<hbm>>
      %dma_start3A_102 = tpu.memref_slice %arg5[%add3A_7] : memref<320000xi32, #tpu.memory_space<hbm>> -> memref<80xi32, #tpu.memory_space<hbm>>
      tpu.enqueue_dma source(%dma_start3A_102 : memref<80xi32, #tpu.memory_space<hbm>>) target(%arg15 : memref<80xi32, #tpu.memory_space<vmem>>) target_semaphore(%run_scoped3A : memref<!tpu.dma_semaphore, #tpu.memory_space<semaphore_mem>>)
      %dma_wait3A_103 = tpu.memref_slice %arg5[%add3A_7] : memref<320000xi32, #tpu.memory_space<hbm>> -> memref<80xi32, #tpu.memory_space<hbm>>
      %dma_wait3A_104 = tpu.memref_slice %arg5[%add3A_7] : memref<320000xi32, #tpu.memory_space<hbm>> -> memref<80xi32, #tpu.memory_space<hbm>>
      tpu.wait_dma2 semaphore(%run_scoped3A : memref<!tpu.dma_semaphore, #tpu.memory_space<semaphore_mem>>) src(%dma_wait3A_104 : memref<80xi32, #tpu.memory_space<hbm>>) dst(%arg15 : memref<80xi32, #tpu.memory_space<vmem>>)
      tpu.yield
    }) : () -> ()
    %add3A_8 = arith.constant 160 : i32
    %add3A_9 = arith.addi %mul3A_4, %add3A_8 : i32
    "tpu.region"() ({
      %run_scoped3A = tpu.sem_alloc : memref<!tpu.dma_semaphore, #tpu.memory_space<semaphore_mem>>
      %dma_start3A_101 = tpu.memref_slice %arg5[%add3A_9] : memref<320000xi32, #tpu.memory_space<hbm>> -> memref<80xi32, #tpu.memory_space<hbm>>
      %dma_start3A_102 = tpu.memref_slice %arg5[%add3A_9] : memref<320000xi32, #tpu.memory_space<hbm>> -> memref<80xi32, #tpu.memory_space<hbm>>
      tpu.enqueue_dma source(%dma_start3A_102 : memref<80xi32, #tpu.memory_space<hbm>>) target(%arg16 : memref<80xi32, #tpu.memory_space<vmem>>) target_semaphore(%run_scoped3A : memref<!tpu.dma_semaphore, #tpu.memory_space<semaphore_mem>>)
      %dma_wait3A_103 = tpu.memref_slice %arg5[%add3A_9] : memref<320000xi32, #tpu.memory_space<hbm>> -> memref<80xi32, #tpu.memory_space<hbm>>
      %dma_wait3A_104 = tpu.memref_slice %arg5[%add3A_9] : memref<320000xi32, #tpu.memory_space<hbm>> -> memref<80xi32, #tpu.memory_space<hbm>>
      tpu.wait_dma2 semaphore(%run_scoped3A : memref<!tpu.dma_semaphore, #tpu.memory_space<semaphore_mem>>) src(%dma_wait3A_104 : memref<80xi32, #tpu.memory_space<hbm>>) dst(%arg16 : memref<80xi32, #tpu.memory_space<vmem>>)
      tpu.yield
    }) : () -> ()
    %add3A_10 = arith.constant 240 : i32
    %add3A_11 = arith.addi %mul3A_4, %add3A_10 : i32
    "tpu.region"() ({
      %run_scoped3A = tpu.sem_alloc : memref<!tpu.dma_semaphore, #tpu.memory_space<semaphore_mem>>
      %dma_start3A_101 = tpu.memref_slice %arg5[%add3A_11] : memref<320000xi32, #tpu.memory_space<hbm>> -> memref<80xi32, #tpu.memory_space<hbm>>
      %dma_start3A_102 = tpu.memref_slice %arg5[%add3A_11] : memref<320000xi32, #tpu.memory_space<hbm>> -> memref<80xi32, #tpu.memory_space<hbm>>
      tpu.enqueue_dma source(%dma_start3A_102 : memref<80xi32, #tpu.memory_space<hbm>>) target(%arg17 : memref<80xi32, #tpu.memory_space<vmem>>) target_semaphore(%run_scoped3A : memref<!tpu.dma_semaphore, #tpu.memory_space<semaphore_mem>>)
      %dma_wait3A_103 = tpu.memref_slice %arg5[%add3A_11] : memref<320000xi32, #tpu.memory_space<hbm>> -> memref<80xi32, #tpu.memory_space<hbm>>
      %dma_wait3A_104 = tpu.memref_slice %arg5[%add3A_11] : memref<320000xi32, #tpu.memory_space<hbm>> -> memref<80xi32, #tpu.memory_space<hbm>>
      tpu.wait_dma2 semaphore(%run_scoped3A : memref<!tpu.dma_semaphore, #tpu.memory_space<semaphore_mem>>) src(%dma_wait3A_104 : memref<80xi32, #tpu.memory_space<hbm>>) dst(%arg17 : memref<80xi32, #tpu.memory_space<vmem>>)
      tpu.yield
    }) : () -> ()
    %barrier3A = arith.constant 0 : index
    tpu.barrier barrier_id(%barrier3A)
    %eq3A = arith.constant 0 : i32
    %eq3A_12 = arith.cmpi eq, %arg0, %eq3A : i32
    %convert_element_type3A = arith.extui %eq3A_12 : i1 to i32
    %cond3A = arith.constant 0 : i32
    %cond3A_13 = arith.cmpi ne, %convert_element_type3A, %cond3A : i32
    scf.if %cond3A_13 {
      %dma_start3A_101 = arith.constant 0 : i32
      %dma_start3A_102 = tpu.memref_slice %arg9[%dma_start3A_101] : memref<20000xi32, #tpu.memory_space<vmem>> -> memref<80xi32, #tpu.memory_space<vmem>>
      %dma_start3A_103 = arith.constant 0 : i32
      %dma_start3A_104 = arith.constant 0 : i32
      %dma_start3A_105 = tpu.memref_slice %arg2[%dma_start3A_103, %dma_start3A_104] : memref<10000x64xf32, #tpu.memory_space<hbm>> -> memref<10000x64xf32, #tpu.memory_space<hbm>>
      tpu.enqueue_indirect_dma source(%dma_start3A_105 : memref<10000x64xf32, #tpu.memory_space<hbm>>) target(%arg10 : memref<80x64xf32, #tpu.memory_space<vmem>>) offsets(%dma_start3A_102 : memref<80xi32, #tpu.memory_space<vmem>>) semaphore(%arg21 : memref<!tpu.dma_semaphore, #tpu.memory_space<semaphore_mem>>)
    } else {
    }
    %eq3A_14 = arith.constant 1 : i32
    %eq3A_15 = arith.cmpi eq, %arg0, %eq3A_14 : i32
    %convert_element_type3A_16 = arith.extui %eq3A_15 : i1 to i32
    %cond3A_17 = arith.constant 0 : i32
    %cond3A_18 = arith.cmpi ne, %convert_element_type3A_16, %cond3A_17 : i32
    scf.if %cond3A_18 {
      %dma_start3A_101 = arith.constant 0 : i32
      %dma_start3A_102 = tpu.memref_slice %arg9[%dma_start3A_101] : memref<20000xi32, #tpu.memory_space<vmem>> -> memref<80xi32, #tpu.memory_space<vmem>>
      %dma_start3A_103 = arith.constant 0 : i32
      %dma_start3A_104 = arith.constant 0 : i32
      %dma_start3A_105 = tpu.memref_slice %arg3[%dma_start3A_103, %dma_start3A_104] : memref<10000x64xf32, #tpu.memory_space<hbm>> -> memref<10000x64xf32, #tpu.memory_space<hbm>>
      tpu.enqueue_indirect_dma source(%dma_start3A_105 : memref<10000x64xf32, #tpu.memory_space<hbm>>) target(%arg10 : memref<80x64xf32, #tpu.memory_space<vmem>>) offsets(%dma_start3A_102 : memref<80xi32, #tpu.memory_space<vmem>>) semaphore(%arg21 : memref<!tpu.dma_semaphore, #tpu.memory_space<semaphore_mem>>)
    } else {
    }
    %eq3A_19 = arith.constant 0 : i32
    %eq3A_20 = arith.cmpi eq, %arg0, %eq3A_19 : i32
    %convert_element_type3A_21 = arith.extui %eq3A_20 : i1 to i32
    %cond3A_22 = arith.constant 0 : i32
    %cond3A_23 = arith.cmpi ne, %convert_element_type3A_21, %cond3A_22 : i32
    scf.if %cond3A_23 {
      %dma_start3A_101 = arith.constant 80 : i32
      %dma_start3A_102 = tpu.memref_slice %arg9[%dma_start3A_101] : memref<20000xi32, #tpu.memory_space<vmem>> -> memref<80xi32, #tpu.memory_space<vmem>>
      %dma_start3A_103 = arith.constant 0 : i32
      %dma_start3A_104 = arith.constant 0 : i32
      %dma_start3A_105 = tpu.memref_slice %arg2[%dma_start3A_103, %dma_start3A_104] : memref<10000x64xf32, #tpu.memory_space<hbm>> -> memref<10000x64xf32, #tpu.memory_space<hbm>>
      tpu.enqueue_indirect_dma source(%dma_start3A_105 : memref<10000x64xf32, #tpu.memory_space<hbm>>) target(%arg11 : memref<80x64xf32, #tpu.memory_space<vmem>>) offsets(%dma_start3A_102 : memref<80xi32, #tpu.memory_space<vmem>>) semaphore(%arg22 : memref<!tpu.dma_semaphore, #tpu.memory_space<semaphore_mem>>)
    } else {
    }
    %eq3A_24 = arith.constant 1 : i32
    %eq3A_25 = arith.cmpi eq, %arg0, %eq3A_24 : i32
    %convert_element_type3A_26 = arith.extui %eq3A_25 : i1 to i32
    %cond3A_27 = arith.constant 0 : i32
    %cond3A_28 = arith.cmpi ne, %convert_element_type3A_26, %cond3A_27 : i32
    scf.if %cond3A_28 {
      %dma_start3A_101 = arith.constant 80 : i32
      %dma_start3A_102 = tpu.memref_slice %arg9[%dma_start3A_101] : memref<20000xi32, #tpu.memory_space<vmem>> -> memref<80xi32, #tpu.memory_space<vmem>>
      %dma_start3A_103 = arith.constant 0 : i32
      %dma_start3A_104 = arith.constant 0 : i32
      %dma_start3A_105 = tpu.memref_slice %arg3[%dma_start3A_103, %dma_start3A_104] : memref<10000x64xf32, #tpu.memory_space<hbm>> -> memref<10000x64xf32, #tpu.memory_space<hbm>>
      tpu.enqueue_indirect_dma source(%dma_start3A_105 : memref<10000x64xf32, #tpu.memory_space<hbm>>) target(%arg11 : memref<80x64xf32, #tpu.memory_space<vmem>>) offsets(%dma_start3A_102 : memref<80xi32, #tpu.memory_space<vmem>>) semaphore(%arg22 : memref<!tpu.dma_semaphore, #tpu.memory_space<semaphore_mem>>)
    } else {
    }
    %eq3A_29 = arith.constant 0 : i32
    %eq3A_30 = arith.cmpi eq, %arg0, %eq3A_29 : i32
    %convert_element_type3A_31 = arith.extui %eq3A_30 : i1 to i32
    %cond3A_32 = arith.constant 0 : i32
    %cond3A_33 = arith.cmpi ne, %convert_element_type3A_31, %cond3A_32 : i32
    scf.if %cond3A_33 {
      %dma_start3A_101 = arith.constant 160 : i32
      %dma_start3A_102 = tpu.memref_slice %arg9[%dma_start3A_101] : memref<20000xi32, #tpu.memory_space<vmem>> -> memref<80xi32, #tpu.memory_space<vmem>>
      %dma_start3A_103 = arith.constant 0 : i32
      %dma_start3A_104 = arith.constant 0 : i32
      %dma_start3A_105 = tpu.memref_slice %arg2[%dma_start3A_103, %dma_start3A_104] : memref<10000x64xf32, #tpu.memory_space<hbm>> -> memref<10000x64xf32, #tpu.memory_space<hbm>>
      tpu.enqueue_indirect_dma source(%dma_start3A_105 : memref<10000x64xf32, #tpu.memory_space<hbm>>) target(%arg12 : memref<80x64xf32, #tpu.memory_space<vmem>>) offsets(%dma_start3A_102 : memref<80xi32, #tpu.memory_space<vmem>>) semaphore(%arg23 : memref<!tpu.dma_semaphore, #tpu.memory_space<semaphore_mem>>)
    } else {
    }
    %eq3A_34 = arith.constant 1 : i32
    %eq3A_35 = arith.cmpi eq, %arg0, %eq3A_34 : i32
    %convert_element_type3A_36 = arith.extui %eq3A_35 : i1 to i32
    %cond3A_37 = arith.constant 0 : i32
    %cond3A_38 = arith.cmpi ne, %convert_element_type3A_36, %cond3A_37 : i32
    scf.if %cond3A_38 {
      %dma_start3A_101 = arith.constant 160 : i32
      %dma_start3A_102 = tpu.memref_slice %arg9[%dma_start3A_101] : memref<20000xi32, #tpu.memory_space<vmem>> -> memref<80xi32, #tpu.memory_space<vmem>>
      %dma_start3A_103 = arith.constant 0 : i32
      %dma_start3A_104 = arith.constant 0 : i32
      %dma_start3A_105 = tpu.memref_slice %arg3[%dma_start3A_103, %dma_start3A_104] : memref<10000x64xf32, #tpu.memory_space<hbm>> -> memref<10000x64xf32, #tpu.memory_space<hbm>>
      tpu.enqueue_indirect_dma source(%dma_start3A_105 : memref<10000x64xf32, #tpu.memory_space<hbm>>) target(%arg12 : memref<80x64xf32, #tpu.memory_space<vmem>>) offsets(%dma_start3A_102 : memref<80xi32, #tpu.memory_space<vmem>>) semaphore(%arg23 : memref<!tpu.dma_semaphore, #tpu.memory_space<semaphore_mem>>)
    } else {
    }
    %eq3A_39 = arith.constant 0 : i32
    %eq3A_40 = arith.cmpi eq, %arg0, %eq3A_39 : i32
    %convert_element_type3A_41 = arith.extui %eq3A_40 : i1 to i32
    %cond3A_42 = arith.constant 0 : i32
    %cond3A_43 = arith.cmpi ne, %convert_element_type3A_41, %cond3A_42 : i32
    scf.if %cond3A_43 {
      %dma_start3A_101 = arith.constant 240 : i32
      %dma_start3A_102 = tpu.memref_slice %arg9[%dma_start3A_101] : memref<20000xi32, #tpu.memory_space<vmem>> -> memref<80xi32, #tpu.memory_space<vmem>>
      %dma_start3A_103 = arith.constant 0 : i32
      %dma_start3A_104 = arith.constant 0 : i32
      %dma_start3A_105 = tpu.memref_slice %arg2[%dma_start3A_103, %dma_start3A_104] : memref<10000x64xf32, #tpu.memory_space<hbm>> -> memref<10000x64xf32, #tpu.memory_space<hbm>>
      tpu.enqueue_indirect_dma source(%dma_start3A_105 : memref<10000x64xf32, #tpu.memory_space<hbm>>) target(%arg13 : memref<80x64xf32, #tpu.memory_space<vmem>>) offsets(%dma_start3A_102 : memref<80xi32, #tpu.memory_space<vmem>>) semaphore(%arg24 : memref<!tpu.dma_semaphore, #tpu.memory_space<semaphore_mem>>)
    } else {
    }
    %eq3A_44 = arith.constant 1 : i32
    %eq3A_45 = arith.cmpi eq, %arg0, %eq3A_44 : i32
    %convert_element_type3A_46 = arith.extui %eq3A_45 : i1 to i32
    %cond3A_47 = arith.constant 0 : i32
    %cond3A_48 = arith.cmpi ne, %convert_element_type3A_46, %cond3A_47 : i32
    scf.if %cond3A_48 {
      %dma_start3A_101 = arith.constant 240 : i32
      %dma_start3A_102 = tpu.memref_slice %arg9[%dma_start3A_101] : memref<20000xi32, #tpu.memory_space<vmem>> -> memref<80xi32, #tpu.memory_space<vmem>>
      %dma_start3A_103 = arith.constant 0 : i32
      %dma_start3A_104 = arith.constant 0 : i32
      %dma_start3A_105 = tpu.memref_slice %arg3[%dma_start3A_103, %dma_start3A_104] : memref<10000x64xf32, #tpu.memory_space<hbm>> -> memref<10000x64xf32, #tpu.memory_space<hbm>>
      tpu.enqueue_indirect_dma source(%dma_start3A_105 : memref<10000x64xf32, #tpu.memory_space<hbm>>) target(%arg13 : memref<80x64xf32, #tpu.memory_space<vmem>>) offsets(%dma_start3A_102 : memref<80xi32, #tpu.memory_space<vmem>>) semaphore(%arg24 : memref<!tpu.dma_semaphore, #tpu.memory_space<semaphore_mem>>)
    } else {
    }
    %scan3A = arith.constant 0 : i32
    %scan3A_49 = arith.constant 0 : i32
    %scan3A_50 = arith.constant 62 : i32
    %scan3A_51 = arith.addi %scan3A_49, %scan3A_50 : i32
    %scan3A_52 = arith.constant 1 : i32
    scf.for %scan3A_101 = %scan3A_49 to %scan3A_51 step %scan3A_52  : i32 {
      %mul3A_102 = arith.constant 4 : i32
      %mul3A_103 = arith.muli %scan3A_101, %mul3A_102 : i32
      %add3A_104 = arith.constant 0 : i32
      %add3A_105 = arith.addi %mul3A_103, %add3A_104 : i32
      %dma_wait3A_106 = arith.constant 0 : i32
      %dma_wait3A_107 = arith.constant 0 : i32
      %dma_wait3A_108 = tpu.memref_slice %arg2[%dma_wait3A_106, %dma_wait3A_107] : memref<10000x64xf32, #tpu.memory_space<hbm>> -> memref<80x64xf32, #tpu.memory_space<hbm>>
      %dma_wait3A_109 = arith.constant 0 : i32
      %dma_wait3A_110 = arith.constant 0 : i32
      %dma_wait3A_111 = tpu.memref_slice %arg2[%dma_wait3A_109, %dma_wait3A_110] : memref<10000x64xf32, #tpu.memory_space<hbm>> -> memref<80x64xf32, #tpu.memory_space<hbm>>
      tpu.wait_dma2 semaphore(%arg21 : memref<!tpu.dma_semaphore, #tpu.memory_space<semaphore_mem>>) src(%dma_wait3A_111 : memref<80x64xf32, #tpu.memory_space<hbm>>) dst(%arg10 : memref<80x64xf32, #tpu.memory_space<vmem>>)
      %ge3A = arith.constant 4 : i32
      %ge3A_112 = arith.cmpi sge, %add3A_105, %ge3A : i32
      %convert_element_type3A_113 = arith.extui %ge3A_112 : i1 to i32
      %cond3A_114 = arith.constant 0 : i32
      %cond3A_115 = arith.cmpi ne, %convert_element_type3A_113, %cond3A_114 : i32
      scf.if %cond3A_115 {
        %dma_wait3A_231 = arith.constant 0 : i32
        %dma_wait3A_232 = tpu.memref_slice %arg5[%dma_wait3A_231] : memref<320000xi32, #tpu.memory_space<hbm>> -> memref<80xi32, #tpu.memory_space<hbm>>
        %dma_wait3A_233 = arith.constant 0 : i32
        %dma_wait3A_234 = tpu.memref_slice %arg5[%dma_wait3A_233] : memref<320000xi32, #tpu.memory_space<hbm>> -> memref<80xi32, #tpu.memory_space<hbm>>
        tpu.wait_dma2 semaphore(%arg33 : memref<!tpu.dma_semaphore, #tpu.memory_space<semaphore_mem>>) src(%dma_wait3A_234 : memref<80xi32, #tpu.memory_space<hbm>>) dst(%arg14 : memref<80xi32, #tpu.memory_space<vmem>>)
      } else {
      }
      %ge3A_116 = arith.constant 1 : i32
      %ge3A_117 = arith.cmpi sge, %add3A_105, %ge3A_116 : i32
      %convert_element_type3A_118 = arith.extui %ge3A_117 : i1 to i32
      %cond3A_119 = arith.constant 0 : i32
      %cond3A_120 = arith.cmpi ne, %convert_element_type3A_118, %cond3A_119 : i32
      scf.if %cond3A_120 {
        %dma_wait3A_231 = arith.constant 0 : i32
        %dma_wait3A_232 = arith.constant 0 : i32
        %dma_wait3A_233 = tpu.memref_slice %arg19[%dma_wait3A_231, %dma_wait3A_232] : memref<10240x64xf32, #tpu.memory_space<vmem_shared>> -> memref<80x64xf32, #tpu.memory_space<vmem_shared>>
        %dma_wait3A_234 = arith.constant 0 : i32
        %dma_wait3A_235 = arith.constant 0 : i32
        %dma_wait3A_236 = tpu.memref_slice %arg19[%dma_wait3A_234, %dma_wait3A_235] : memref<10240x64xf32, #tpu.memory_space<vmem_shared>> -> memref<80x64xf32, #tpu.memory_space<vmem_shared>>
        tpu.wait_dma2 semaphore(%arg28 : memref<!tpu.dma_semaphore, #tpu.memory_space<semaphore_mem>>) src(%arg13 : memref<80x64xf32, #tpu.memory_space<vmem>>) dst(%dma_wait3A_236 : memref<80x64xf32, #tpu.memory_space<vmem_shared>>)
      } else {
      }
      %dma_start3A_121 = arith.constant 0 : i32
      %dma_start3A_122 = arith.constant 0 : i32
      %dma_start3A_123 = tpu.memref_slice %arg19[%dma_start3A_121, %dma_start3A_122] : memref<10240x64xf32, #tpu.memory_space<vmem_shared>> -> memref<10240x64xf32, #tpu.memory_space<vmem_shared>>
      tpu.enqueue_indirect_dma source(%arg10 : memref<80x64xf32, #tpu.memory_space<vmem>>) target(%dma_start3A_123 : memref<10240x64xf32, #tpu.memory_space<vmem_shared>>) offsets(%arg14 : memref<80xi32, #tpu.memory_space<vmem>>) semaphore(%arg25 : memref<!tpu.dma_semaphore, #tpu.memory_space<semaphore_mem>>) {add = true}
      %ge3A_124 = arith.constant 2 : i32
      %ge3A_125 = arith.cmpi sge, %add3A_105, %ge3A_124 : i32
      %add3A_126 = arith.constant 2 : i32
      %add3A_127 = arith.addi %add3A_105, %add3A_126 : i32
      %lt3A = arith.constant 250 : i32
      %lt3A_128 = arith.cmpi slt, %add3A_127, %lt3A : i32
      %and3A = arith.andi %ge3A_125, %lt3A_128 : i1
      %convert_element_type3A_129 = arith.extui %and3A : i1 to i32
      %cond3A_130 = arith.constant 0 : i32
      %cond3A_131 = arith.cmpi ne, %convert_element_type3A_129, %cond3A_130 : i32
      scf.if %cond3A_131 {
        %add3A_231 = arith.constant 2 : i32
        %add3A_232 = arith.addi %add3A_105, %add3A_231 : i32
        %mul3A_233 = arith.constant 80 : i32
        %mul3A_234 = arith.muli %add3A_232, %mul3A_233 : i32
        %add3A_235 = arith.addi %mul3A_4, %mul3A_234 : i32
        %dma_start3A_236 = tpu.memref_slice %arg5[%add3A_235] : memref<320000xi32, #tpu.memory_space<hbm>> -> memref<80xi32, #tpu.memory_space<hbm>>
        %dma_start3A_237 = tpu.memref_slice %arg5[%add3A_235] : memref<320000xi32, #tpu.memory_space<hbm>> -> memref<80xi32, #tpu.memory_space<hbm>>
        tpu.enqueue_dma source(%dma_start3A_237 : memref<80xi32, #tpu.memory_space<hbm>>) target(%arg16 : memref<80xi32, #tpu.memory_space<vmem>>) target_semaphore(%arg35 : memref<!tpu.dma_semaphore, #tpu.memory_space<semaphore_mem>>)
        %add3A_238 = arith.constant 2 : i32
        %add3A_239 = arith.addi %add3A_105, %add3A_238 : i32
        %mul3A_240 = arith.constant 80 : i32
        %mul3A_241 = arith.muli %add3A_239, %mul3A_240 : i32
        %eq3A_242 = arith.constant 0 : i32
        %eq3A_243 = arith.cmpi eq, %arg0, %eq3A_242 : i32
        %convert_element_type3A_244 = arith.extui %eq3A_243 : i1 to i32
        %cond3A_245 = arith.constant 0 : i32
        %cond3A_246 = arith.cmpi ne, %convert_element_type3A_244, %cond3A_245 : i32
        scf.if %cond3A_246 {
          %dma_start3A_252 = tpu.memref_slice %arg9[%mul3A_241] : memref<20000xi32, #tpu.memory_space<vmem>> -> memref<80xi32, #tpu.memory_space<vmem>>
          %dma_start3A_253 = arith.constant 0 : i32
          %dma_start3A_254 = arith.constant 0 : i32
          %dma_start3A_255 = tpu.memref_slice %arg2[%dma_start3A_253, %dma_start3A_254] : memref<10000x64xf32, #tpu.memory_space<hbm>> -> memref<10000x64xf32, #tpu.memory_space<hbm>>
          tpu.enqueue_indirect_dma source(%dma_start3A_255 : memref<10000x64xf32, #tpu.memory_space<hbm>>) target(%arg12 : memref<80x64xf32, #tpu.memory_space<vmem>>) offsets(%dma_start3A_252 : memref<80xi32, #tpu.memory_space<vmem>>) semaphore(%arg23 : memref<!tpu.dma_semaphore, #tpu.memory_space<semaphore_mem>>)
        } else {
        }
        %eq3A_247 = arith.constant 1 : i32
        %eq3A_248 = arith.cmpi eq, %arg0, %eq3A_247 : i32
        %convert_element_type3A_249 = arith.extui %eq3A_248 : i1 to i32
        %cond3A_250 = arith.constant 0 : i32
        %cond3A_251 = arith.cmpi ne, %convert_element_type3A_249, %cond3A_250 : i32
        scf.if %cond3A_251 {
          %dma_start3A_252 = tpu.memref_slice %arg9[%mul3A_241] : memref<20000xi32, #tpu.memory_space<vmem>> -> memref<80xi32, #tpu.memory_space<vmem>>
          %dma_start3A_253 = arith.constant 0 : i32
          %dma_start3A_254 = arith.constant 0 : i32
          %dma_start3A_255 = tpu.memref_slice %arg3[%dma_start3A_253, %dma_start3A_254] : memref<10000x64xf32, #tpu.memory_space<hbm>> -> memref<10000x64xf32, #tpu.memory_space<hbm>>
          tpu.enqueue_indirect_dma source(%dma_start3A_255 : memref<10000x64xf32, #tpu.memory_space<hbm>>) target(%arg12 : memref<80x64xf32, #tpu.memory_space<vmem>>) offsets(%dma_start3A_252 : memref<80xi32, #tpu.memory_space<vmem>>) semaphore(%arg23 : memref<!tpu.dma_semaphore, #tpu.memory_space<semaphore_mem>>)
        } else {
        }
      } else {
      }
      %mul3A_132 = arith.constant 4 : i32
      %mul3A_133 = arith.muli %scan3A_101, %mul3A_132 : i32
      %add3A_134 = arith.constant 1 : i32
      %add3A_135 = arith.addi %mul3A_133, %add3A_134 : i32
      %dma_wait3A_136 = arith.constant 0 : i32
      %dma_wait3A_137 = arith.constant 0 : i32
      %dma_wait3A_138 = tpu.memref_slice %arg2[%dma_wait3A_136, %dma_wait3A_137] : memref<10000x64xf32, #tpu.memory_space<hbm>> -> memref<80x64xf32, #tpu.memory_space<hbm>>
      %dma_wait3A_139 = arith.constant 0 : i32
      %dma_wait3A_140 = arith.constant 0 : i32
      %dma_wait3A_141 = tpu.memref_slice %arg2[%dma_wait3A_139, %dma_wait3A_140] : memref<10000x64xf32, #tpu.memory_space<hbm>> -> memref<80x64xf32, #tpu.memory_space<hbm>>
      tpu.wait_dma2 semaphore(%arg22 : memref<!tpu.dma_semaphore, #tpu.memory_space<semaphore_mem>>) src(%dma_wait3A_141 : memref<80x64xf32, #tpu.memory_space<hbm>>) dst(%arg11 : memref<80x64xf32, #tpu.memory_space<vmem>>)
      %ge3A_142 = arith.constant 4 : i32
      %ge3A_143 = arith.cmpi sge, %add3A_135, %ge3A_142 : i32
      %convert_element_type3A_144 = arith.extui %ge3A_143 : i1 to i32
      %cond3A_145 = arith.constant 0 : i32
      %cond3A_146 = arith.cmpi ne, %convert_element_type3A_144, %cond3A_145 : i32
      scf.if %cond3A_146 {
        %dma_wait3A_231 = arith.constant 0 : i32
        %dma_wait3A_232 = tpu.memref_slice %arg5[%dma_wait3A_231] : memref<320000xi32, #tpu.memory_space<hbm>> -> memref<80xi32, #tpu.memory_space<hbm>>
        %dma_wait3A_233 = arith.constant 0 : i32
        %dma_wait3A_234 = tpu.memref_slice %arg5[%dma_wait3A_233] : memref<320000xi32, #tpu.memory_space<hbm>> -> memref<80xi32, #tpu.memory_space<hbm>>
        tpu.wait_dma2 semaphore(%arg34 : memref<!tpu.dma_semaphore, #tpu.memory_space<semaphore_mem>>) src(%dma_wait3A_234 : memref<80xi32, #tpu.memory_space<hbm>>) dst(%arg15 : memref<80xi32, #tpu.memory_space<vmem>>)
      } else {
      }
      %ge3A_147 = arith.constant 1 : i32
      %ge3A_148 = arith.cmpi sge, %add3A_135, %ge3A_147 : i32
      %convert_element_type3A_149 = arith.extui %ge3A_148 : i1 to i32
      %cond3A_150 = arith.constant 0 : i32
      %cond3A_151 = arith.cmpi ne, %convert_element_type3A_149, %cond3A_150 : i32
      scf.if %cond3A_151 {
        %dma_wait3A_231 = arith.constant 0 : i32
        %dma_wait3A_232 = arith.constant 0 : i32
        %dma_wait3A_233 = tpu.memref_slice %arg19[%dma_wait3A_231, %dma_wait3A_232] : memref<10240x64xf32, #tpu.memory_space<vmem_shared>> -> memref<80x64xf32, #tpu.memory_space<vmem_shared>>
        %dma_wait3A_234 = arith.constant 0 : i32
        %dma_wait3A_235 = arith.constant 0 : i32
        %dma_wait3A_236 = tpu.memref_slice %arg19[%dma_wait3A_234, %dma_wait3A_235] : memref<10240x64xf32, #tpu.memory_space<vmem_shared>> -> memref<80x64xf32, #tpu.memory_space<vmem_shared>>
        tpu.wait_dma2 semaphore(%arg25 : memref<!tpu.dma_semaphore, #tpu.memory_space<semaphore_mem>>) src(%arg10 : memref<80x64xf32, #tpu.memory_space<vmem>>) dst(%dma_wait3A_236 : memref<80x64xf32, #tpu.memory_space<vmem_shared>>)
      } else {
      }
      %dma_start3A_152 = arith.constant 0 : i32
      %dma_start3A_153 = arith.constant 0 : i32
      %dma_start3A_154 = tpu.memref_slice %arg19[%dma_start3A_152, %dma_start3A_153] : memref<10240x64xf32, #tpu.memory_space<vmem_shared>> -> memref<10240x64xf32, #tpu.memory_space<vmem_shared>>
      tpu.enqueue_indirect_dma source(%arg11 : memref<80x64xf32, #tpu.memory_space<vmem>>) target(%dma_start3A_154 : memref<10240x64xf32, #tpu.memory_space<vmem_shared>>) offsets(%arg15 : memref<80xi32, #tpu.memory_space<vmem>>) semaphore(%arg26 : memref<!tpu.dma_semaphore, #tpu.memory_space<semaphore_mem>>) {add = true}
      %ge3A_155 = arith.constant 2 : i32
      %ge3A_156 = arith.cmpi sge, %add3A_135, %ge3A_155 : i32
      %add3A_157 = arith.constant 2 : i32
      %add3A_158 = arith.addi %add3A_135, %add3A_157 : i32
      %lt3A_159 = arith.constant 250 : i32
      %lt3A_160 = arith.cmpi slt, %add3A_158, %lt3A_159 : i32
      %and3A_161 = arith.andi %ge3A_156, %lt3A_160 : i1
      %convert_element_type3A_162 = arith.extui %and3A_161 : i1 to i32
      %cond3A_163 = arith.constant 0 : i32
      %cond3A_164 = arith.cmpi ne, %convert_element_type3A_162, %cond3A_163 : i32
      scf.if %cond3A_164 {
        %add3A_231 = arith.constant 2 : i32
        %add3A_232 = arith.addi %add3A_135, %add3A_231 : i32
        %mul3A_233 = arith.constant 80 : i32
        %mul3A_234 = arith.muli %add3A_232, %mul3A_233 : i32
        %add3A_235 = arith.addi %mul3A_4, %mul3A_234 : i32
        %dma_start3A_236 = tpu.memref_slice %arg5[%add3A_235] : memref<320000xi32, #tpu.memory_space<hbm>> -> memref<80xi32, #tpu.memory_space<hbm>>
        %dma_start3A_237 = tpu.memref_slice %arg5[%add3A_235] : memref<320000xi32, #tpu.memory_space<hbm>> -> memref<80xi32, #tpu.memory_space<hbm>>
        tpu.enqueue_dma source(%dma_start3A_237 : memref<80xi32, #tpu.memory_space<hbm>>) target(%arg17 : memref<80xi32, #tpu.memory_space<vmem>>) target_semaphore(%arg36 : memref<!tpu.dma_semaphore, #tpu.memory_space<semaphore_mem>>)
        %add3A_238 = arith.constant 2 : i32
        %add3A_239 = arith.addi %add3A_135, %add3A_238 : i32
        %mul3A_240 = arith.constant 80 : i32
        %mul3A_241 = arith.muli %add3A_239, %mul3A_240 : i32
        %eq3A_242 = arith.constant 0 : i32
        %eq3A_243 = arith.cmpi eq, %arg0, %eq3A_242 : i32
        %convert_element_type3A_244 = arith.extui %eq3A_243 : i1 to i32
        %cond3A_245 = arith.constant 0 : i32
        %cond3A_246 = arith.cmpi ne, %convert_element_type3A_244, %cond3A_245 : i32
        scf.if %cond3A_246 {
          %dma_start3A_252 = tpu.memref_slice %arg9[%mul3A_241] : memref<20000xi32, #tpu.memory_space<vmem>> -> memref<80xi32, #tpu.memory_space<vmem>>
          %dma_start3A_253 = arith.constant 0 : i32
          %dma_start3A_254 = arith.constant 0 : i32
          %dma_start3A_255 = tpu.memref_slice %arg2[%dma_start3A_253, %dma_start3A_254] : memref<10000x64xf32, #tpu.memory_space<hbm>> -> memref<10000x64xf32, #tpu.memory_space<hbm>>
          tpu.enqueue_indirect_dma source(%dma_start3A_255 : memref<10000x64xf32, #tpu.memory_space<hbm>>) target(%arg13 : memref<80x64xf32, #tpu.memory_space<vmem>>) offsets(%dma_start3A_252 : memref<80xi32, #tpu.memory_space<vmem>>) semaphore(%arg24 : memref<!tpu.dma_semaphore, #tpu.memory_space<semaphore_mem>>)
        } else {
        }
        %eq3A_247 = arith.constant 1 : i32
        %eq3A_248 = arith.cmpi eq, %arg0, %eq3A_247 : i32
        %convert_element_type3A_249 = arith.extui %eq3A_248 : i1 to i32
        %cond3A_250 = arith.constant 0 : i32
        %cond3A_251 = arith.cmpi ne, %convert_element_type3A_249, %cond3A_250 : i32
        scf.if %cond3A_251 {
          %dma_start3A_252 = tpu.memref_slice %arg9[%mul3A_241] : memref<20000xi32, #tpu.memory_space<vmem>> -> memref<80xi32, #tpu.memory_space<vmem>>
          %dma_start3A_253 = arith.constant 0 : i32
          %dma_start3A_254 = arith.constant 0 : i32
          %dma_start3A_255 = tpu.memref_slice %arg3[%dma_start3A_253, %dma_start3A_254] : memref<10000x64xf32, #tpu.memory_space<hbm>> -> memref<10000x64xf32, #tpu.memory_space<hbm>>
          tpu.enqueue_indirect_dma source(%dma_start3A_255 : memref<10000x64xf32, #tpu.memory_space<hbm>>) target(%arg13 : memref<80x64xf32, #tpu.memory_space<vmem>>) offsets(%dma_start3A_252 : memref<80xi32, #tpu.memory_space<vmem>>) semaphore(%arg24 : memref<!tpu.dma_semaphore, #tpu.memory_space<semaphore_mem>>)
        } else {
        }
      } else {
      }
      %mul3A_165 = arith.constant 4 : i32
      %mul3A_166 = arith.muli %scan3A_101, %mul3A_165 : i32
      %add3A_167 = arith.constant 2 : i32
      %add3A_168 = arith.addi %mul3A_166, %add3A_167 : i32
      %dma_wait3A_169 = arith.constant 0 : i32
      %dma_wait3A_170 = arith.constant 0 : i32
      %dma_wait3A_171 = tpu.memref_slice %arg2[%dma_wait3A_169, %dma_wait3A_170] : memref<10000x64xf32, #tpu.memory_space<hbm>> -> memref<80x64xf32, #tpu.memory_space<hbm>>
      %dma_wait3A_172 = arith.constant 0 : i32
      %dma_wait3A_173 = arith.constant 0 : i32
      %dma_wait3A_174 = tpu.memref_slice %arg2[%dma_wait3A_172, %dma_wait3A_173] : memref<10000x64xf32, #tpu.memory_space<hbm>> -> memref<80x64xf32, #tpu.memory_space<hbm>>
      tpu.wait_dma2 semaphore(%arg23 : memref<!tpu.dma_semaphore, #tpu.memory_space<semaphore_mem>>) src(%dma_wait3A_174 : memref<80x64xf32, #tpu.memory_space<hbm>>) dst(%arg12 : memref<80x64xf32, #tpu.memory_space<vmem>>)
      %ge3A_175 = arith.constant 4 : i32
      %ge3A_176 = arith.cmpi sge, %add3A_168, %ge3A_175 : i32
      %convert_element_type3A_177 = arith.extui %ge3A_176 : i1 to i32
      %cond3A_178 = arith.constant 0 : i32
      %cond3A_179 = arith.cmpi ne, %convert_element_type3A_177, %cond3A_178 : i32
      scf.if %cond3A_179 {
        %dma_wait3A_231 = arith.constant 0 : i32
        %dma_wait3A_232 = tpu.memref_slice %arg5[%dma_wait3A_231] : memref<320000xi32, #tpu.memory_space<hbm>> -> memref<80xi32, #tpu.memory_space<hbm>>
        %dma_wait3A_233 = arith.constant 0 : i32
        %dma_wait3A_234 = tpu.memref_slice %arg5[%dma_wait3A_233] : memref<320000xi32, #tpu.memory_space<hbm>> -> memref<80xi32, #tpu.memory_space<hbm>>
        tpu.wait_dma2 semaphore(%arg35 : memref<!tpu.dma_semaphore, #tpu.memory_space<semaphore_mem>>) src(%dma_wait3A_234 : memref<80xi32, #tpu.memory_space<hbm>>) dst(%arg16 : memref<80xi32, #tpu.memory_space<vmem>>)
      } else {
      }
      %ge3A_180 = arith.constant 1 : i32
      %ge3A_181 = arith.cmpi sge, %add3A_168, %ge3A_180 : i32
      %convert_element_type3A_182 = arith.extui %ge3A_181 : i1 to i32
      %cond3A_183 = arith.constant 0 : i32
      %cond3A_184 = arith.cmpi ne, %convert_element_type3A_182, %cond3A_183 : i32
      scf.if %cond3A_184 {
        %dma_wait3A_231 = arith.constant 0 : i32
        %dma_wait3A_232 = arith.constant 0 : i32
        %dma_wait3A_233 = tpu.memref_slice %arg19[%dma_wait3A_231, %dma_wait3A_232] : memref<10240x64xf32, #tpu.memory_space<vmem_shared>> -> memref<80x64xf32, #tpu.memory_space<vmem_shared>>
        %dma_wait3A_234 = arith.constant 0 : i32
        %dma_wait3A_235 = arith.constant 0 : i32
        %dma_wait3A_236 = tpu.memref_slice %arg19[%dma_wait3A_234, %dma_wait3A_235] : memref<10240x64xf32, #tpu.memory_space<vmem_shared>> -> memref<80x64xf32, #tpu.memory_space<vmem_shared>>
        tpu.wait_dma2 semaphore(%arg26 : memref<!tpu.dma_semaphore, #tpu.memory_space<semaphore_mem>>) src(%arg11 : memref<80x64xf32, #tpu.memory_space<vmem>>) dst(%dma_wait3A_236 : memref<80x64xf32, #tpu.memory_space<vmem_shared>>)
      } else {
      }
      %dma_start3A_185 = arith.constant 0 : i32
      %dma_start3A_186 = arith.constant 0 : i32
      %dma_start3A_187 = tpu.memref_slice %arg19[%dma_start3A_185, %dma_start3A_186] : memref<10240x64xf32, #tpu.memory_space<vmem_shared>> -> memref<10240x64xf32, #tpu.memory_space<vmem_shared>>
      tpu.enqueue_indirect_dma source(%arg12 : memref<80x64xf32, #tpu.memory_space<vmem>>) target(%dma_start3A_187 : memref<10240x64xf32, #tpu.memory_space<vmem_shared>>) offsets(%arg16 : memref<80xi32, #tpu.memory_space<vmem>>) semaphore(%arg27 : memref<!tpu.dma_semaphore, #tpu.memory_space<semaphore_mem>>) {add = true}
      %ge3A_188 = arith.constant 2 : i32
      %ge3A_189 = arith.cmpi sge, %add3A_168, %ge3A_188 : i32
      %add3A_190 = arith.constant 2 : i32
      %add3A_191 = arith.addi %add3A_168, %add3A_190 : i32
      %lt3A_192 = arith.constant 250 : i32
      %lt3A_193 = arith.cmpi slt, %add3A_191, %lt3A_192 : i32
      %and3A_194 = arith.andi %ge3A_189, %lt3A_193 : i1
      %convert_element_type3A_195 = arith.extui %and3A_194 : i1 to i32
      %cond3A_196 = arith.constant 0 : i32
      %cond3A_197 = arith.cmpi ne, %convert_element_type3A_195, %cond3A_196 : i32
      scf.if %cond3A_197 {
        %add3A_231 = arith.constant 2 : i32
        %add3A_232 = arith.addi %add3A_168, %add3A_231 : i32
        %mul3A_233 = arith.constant 80 : i32
        %mul3A_234 = arith.muli %add3A_232, %mul3A_233 : i32
        %add3A_235 = arith.addi %mul3A_4, %mul3A_234 : i32
        %dma_start3A_236 = tpu.memref_slice %arg5[%add3A_235] : memref<320000xi32, #tpu.memory_space<hbm>> -> memref<80xi32, #tpu.memory_space<hbm>>
        %dma_start3A_237 = tpu.memref_slice %arg5[%add3A_235] : memref<320000xi32, #tpu.memory_space<hbm>> -> memref<80xi32, #tpu.memory_space<hbm>>
        tpu.enqueue_dma source(%dma_start3A_237 : memref<80xi32, #tpu.memory_space<hbm>>) target(%arg14 : memref<80xi32, #tpu.memory_space<vmem>>) target_semaphore(%arg33 : memref<!tpu.dma_semaphore, #tpu.memory_space<semaphore_mem>>)
        %add3A_238 = arith.constant 2 : i32
        %add3A_239 = arith.addi %add3A_168, %add3A_238 : i32
        %mul3A_240 = arith.constant 80 : i32
        %mul3A_241 = arith.muli %add3A_239, %mul3A_240 : i32
        %eq3A_242 = arith.constant 0 : i32
        %eq3A_243 = arith.cmpi eq, %arg0, %eq3A_242 : i32
        %convert_element_type3A_244 = arith.extui %eq3A_243 : i1 to i32
        %cond3A_245 = arith.constant 0 : i32
        %cond3A_246 = arith.cmpi ne, %convert_element_type3A_244, %cond3A_245 : i32
        scf.if %cond3A_246 {
          %dma_start3A_252 = tpu.memref_slice %arg9[%mul3A_241] : memref<20000xi32, #tpu.memory_space<vmem>> -> memref<80xi32, #tpu.memory_space<vmem>>
          %dma_start3A_253 = arith.constant 0 : i32
          %dma_start3A_254 = arith.constant 0 : i32
          %dma_start3A_255 = tpu.memref_slice %arg2[%dma_start3A_253, %dma_start3A_254] : memref<10000x64xf32, #tpu.memory_space<hbm>> -> memref<10000x64xf32, #tpu.memory_space<hbm>>
          tpu.enqueue_indirect_dma source(%dma_start3A_255 : memref<10000x64xf32, #tpu.memory_space<hbm>>) target(%arg10 : memref<80x64xf32, #tpu.memory_space<vmem>>) offsets(%dma_start3A_252 : memref<80xi32, #tpu.memory_space<vmem>>) semaphore(%arg21 : memref<!tpu.dma_semaphore, #tpu.memory_space<semaphore_mem>>)
        } else {
        }
        %eq3A_247 = arith.constant 1 : i32
        %eq3A_248 = arith.cmpi eq, %arg0, %eq3A_247 : i32
        %convert_element_type3A_249 = arith.extui %eq3A_248 : i1 to i32
        %cond3A_250 = arith.constant 0 : i32
        %cond3A_251 = arith.cmpi ne, %convert_element_type3A_249, %cond3A_250 : i32
        scf.if %cond3A_251 {
          %dma_start3A_252 = tpu.memref_slice %arg9[%mul3A_241] : memref<20000xi32, #tpu.memory_space<vmem>> -> memref<80xi32, #tpu.memory_space<vmem>>
          %dma_start3A_253 = arith.constant 0 : i32
          %dma_start3A_254 = arith.constant 0 : i32
          %dma_start3A_255 = tpu.memref_slice %arg3[%dma_start3A_253, %dma_start3A_254] : memref<10000x64xf32, #tpu.memory_space<hbm>> -> memref<10000x64xf32, #tpu.memory_space<hbm>>
          tpu.enqueue_indirect_dma source(%dma_start3A_255 : memref<10000x64xf32, #tpu.memory_space<hbm>>) target(%arg10 : memref<80x64xf32, #tpu.memory_space<vmem>>) offsets(%dma_start3A_252 : memref<80xi32, #tpu.memory_space<vmem>>) semaphore(%arg21 : memref<!tpu.dma_semaphore, #tpu.memory_space<semaphore_mem>>)
        } else {
        }
      } else {
      }
      %mul3A_198 = arith.constant 4 : i32
      %mul3A_199 = arith.muli %scan3A_101, %mul3A_198 : i32
      %add3A_200 = arith.constant 3 : i32
      %add3A_201 = arith.addi %mul3A_199, %add3A_200 : i32
      %dma_wait3A_202 = arith.constant 0 : i32
      %dma_wait3A_203 = arith.constant 0 : i32
      %dma_wait3A_204 = tpu.memref_slice %arg2[%dma_wait3A_202, %dma_wait3A_203] : memref<10000x64xf32, #tpu.memory_space<hbm>> -> memref<80x64xf32, #tpu.memory_space<hbm>>
      %dma_wait3A_205 = arith.constant 0 : i32
      %dma_wait3A_206 = arith.constant 0 : i32
      %dma_wait3A_207 = tpu.memref_slice %arg2[%dma_wait3A_205, %dma_wait3A_206] : memref<10000x64xf32, #tpu.memory_space<hbm>> -> memref<80x64xf32, #tpu.memory_space<hbm>>
      tpu.wait_dma2 semaphore(%arg24 : memref<!tpu.dma_semaphore, #tpu.memory_space<semaphore_mem>>) src(%dma_wait3A_207 : memref<80x64xf32, #tpu.memory_space<hbm>>) dst(%arg13 : memref<80x64xf32, #tpu.memory_space<vmem>>)
      %ge3A_208 = arith.constant 4 : i32
      %ge3A_209 = arith.cmpi sge, %add3A_201, %ge3A_208 : i32
      %convert_element_type3A_210 = arith.extui %ge3A_209 : i1 to i32
      %cond3A_211 = arith.constant 0 : i32
      %cond3A_212 = arith.cmpi ne, %convert_element_type3A_210, %cond3A_211 : i32
      scf.if %cond3A_212 {
        %dma_wait3A_231 = arith.constant 0 : i32
        %dma_wait3A_232 = tpu.memref_slice %arg5[%dma_wait3A_231] : memref<320000xi32, #tpu.memory_space<hbm>> -> memref<80xi32, #tpu.memory_space<hbm>>
        %dma_wait3A_233 = arith.constant 0 : i32
        %dma_wait3A_234 = tpu.memref_slice %arg5[%dma_wait3A_233] : memref<320000xi32, #tpu.memory_space<hbm>> -> memref<80xi32, #tpu.memory_space<hbm>>
        tpu.wait_dma2 semaphore(%arg36 : memref<!tpu.dma_semaphore, #tpu.memory_space<semaphore_mem>>) src(%dma_wait3A_234 : memref<80xi32, #tpu.memory_space<hbm>>) dst(%arg17 : memref<80xi32, #tpu.memory_space<vmem>>)
      } else {
      }
      %ge3A_213 = arith.constant 1 : i32
      %ge3A_214 = arith.cmpi sge, %add3A_201, %ge3A_213 : i32
      %convert_element_type3A_215 = arith.extui %ge3A_214 : i1 to i32
      %cond3A_216 = arith.constant 0 : i32
      %cond3A_217 = arith.cmpi ne, %convert_element_type3A_215, %cond3A_216 : i32
      scf.if %cond3A_217 {
        %dma_wait3A_231 = arith.constant 0 : i32
        %dma_wait3A_232 = arith.constant 0 : i32
        %dma_wait3A_233 = tpu.memref_slice %arg19[%dma_wait3A_231, %dma_wait3A_232] : memref<10240x64xf32, #tpu.memory_space<vmem_shared>> -> memref<80x64xf32, #tpu.memory_space<vmem_shared>>
        %dma_wait3A_234 = arith.constant 0 : i32
        %dma_wait3A_235 = arith.constant 0 : i32
        %dma_wait3A_236 = tpu.memref_slice %arg19[%dma_wait3A_234, %dma_wait3A_235] : memref<10240x64xf32, #tpu.memory_space<vmem_shared>> -> memref<80x64xf32, #tpu.memory_space<vmem_shared>>
        tpu.wait_dma2 semaphore(%arg27 : memref<!tpu.dma_semaphore, #tpu.memory_space<semaphore_mem>>) src(%arg12 : memref<80x64xf32, #tpu.memory_space<vmem>>) dst(%dma_wait3A_236 : memref<80x64xf32, #tpu.memory_space<vmem_shared>>)
      } else {
      }
      %dma_start3A_218 = arith.constant 0 : i32
      %dma_start3A_219 = arith.constant 0 : i32
      %dma_start3A_220 = tpu.memref_slice %arg19[%dma_start3A_218, %dma_start3A_219] : memref<10240x64xf32, #tpu.memory_space<vmem_shared>> -> memref<10240x64xf32, #tpu.memory_space<vmem_shared>>
      tpu.enqueue_indirect_dma source(%arg13 : memref<80x64xf32, #tpu.memory_space<vmem>>) target(%dma_start3A_220 : memref<10240x64xf32, #tpu.memory_space<vmem_shared>>) offsets(%arg17 : memref<80xi32, #tpu.memory_space<vmem>>) semaphore(%arg28 : memref<!tpu.dma_semaphore, #tpu.memory_space<semaphore_mem>>) {add = true}
      %ge3A_221 = arith.constant 2 : i32
      %ge3A_222 = arith.cmpi sge, %add3A_201, %ge3A_221 : i32
      %add3A_223 = arith.constant 2 : i32
      %add3A_224 = arith.addi %add3A_201, %add3A_223 : i32
      %lt3A_225 = arith.constant 250 : i32
      %lt3A_226 = arith.cmpi slt, %add3A_224, %lt3A_225 : i32
      %and3A_227 = arith.andi %ge3A_222, %lt3A_226 : i1
      %convert_element_type3A_228 = arith.extui %and3A_227 : i1 to i32
      %cond3A_229 = arith.constant 0 : i32
      %cond3A_230 = arith.cmpi ne, %convert_element_type3A_228, %cond3A_229 : i32
      scf.if %cond3A_230 {
        %add3A_231 = arith.constant 2 : i32
        %add3A_232 = arith.addi %add3A_201, %add3A_231 : i32
        %mul3A_233 = arith.constant 80 : i32
        %mul3A_234 = arith.muli %add3A_232, %mul3A_233 : i32
        %add3A_235 = arith.addi %mul3A_4, %mul3A_234 : i32
        %dma_start3A_236 = tpu.memref_slice %arg5[%add3A_235] : memref<320000xi32, #tpu.memory_space<hbm>> -> memref<80xi32, #tpu.memory_space<hbm>>
        %dma_start3A_237 = tpu.memref_slice %arg5[%add3A_235] : memref<320000xi32, #tpu.memory_space<hbm>> -> memref<80xi32, #tpu.memory_space<hbm>>
        tpu.enqueue_dma source(%dma_start3A_237 : memref<80xi32, #tpu.memory_space<hbm>>) target(%arg15 : memref<80xi32, #tpu.memory_space<vmem>>) target_semaphore(%arg34 : memref<!tpu.dma_semaphore, #tpu.memory_space<semaphore_mem>>)
        %add3A_238 = arith.constant 2 : i32
        %add3A_239 = arith.addi %add3A_201, %add3A_238 : i32
        %mul3A_240 = arith.constant 80 : i32
        %mul3A_241 = arith.muli %add3A_239, %mul3A_240 : i32
        %eq3A_242 = arith.constant 0 : i32
        %eq3A_243 = arith.cmpi eq, %arg0, %eq3A_242 : i32
        %convert_element_type3A_244 = arith.extui %eq3A_243 : i1 to i32
        %cond3A_245 = arith.constant 0 : i32
        %cond3A_246 = arith.cmpi ne, %convert_element_type3A_244, %cond3A_245 : i32
        scf.if %cond3A_246 {
          %dma_start3A_252 = tpu.memref_slice %arg9[%mul3A_241] : memref<20000xi32, #tpu.memory_space<vmem>> -> memref<80xi32, #tpu.memory_space<vmem>>
          %dma_start3A_253 = arith.constant 0 : i32
          %dma_start3A_254 = arith.constant 0 : i32
          %dma_start3A_255 = tpu.memref_slice %arg2[%dma_start3A_253, %dma_start3A_254] : memref<10000x64xf32, #tpu.memory_space<hbm>> -> memref<10000x64xf32, #tpu.memory_space<hbm>>
          tpu.enqueue_indirect_dma source(%dma_start3A_255 : memref<10000x64xf32, #tpu.memory_space<hbm>>) target(%arg11 : memref<80x64xf32, #tpu.memory_space<vmem>>) offsets(%dma_start3A_252 : memref<80xi32, #tpu.memory_space<vmem>>) semaphore(%arg22 : memref<!tpu.dma_semaphore, #tpu.memory_space<semaphore_mem>>)
        } else {
        }
        %eq3A_247 = arith.constant 1 : i32
        %eq3A_248 = arith.cmpi eq, %arg0, %eq3A_247 : i32
        %convert_element_type3A_249 = arith.extui %eq3A_248 : i1 to i32
        %cond3A_250 = arith.constant 0 : i32
        %cond3A_251 = arith.cmpi ne, %convert_element_type3A_249, %cond3A_250 : i32
        scf.if %cond3A_251 {
          %dma_start3A_252 = tpu.memref_slice %arg9[%mul3A_241] : memref<20000xi32, #tpu.memory_space<vmem>> -> memref<80xi32, #tpu.memory_space<vmem>>
          %dma_start3A_253 = arith.constant 0 : i32
          %dma_start3A_254 = arith.constant 0 : i32
          %dma_start3A_255 = tpu.memref_slice %arg3[%dma_start3A_253, %dma_start3A_254] : memref<10000x64xf32, #tpu.memory_space<hbm>> -> memref<10000x64xf32, #tpu.memory_space<hbm>>
          tpu.enqueue_indirect_dma source(%dma_start3A_255 : memref<10000x64xf32, #tpu.memory_space<hbm>>) target(%arg11 : memref<80x64xf32, #tpu.memory_space<vmem>>) offsets(%dma_start3A_252 : memref<80xi32, #tpu.memory_space<vmem>>) semaphore(%arg22 : memref<!tpu.dma_semaphore, #tpu.memory_space<semaphore_mem>>)
        } else {
        }
      } else {
      }
    }
    %scan3A_53 = arith.constant 62 : i32
    %dma_wait3A = arith.constant 0 : i32
    %dma_wait3A_54 = arith.constant 0 : i32
    %dma_wait3A_55 = tpu.memref_slice %arg2[%dma_wait3A, %dma_wait3A_54] : memref<10000x64xf32, #tpu.memory_space<hbm>> -> memref<80x64xf32, #tpu.memory_space<hbm>>
    %dma_wait3A_56 = arith.constant 0 : i32
    %dma_wait3A_57 = arith.constant 0 : i32
    %dma_wait3A_58 = tpu.memref_slice %arg2[%dma_wait3A_56, %dma_wait3A_57] : memref<10000x64xf32, #tpu.memory_space<hbm>> -> memref<80x64xf32, #tpu.memory_space<hbm>>
    tpu.wait_dma2 semaphore(%arg21 : memref<!tpu.dma_semaphore, #tpu.memory_space<semaphore_mem>>) src(%dma_wait3A_58 : memref<80x64xf32, #tpu.memory_space<hbm>>) dst(%arg10 : memref<80x64xf32, #tpu.memory_space<vmem>>)
    %dma_wait3A_59 = arith.constant 0 : i32
    %dma_wait3A_60 = tpu.memref_slice %arg5[%dma_wait3A_59] : memref<320000xi32, #tpu.memory_space<hbm>> -> memref<80xi32, #tpu.memory_space<hbm>>
    %dma_wait3A_61 = arith.constant 0 : i32
    %dma_wait3A_62 = tpu.memref_slice %arg5[%dma_wait3A_61] : memref<320000xi32, #tpu.memory_space<hbm>> -> memref<80xi32, #tpu.memory_space<hbm>>
    tpu.wait_dma2 semaphore(%arg33 : memref<!tpu.dma_semaphore, #tpu.memory_space<semaphore_mem>>) src(%dma_wait3A_62 : memref<80xi32, #tpu.memory_space<hbm>>) dst(%arg14 : memref<80xi32, #tpu.memory_space<vmem>>)
    %dma_wait3A_63 = arith.constant 0 : i32
    %dma_wait3A_64 = arith.constant 0 : i32
    %dma_wait3A_65 = tpu.memref_slice %arg19[%dma_wait3A_63, %dma_wait3A_64] : memref<10240x64xf32, #tpu.memory_space<vmem_shared>> -> memref<80x64xf32, #tpu.memory_space<vmem_shared>>
    %dma_wait3A_66 = arith.constant 0 : i32
    %dma_wait3A_67 = arith.constant 0 : i32
    %dma_wait3A_68 = tpu.memref_slice %arg19[%dma_wait3A_66, %dma_wait3A_67] : memref<10240x64xf32, #tpu.memory_space<vmem_shared>> -> memref<80x64xf32, #tpu.memory_space<vmem_shared>>
    tpu.wait_dma2 semaphore(%arg28 : memref<!tpu.dma_semaphore, #tpu.memory_space<semaphore_mem>>) src(%arg13 : memref<80x64xf32, #tpu.memory_space<vmem>>) dst(%dma_wait3A_68 : memref<80x64xf32, #tpu.memory_space<vmem_shared>>)
    %dma_start3A = arith.constant 0 : i32
    %dma_start3A_69 = arith.constant 0 : i32
    %dma_start3A_70 = tpu.memref_slice %arg19[%dma_start3A, %dma_start3A_69] : memref<10240x64xf32, #tpu.memory_space<vmem_shared>> -> memref<10240x64xf32, #tpu.memory_space<vmem_shared>>
    tpu.enqueue_indirect_dma source(%arg10 : memref<80x64xf32, #tpu.memory_space<vmem>>) target(%dma_start3A_70 : memref<10240x64xf32, #tpu.memory_space<vmem_shared>>) offsets(%arg14 : memref<80xi32, #tpu.memory_space<vmem>>) semaphore(%arg25 : memref<!tpu.dma_semaphore, #tpu.memory_space<semaphore_mem>>) {add = true}
    %dma_wait3A_71 = arith.constant 0 : i32
    %dma_wait3A_72 = arith.constant 0 : i32
    %dma_wait3A_73 = tpu.memref_slice %arg2[%dma_wait3A_71, %dma_wait3A_72] : memref<10000x64xf32, #tpu.memory_space<hbm>> -> memref<80x64xf32, #tpu.memory_space<hbm>>
    %dma_wait3A_74 = arith.constant 0 : i32
    %dma_wait3A_75 = arith.constant 0 : i32
    %dma_wait3A_76 = tpu.memref_slice %arg2[%dma_wait3A_74, %dma_wait3A_75] : memref<10000x64xf32, #tpu.memory_space<hbm>> -> memref<80x64xf32, #tpu.memory_space<hbm>>
    tpu.wait_dma2 semaphore(%arg22 : memref<!tpu.dma_semaphore, #tpu.memory_space<semaphore_mem>>) src(%dma_wait3A_76 : memref<80x64xf32, #tpu.memory_space<hbm>>) dst(%arg11 : memref<80x64xf32, #tpu.memory_space<vmem>>)
    %dma_wait3A_77 = arith.constant 0 : i32
    %dma_wait3A_78 = tpu.memref_slice %arg5[%dma_wait3A_77] : memref<320000xi32, #tpu.memory_space<hbm>> -> memref<80xi32, #tpu.memory_space<hbm>>
    %dma_wait3A_79 = arith.constant 0 : i32
    %dma_wait3A_80 = tpu.memref_slice %arg5[%dma_wait3A_79] : memref<320000xi32, #tpu.memory_space<hbm>> -> memref<80xi32, #tpu.memory_space<hbm>>
    tpu.wait_dma2 semaphore(%arg34 : memref<!tpu.dma_semaphore, #tpu.memory_space<semaphore_mem>>) src(%dma_wait3A_80 : memref<80xi32, #tpu.memory_space<hbm>>) dst(%arg15 : memref<80xi32, #tpu.memory_space<vmem>>)
    %dma_wait3A_81 = arith.constant 0 : i32
    %dma_wait3A_82 = arith.constant 0 : i32
    %dma_wait3A_83 = tpu.memref_slice %arg19[%dma_wait3A_81, %dma_wait3A_82] : memref<10240x64xf32, #tpu.memory_space<vmem_shared>> -> memref<80x64xf32, #tpu.memory_space<vmem_shared>>
    %dma_wait3A_84 = arith.constant 0 : i32
    %dma_wait3A_85 = arith.constant 0 : i32
    %dma_wait3A_86 = tpu.memref_slice %arg19[%dma_wait3A_84, %dma_wait3A_85] : memref<10240x64xf32, #tpu.memory_space<vmem_shared>> -> memref<80x64xf32, #tpu.memory_space<vmem_shared>>
    tpu.wait_dma2 semaphore(%arg25 : memref<!tpu.dma_semaphore, #tpu.memory_space<semaphore_mem>>) src(%arg10 : memref<80x64xf32, #tpu.memory_space<vmem>>) dst(%dma_wait3A_86 : memref<80x64xf32, #tpu.memory_space<vmem_shared>>)
    %dma_start3A_87 = arith.constant 0 : i32
    %dma_start3A_88 = arith.constant 0 : i32
    %dma_start3A_89 = tpu.memref_slice %arg19[%dma_start3A_87, %dma_start3A_88] : memref<10240x64xf32, #tpu.memory_space<vmem_shared>> -> memref<10240x64xf32, #tpu.memory_space<vmem_shared>>
    tpu.enqueue_indirect_dma source(%arg11 : memref<80x64xf32, #tpu.memory_space<vmem>>) target(%dma_start3A_89 : memref<10240x64xf32, #tpu.memory_space<vmem_shared>>) offsets(%arg15 : memref<80xi32, #tpu.memory_space<vmem>>) semaphore(%arg26 : memref<!tpu.dma_semaphore, #tpu.memory_space<semaphore_mem>>) {add = true}
    %dma_wait3A_90 = arith.constant 0 : i32
    %dma_wait3A_91 = arith.constant 0 : i32
    %dma_wait3A_92 = tpu.memref_slice %arg19[%dma_wait3A_90, %dma_wait3A_91] : memref<10240x64xf32, #tpu.memory_space<vmem_shared>> -> memref<80x64xf32, #tpu.memory_space<vmem_shared>>
    %dma_wait3A_93 = arith.constant 0 : i32
    %dma_wait3A_94 = arith.constant 0 : i32
    %dma_wait3A_95 = tpu.memref_slice %arg19[%dma_wait3A_93, %dma_wait3A_94] : memref<10240x64xf32, #tpu.memory_space<vmem_shared>> -> memref<80x64xf32, #tpu.memory_space<vmem_shared>>
    tpu.wait_dma2 semaphore(%arg26 : memref<!tpu.dma_semaphore, #tpu.memory_space<semaphore_mem>>) src(%arg11 : memref<80x64xf32, #tpu.memory_space<vmem>>) dst(%dma_wait3A_95 : memref<80x64xf32, #tpu.memory_space<vmem_shared>>)
    %barrier3A_96 = arith.constant 0 : index
    tpu.barrier barrier_id(%barrier3A_96)
    %mul3A_97 = arith.constant 640 : i32
    %mul3A_98 = arith.muli %arg1, %mul3A_97 : i32
    %mul3A_99 = arith.constant 640 : i32
    %mul3A_100 = arith.muli %arg1, %mul3A_99 : i32
    "tpu.region"() ({
      %run_scoped3A = tpu.sem_alloc : memref<!tpu.dma_semaphore, #tpu.memory_space<semaphore_mem>>
      %dma_start3A_101 = arith.constant 0 : i32
      %dma_start3A_102 = tpu.memref_slice %arg8[%arg0, %mul3A_100, %dma_start3A_101] : memref<2x10240x64xf32, #tpu.memory_space<hbm>> -> memref<1x640x64xf32, #tpu.memory_space<hbm>>
      %dma_start3A_103 = tpu.memref_squeeze %dma_start3A_102 : memref<1x640x64xf32, #tpu.memory_space<hbm>> -> memref<640x64xf32, #tpu.memory_space<hbm>>
      %dma_start3A_104 = arith.constant 0 : i32
      %dma_start3A_105 = tpu.memref_slice %arg19[%mul3A_98, %dma_start3A_104] : memref<10240x64xf32, #tpu.memory_space<vmem_shared>> -> memref<640x64xf32, #tpu.memory_space<vmem_shared>>
      tpu.enqueue_dma source(%dma_start3A_105 : memref<640x64xf32, #tpu.memory_space<vmem_shared>>) target(%dma_start3A_103 : memref<640x64xf32, #tpu.memory_space<hbm>>) target_semaphore(%run_scoped3A : memref<!tpu.dma_semaphore, #tpu.memory_space<semaphore_mem>>)
      %dma_wait3A_106 = arith.constant 0 : i32
      %dma_wait3A_107 = tpu.memref_slice %arg8[%arg0, %mul3A_100, %dma_wait3A_106] : memref<2x10240x64xf32, #tpu.memory_space<hbm>> -> memref<1x640x64xf32, #tpu.memory_space<hbm>>
      %dma_wait3A_108 = tpu.memref_squeeze %dma_wait3A_107 : memref<1x640x64xf32, #tpu.memory_space<hbm>> -> memref<640x64xf32, #tpu.memory_space<hbm>>
      %dma_wait3A_109 = arith.constant 0 : i32
      %dma_wait3A_110 = tpu.memref_slice %arg19[%mul3A_98, %dma_wait3A_109] : memref<10240x64xf32, #tpu.memory_space<vmem_shared>> -> memref<640x64xf32, #tpu.memory_space<vmem_shared>>
      tpu.wait_dma2 semaphore(%run_scoped3A : memref<!tpu.dma_semaphore, #tpu.memory_space<semaphore_mem>>) src(%dma_wait3A_110 : memref<640x64xf32, #tpu.memory_space<vmem_shared>>) dst(%dma_wait3A_108 : memref<640x64xf32, #tpu.memory_space<hbm>>)
      tpu.yield
    }) : () -> ()
    return
  }
}

module attributes {stable_mosaic.version = 14 : i64} {
  func.func @_pre_body(%arg0: i32, %arg1: memref<2048x128xf32, #tpu.memory_space<vmem>>, %arg2: memref<128x128xf32, #tpu.memory_space<vmem>>, %arg3: memref<128x128xf32, #tpu.memory_space<vmem>>, %arg4: memref<1x128xf32, #tpu.memory_space<vmem>>, %arg5: memref<2048x64xf32, #tpu.memory_space<vmem>>, %arg6: memref<2048x64xf32, #tpu.memory_space<vmem>>, %arg7: memref<2048x128xf32, #tpu.memory_space<vmem>>) attributes {dimension_semantics = [#tpu.dimension_semantics<arbitrary>], iteration_bounds = array<i64: 5>, scalar_prefetch = 0 : i64, scratch_operands = 0 : i64, tpu.core_type = #tpu.core_type<tc>, window_params = [{transform_indices = @transform_0, window_bounds = array<i64: 2048, 128>}, {pipeline_mode = #tpu.pipeline_mode<synchronous>, transform_indices = @transform_1, window_bounds = array<i64: 128, 128>}, {pipeline_mode = #tpu.pipeline_mode<synchronous>, transform_indices = @transform_2, window_bounds = array<i64: 128, 128>}, {pipeline_mode = #tpu.pipeline_mode<synchronous>, transform_indices = @transform_3, window_bounds = array<i64: 1, 128>}, {transform_indices = @transform_4, window_bounds = array<i64: 2048, 64>}, {transform_indices = @transform_5, window_bounds = array<i64: 2048, 64>}, {transform_indices = @transform_6, window_bounds = array<i64: 2048, 128>}]} {
    %get3A = arith.constant 0 : index
    %get3A_0 = arith.constant 0 : index
    %get3A_1 = vector.load %arg1[%get3A, %get3A_0] : memref<2048x128xf32, #tpu.memory_space<vmem>>, vector<2048x128xf32>
    %get3A_2 = arith.constant 0 : index
    %get3A_3 = arith.constant 0 : index
    %get3A_4 = vector.load %arg2[%get3A_2, %get3A_3] : memref<128x128xf32, #tpu.memory_space<vmem>>, vector<128x128xf32>
    %dot_general3A = arith.constant dense<0.000000e+00> : vector<2048x128xf32>
    %dot_general3A_5 = tpu.matmul %get3A_1, %get3A_4, %dot_general3A {dimension_numbers = #tpu.dot_dimension_numbers<[1], [1], [0], [0], [0, 0, 1, 0], [], []>, transpose_lhs_hint = false} : vector<2048x128xf32>, vector<128x128xf32>, vector<2048x128xf32> -> vector<2048x128xf32>
    %slice3A = vector.extract_strided_slice %dot_general3A_5 {offsets = [0, 0], sizes = [2048, 64], strides = [1, 1]} : vector<2048x128xf32> to vector<2048x64xf32>
    %swap3A = arith.constant 0 : index
    %swap3A_6 = arith.constant 0 : index
    %swap3A_7 = vector.load %arg5[%swap3A, %swap3A_6] : memref<2048x64xf32, #tpu.memory_space<vmem>>, vector<2048x64xf32>
    tpu.vector_store %arg5[%swap3A, %swap3A_6], %slice3A {strides = array<i32>} : memref<2048x64xf32, #tpu.memory_space<vmem>>, vector<2048x64xf32>,
    %slice3A_8 = vector.extract_strided_slice %dot_general3A_5 {offsets = [0, 64], sizes = [2048, 64], strides = [1, 1]} : vector<2048x128xf32> to vector<2048x64xf32>
    %swap3A_9 = arith.constant 0 : index
    %swap3A_10 = arith.constant 0 : index
    %swap3A_11 = vector.load %arg6[%swap3A_9, %swap3A_10] : memref<2048x64xf32, #tpu.memory_space<vmem>>, vector<2048x64xf32>
    tpu.vector_store %arg6[%swap3A_9, %swap3A_10], %slice3A_8 {strides = array<i32>} : memref<2048x64xf32, #tpu.memory_space<vmem>>, vector<2048x64xf32>,
    %get3A_12 = arith.constant 0 : index
    %get3A_13 = arith.constant 0 : index
    %get3A_14 = vector.load %arg3[%get3A_12, %get3A_13] : memref<128x128xf32, #tpu.memory_space<vmem>>, vector<128x128xf32>
    %dot_general3A_15 = arith.constant dense<0.000000e+00> : vector<2048x128xf32>
    %dot_general3A_16 = tpu.matmul %get3A_1, %get3A_14, %dot_general3A_15 {dimension_numbers = #tpu.dot_dimension_numbers<[1], [1], [0], [0], [0, 0, 1, 0], [], []>, transpose_lhs_hint = false} : vector<2048x128xf32>, vector<128x128xf32>, vector<2048x128xf32> -> vector<2048x128xf32>
    %get3A_17 = arith.constant 0 : index
    %get3A_18 = arith.constant 0 : index
    %get3A_19 = vector.load %arg4[%get3A_17, %get3A_18] : memref<1x128xf32, #tpu.memory_space<vmem>>, vector<1x128xf32>
    %add3A = vector.broadcast %get3A_19 : vector<1x128xf32> to vector<2048x128xf32>
    %add3A_20 = arith.addf %dot_general3A_16, %add3A : vector<2048x128xf32>
    %swap3A_21 = arith.constant 0 : index
    %swap3A_22 = arith.constant 0 : index
    %swap3A_23 = vector.load %arg7[%swap3A_21, %swap3A_22] : memref<2048x128xf32, #tpu.memory_space<vmem>>, vector<2048x128xf32>
    tpu.vector_store %arg7[%swap3A_21, %swap3A_22], %add3A_20 {strides = array<i32>} : memref<2048x128xf32, #tpu.memory_space<vmem>>, vector<2048x128xf32>,
    return
  }
  func.func @transform_0(%arg0: i32) -> (i32, i32) {
    %c0_i32 = arith.constant 0 : i32
    %c0_i32_0 = arith.constant 0 : i32
    return %arg0, %c0_i32 : i32, i32
  }
  func.func @transform_1(%arg0: i32) -> (i32, i32) {
    %c0_i32 = arith.constant 0 : i32
    %c0_i32_0 = arith.constant 0 : i32
    %c0_i32_1 = arith.constant 0 : i32
    return %c0_i32, %c0_i32_0 : i32, i32
  }
  func.func @transform_2(%arg0: i32) -> (i32, i32) {
    %c0_i32 = arith.constant 0 : i32
    %c0_i32_0 = arith.constant 0 : i32
    %c0_i32_1 = arith.constant 0 : i32
    return %c0_i32, %c0_i32_0 : i32, i32
  }
  func.func @transform_3(%arg0: i32) -> (i32, i32) {
    %c0_i32 = arith.constant 0 : i32
    %c0_i32_0 = arith.constant 0 : i32
    %c0_i32_1 = arith.constant 0 : i32
    return %c0_i32, %c0_i32_0 : i32, i32
  }
  func.func @transform_4(%arg0: i32) -> (i32, i32) {
    %c0_i32 = arith.constant 0 : i32
    %c0_i32_0 = arith.constant 0 : i32
    return %arg0, %c0_i32 : i32, i32
  }
  func.func @transform_5(%arg0: i32) -> (i32, i32) {
    %c0_i32 = arith.constant 0 : i32
    %c0_i32_0 = arith.constant 0 : i32
    return %arg0, %c0_i32 : i32, i32
  }
  func.func @transform_6(%arg0: i32) -> (i32, i32) {
    %c0_i32 = arith.constant 0 : i32
    %c0_i32_0 = arith.constant 0 : i32
    return %arg0, %c0_i32 : i32, i32
  }
}

module attributes {stable_mosaic.version = 14 : i64} {
  func.func @_combine_pre_body(%arg0: i32, %arg1: memref<2x2048x64xf32, #tpu.memory_space<vmem>>, %arg2: memref<8x2048xf32, #tpu.memory_space<vmem>>, %arg3: memref<2048x128xf32, #tpu.memory_space<vmem>>, %arg4: memref<128x128xf32, #tpu.memory_space<vmem>>, %arg5: memref<128x128xf32, #tpu.memory_space<vmem>>, %arg6: memref<1x128xf32, #tpu.memory_space<vmem>>, %arg7: memref<2048x64xf32, #tpu.memory_space<vmem>>, %arg8: memref<2048x64xf32, #tpu.memory_space<vmem>>, %arg9: memref<2048x128xf32, #tpu.memory_space<vmem>>) attributes {dimension_semantics = [#tpu.dimension_semantics<arbitrary>], iteration_bounds = array<i64: 5>, scalar_prefetch = 0 : i64, scratch_operands = 0 : i64, tpu.core_type = #tpu.core_type<tc>, window_params = [{transform_indices = @transform_0, window_bounds = array<i64: 2, 2048, 64>}, {transform_indices = @transform_1, window_bounds = array<i64: 8, 2048>}, {transform_indices = @transform_2, window_bounds = array<i64: 2048, 128>}, {pipeline_mode = #tpu.pipeline_mode<synchronous>, transform_indices = @transform_3, window_bounds = array<i64: 128, 128>}, {pipeline_mode = #tpu.pipeline_mode<synchronous>, transform_indices = @transform_4, window_bounds = array<i64: 128, 128>}, {pipeline_mode = #tpu.pipeline_mode<synchronous>, transform_indices = @transform_5, window_bounds = array<i64: 1, 128>}, {transform_indices = @transform_6, window_bounds = array<i64: 2048, 64>}, {transform_indices = @transform_7, window_bounds = array<i64: 2048, 64>}, {transform_indices = @transform_8, window_bounds = array<i64: 2048, 128>}]} {
    %get3A = arith.constant 0 : index
    %get3A_0 = arith.constant 0 : index
    %get3A_1 = arith.constant 0 : index
    %get3A_2 = vector.load %arg1[%get3A, %get3A_0, %get3A_1] : memref<2x2048x64xf32, #tpu.memory_space<vmem>>, vector<1x2048x64xf32>
    %get3A_3 = vector.shape_cast %get3A_2 : vector<1x2048x64xf32> to vector<2048x64xf32>
    %get3A_4 = arith.constant 1 : index
    %get3A_5 = arith.constant 0 : index
    %get3A_6 = arith.constant 0 : index
    %get3A_7 = vector.load %arg1[%get3A_4, %get3A_5, %get3A_6] : memref<2x2048x64xf32, #tpu.memory_space<vmem>>, vector<1x2048x64xf32>
    %get3A_8 = vector.shape_cast %get3A_7 : vector<1x2048x64xf32> to vector<2048x64xf32>
    %concatenate3A = tpu.concatenate %get3A_3, %get3A_8 in 1 : vector<2048x64xf32>, vector<2048x64xf32> -> vector<2048x128xf32>
    %get3A_9 = arith.constant 0 : index
    %get3A_10 = arith.constant 0 : index
    %get3A_11 = vector.load %arg2[%get3A_9, %get3A_10] : memref<8x2048xf32, #tpu.memory_space<vmem>>, vector<1x2048xf32>
    %get3A_12 = vector.shape_cast %get3A_11 : vector<1x2048xf32> to vector<2048xf32>
    %max3A = arith.constant 1.000000e+00 : f32
    %max3A_13 = vector.broadcast %max3A : f32 to vector<2048xf32>
    %max3A_14 = arith.maximumf %get3A_12, %max3A_13 : vector<2048xf32>
    %div3A = arith.constant 1.000000e+00 : f32
    %div3A_15 = vector.broadcast %div3A : f32 to vector<2048xf32>
    %div3A_16 = arith.divf %div3A_15, %max3A_14 : vector<2048xf32>
    %broadcast_in_dim3A = vector.shape_cast %div3A_16 : vector<2048xf32> to vector<2048x1xf32>
    %mul3A = vector.broadcast %broadcast_in_dim3A : vector<2048x1xf32> to vector<2048x128xf32>
    %mul3A_17 = arith.mulf %concatenate3A, %mul3A : vector<2048x128xf32>
    %get3A_18 = arith.constant 0 : index
    %get3A_19 = arith.constant 0 : index
    %get3A_20 = vector.load %arg3[%get3A_18, %get3A_19] : memref<2048x128xf32, #tpu.memory_space<vmem>>, vector<2048x128xf32>
    %add3A = arith.addf %mul3A_17, %get3A_20 : vector<2048x128xf32>
    %max3A_21 = arith.constant 0.000000e+00 : f32
    %max3A_22 = vector.broadcast %max3A_21 : f32 to vector<2048x128xf32>
    %max3A_23 = arith.maximumf %add3A, %max3A_22 : vector<2048x128xf32>
    %get3A_24 = arith.constant 0 : index
    %get3A_25 = arith.constant 0 : index
    %get3A_26 = vector.load %arg4[%get3A_24, %get3A_25] : memref<128x128xf32, #tpu.memory_space<vmem>>, vector<128x128xf32>
    %dot_general3A = arith.constant dense<0.000000e+00> : vector<2048x128xf32>
    %dot_general3A_27 = tpu.matmul %max3A_23, %get3A_26, %dot_general3A {dimension_numbers = #tpu.dot_dimension_numbers<[1], [1], [0], [0], [0, 0, 1, 0], [], []>, transpose_lhs_hint = false} : vector<2048x128xf32>, vector<128x128xf32>, vector<2048x128xf32> -> vector<2048x128xf32>
    %slice3A = vector.extract_strided_slice %dot_general3A_27 {offsets = [0, 0], sizes = [2048, 64], strides = [1, 1]} : vector<2048x128xf32> to vector<2048x64xf32>
    %swap3A = arith.constant 0 : index
    %swap3A_28 = arith.constant 0 : index
    %swap3A_29 = vector.load %arg7[%swap3A, %swap3A_28] : memref<2048x64xf32, #tpu.memory_space<vmem>>, vector<2048x64xf32>
    tpu.vector_store %arg7[%swap3A, %swap3A_28], %slice3A {strides = array<i32>} : memref<2048x64xf32, #tpu.memory_space<vmem>>, vector<2048x64xf32>,
    %slice3A_30 = vector.extract_strided_slice %dot_general3A_27 {offsets = [0, 64], sizes = [2048, 64], strides = [1, 1]} : vector<2048x128xf32> to vector<2048x64xf32>
    %swap3A_31 = arith.constant 0 : index
    %swap3A_32 = arith.constant 0 : index
    %swap3A_33 = vector.load %arg8[%swap3A_31, %swap3A_32] : memref<2048x64xf32, #tpu.memory_space<vmem>>, vector<2048x64xf32>
    tpu.vector_store %arg8[%swap3A_31, %swap3A_32], %slice3A_30 {strides = array<i32>} : memref<2048x64xf32, #tpu.memory_space<vmem>>, vector<2048x64xf32>,
    %get3A_34 = arith.constant 0 : index
    %get3A_35 = arith.constant 0 : index
    %get3A_36 = vector.load %arg5[%get3A_34, %get3A_35] : memref<128x128xf32, #tpu.memory_space<vmem>>, vector<128x128xf32>
    %dot_general3A_37 = arith.constant dense<0.000000e+00> : vector<2048x128xf32>
    %dot_general3A_38 = tpu.matmul %max3A_23, %get3A_36, %dot_general3A_37 {dimension_numbers = #tpu.dot_dimension_numbers<[1], [1], [0], [0], [0, 0, 1, 0], [], []>, transpose_lhs_hint = false} : vector<2048x128xf32>, vector<128x128xf32>, vector<2048x128xf32> -> vector<2048x128xf32>
    %get3A_39 = arith.constant 0 : index
    %get3A_40 = arith.constant 0 : index
    %get3A_41 = vector.load %arg6[%get3A_39, %get3A_40] : memref<1x128xf32, #tpu.memory_space<vmem>>, vector<1x128xf32>
    %add3A_42 = vector.broadcast %get3A_41 : vector<1x128xf32> to vector<2048x128xf32>
    %add3A_43 = arith.addf %dot_general3A_38, %add3A_42 : vector<2048x128xf32>
    %swap3A_44 = arith.constant 0 : index
    %swap3A_45 = arith.constant 0 : index
    %swap3A_46 = vector.load %arg9[%swap3A_44, %swap3A_45] : memref<2048x128xf32, #tpu.memory_space<vmem>>, vector<2048x128xf32>
    tpu.vector_store %arg9[%swap3A_44, %swap3A_45], %add3A_43 {strides = array<i32>} : memref<2048x128xf32, #tpu.memory_space<vmem>>, vector<2048x128xf32>,
    return
  }
  func.func @transform_0(%arg0: i32) -> (i32, i32, i32) {
    %c0_i32 = arith.constant 0 : i32
    %c0_i32_0 = arith.constant 0 : i32
    %c0_i32_1 = arith.constant 0 : i32
    return %c0_i32, %arg0, %c0_i32_0 : i32, i32, i32
  }
  func.func @transform_1(%arg0: i32) -> (i32, i32) {
    %c0_i32 = arith.constant 0 : i32
    %c0_i32_0 = arith.constant 0 : i32
    return %c0_i32, %arg0 : i32, i32
  }
  func.func @transform_2(%arg0: i32) -> (i32, i32) {
    %c0_i32 = arith.constant 0 : i32
    %c0_i32_0 = arith.constant 0 : i32
    return %arg0, %c0_i32 : i32, i32
  }
  func.func @transform_3(%arg0: i32) -> (i32, i32) {
    %c0_i32 = arith.constant 0 : i32
    %c0_i32_0 = arith.constant 0 : i32
    %c0_i32_1 = arith.constant 0 : i32
    return %c0_i32, %c0_i32_0 : i32, i32
  }
  func.func @transform_4(%arg0: i32) -> (i32, i32) {
    %c0_i32 = arith.constant 0 : i32
    %c0_i32_0 = arith.constant 0 : i32
    %c0_i32_1 = arith.constant 0 : i32
    return %c0_i32, %c0_i32_0 : i32, i32
  }
  func.func @transform_5(%arg0: i32) -> (i32, i32) {
    %c0_i32 = arith.constant 0 : i32
    %c0_i32_0 = arith.constant 0 : i32
    %c0_i32_1 = arith.constant 0 : i32
    return %c0_i32, %c0_i32_0 : i32, i32
  }
  func.func @transform_6(%arg0: i32) -> (i32, i32) {
    %c0_i32 = arith.constant 0 : i32
    %c0_i32_0 = arith.constant 0 : i32
    return %arg0, %c0_i32 : i32, i32
  }
  func.func @transform_7(%arg0: i32) -> (i32, i32) {
    %c0_i32 = arith.constant 0 : i32
    %c0_i32_0 = arith.constant 0 : i32
    return %arg0, %c0_i32 : i32, i32
  }
  func.func @transform_8(%arg0: i32) -> (i32, i32) {
    %c0_i32 = arith.constant 0 : i32
    %c0_i32_0 = arith.constant 0 : i32
    return %arg0, %c0_i32 : i32, i32
  }
}

module attributes {stable_mosaic.version = 14 : i64} {
  func.func @_final_body(%arg0: i32, %arg1: memref<2x2048x64xf32, #tpu.memory_space<vmem>>, %arg2: memref<8x2048xf32, #tpu.memory_space<vmem>>, %arg3: memref<2048x128xf32, #tpu.memory_space<vmem>>, %arg4: memref<2048x128xf32, #tpu.memory_space<vmem>>) attributes {dimension_semantics = [#tpu.dimension_semantics<arbitrary>], iteration_bounds = array<i64: 5>, scalar_prefetch = 0 : i64, scratch_operands = 0 : i64, tpu.core_type = #tpu.core_type<tc>, window_params = [{transform_indices = @transform_0, window_bounds = array<i64: 2, 2048, 64>}, {transform_indices = @transform_1, window_bounds = array<i64: 8, 2048>}, {transform_indices = @transform_2, window_bounds = array<i64: 2048, 128>}, {transform_indices = @transform_3, window_bounds = array<i64: 2048, 128>}]} {
    %get3A = arith.constant 0 : index
    %get3A_0 = arith.constant 0 : index
    %get3A_1 = arith.constant 0 : index
    %get3A_2 = vector.load %arg1[%get3A, %get3A_0, %get3A_1] : memref<2x2048x64xf32, #tpu.memory_space<vmem>>, vector<1x2048x64xf32>
    %get3A_3 = vector.shape_cast %get3A_2 : vector<1x2048x64xf32> to vector<2048x64xf32>
    %get3A_4 = arith.constant 1 : index
    %get3A_5 = arith.constant 0 : index
    %get3A_6 = arith.constant 0 : index
    %get3A_7 = vector.load %arg1[%get3A_4, %get3A_5, %get3A_6] : memref<2x2048x64xf32, #tpu.memory_space<vmem>>, vector<1x2048x64xf32>
    %get3A_8 = vector.shape_cast %get3A_7 : vector<1x2048x64xf32> to vector<2048x64xf32>
    %concatenate3A = tpu.concatenate %get3A_3, %get3A_8 in 1 : vector<2048x64xf32>, vector<2048x64xf32> -> vector<2048x128xf32>
    %get3A_9 = arith.constant 0 : index
    %get3A_10 = arith.constant 0 : index
    %get3A_11 = vector.load %arg2[%get3A_9, %get3A_10] : memref<8x2048xf32, #tpu.memory_space<vmem>>, vector<1x2048xf32>
    %get3A_12 = vector.shape_cast %get3A_11 : vector<1x2048xf32> to vector<2048xf32>
    %max3A = arith.constant 1.000000e+00 : f32
    %max3A_13 = vector.broadcast %max3A : f32 to vector<2048xf32>
    %max3A_14 = arith.maximumf %get3A_12, %max3A_13 : vector<2048xf32>
    %div3A = arith.constant 1.000000e+00 : f32
    %div3A_15 = vector.broadcast %div3A : f32 to vector<2048xf32>
    %div3A_16 = arith.divf %div3A_15, %max3A_14 : vector<2048xf32>
    %broadcast_in_dim3A = vector.shape_cast %div3A_16 : vector<2048xf32> to vector<2048x1xf32>
    %mul3A = vector.broadcast %broadcast_in_dim3A : vector<2048x1xf32> to vector<2048x128xf32>
    %mul3A_17 = arith.mulf %concatenate3A, %mul3A : vector<2048x128xf32>
    %get3A_18 = arith.constant 0 : index
    %get3A_19 = arith.constant 0 : index
    %get3A_20 = vector.load %arg3[%get3A_18, %get3A_19] : memref<2048x128xf32, #tpu.memory_space<vmem>>, vector<2048x128xf32>
    %add3A = arith.addf %mul3A_17, %get3A_20 : vector<2048x128xf32>
    %swap3A = arith.constant 0 : index
    %swap3A_21 = arith.constant 0 : index
    %swap3A_22 = vector.load %arg4[%swap3A, %swap3A_21] : memref<2048x128xf32, #tpu.memory_space<vmem>>, vector<2048x128xf32>
    tpu.vector_store %arg4[%swap3A, %swap3A_21], %add3A {strides = array<i32>} : memref<2048x128xf32, #tpu.memory_space<vmem>>, vector<2048x128xf32>,
    return
  }
  func.func @transform_0(%arg0: i32) -> (i32, i32, i32) {
    %c0_i32 = arith.constant 0 : i32
    %c0_i32_0 = arith.constant 0 : i32
    %c0_i32_1 = arith.constant 0 : i32
    return %c0_i32, %arg0, %c0_i32_0 : i32, i32, i32
  }
  func.func @transform_1(%arg0: i32) -> (i32, i32) {
    %c0_i32 = arith.constant 0 : i32
    %c0_i32_0 = arith.constant 0 : i32
    return %c0_i32, %arg0 : i32, i32
  }
  func.func @transform_2(%arg0: i32) -> (i32, i32) {
    %c0_i32 = arith.constant 0 : i32
    %c0_i32_0 = arith.constant 0 : i32
    return %arg0, %c0_i32 : i32, i32
  }
  func.func @transform_3(%arg0: i32) -> (i32, i32) {
    %c0_i32 = arith.constant 0 : i32
    %c0_i32_0 = arith.constant 0 : i32
    return %arg0, %c0_i32 : i32, i32
  }
}

</mosaic_0001>

<sc_bundles>
// kernel: kernel.10.cloned.1.call-start
scs
__scs_entry_jumppad:
0x0: {  	(pc) =	sbr.rel $0x88, $3  }
0x1: {  	(tag) =	ssettag $0x0;
	lr =	simm.s32 $0x1  }
0x2: {  	[smem:$0x3F99] =	sst lr;
	_ =	strace $0xD0000000  }
0x3: {  	_ = 	snop  }
0x4: {  	_ = 	snop  }
0x5: {  	_ = 	snop  }
0x6: {  	_ = 	snop  }
0x7: {  	_ = 	snop  }
__scs_overlays_trampoline_lowered:
0x8: {  	[smem:$0x3FA8] =	sst s0  }
0x9: {  	[smem:$0x3FA9] =	sst s1  }
0xa: {  	[smem:$0x3FAA] =	sst s2  }
0xb: {  	[smem:$0x3FAB] =	sst s3  }
0xc: {  	[smem:$0x3FAC] =	sst s4  }
0xd: {  	[smem:$0x3FAD] =	sst s5  }
0xe: {  	[smem:$0x3FAE] =	sst s6  }
0xf: {  	[smem:$0x3FAF] =	sst s7  }
0x10: {  	[smem:$0x3FB0] =	sst s8  }
0x11: {  	[smem:$0x3FB1] =	sst s9;
	s0 =	simm.s32 @!p0 $0x0  }
0x12: {  	s1 =	sld [smem:$0x3F97];
	s0 =	simm.s32 @p0 $0x1  }
0x13: {  	[smem:$0x3FB2] =	sst s0;
	s0 =	simm.s32 @!p1 $0x0  }
0x14: {  	s2 =	sld [smem:$0x3F96];
	s0 =	simm.s32 @p1 $0x1  }
0x15: {  	[smem:$0x3FB3] =	sst s0;
	s0 =	simm.s32 @!p2 $0x0  }
0x16: {  	s3 =	sld [smem:$0x3FDB];
	s0 =	simm.s32 @p2 $0x1  }
0x17: {  	s4 =	simm.s32 $0x1BF5;
	[smem:$0x3FB5] =	sst s0  }
0x18: {  	s0 =	sld [smem:$0x3F98];
	_ =	swait.ge [sflag:s4], $0x0  }
0x19: {  	s7 =	sld [smem:$0x3F99]  }
0x1a: {  	s8 =	sadd.s32 $0xFFFFE003, lr  }
0x1b: {  	s9 =	sadd.s32 $0xFFFFFEF7, lr;
	s5 =	simm.s32 $0xFFFFFFFF;
	p2 =	slt.u32 s8, $0xFFFFF086  }
0x1c: {  	p1 =	slt.u32 s9, $0xF7A;
	s5 =	simm.s32 @!p2 $0x0  }
0x1d: {  	s5 =	simm.s32 @p1 $0x1;
	p0 =	seq.s32 s7, s2  }
0x1e: {  	s7 =	smul.u32 @!p0 $0xF7A, s2;
	p2 =	seq.s32 @!p0 s5, $0x0  }
0x1f: {  	s9 =	smul.u32 $0xF7A, s1;
	s8 =	simm.s32 @!p0 $0x1BF5;
	p2 =	por !p2, p0  }
0x20: {  	[sflag:s8] =	ssyncset.s32 @!p0 $0xFFFFF086;
	s6 =	sadd.s32 @!p0 s3, s7;
	s7 =	simm.s32 @!p0 $0x108  }
0x21: {  	s3 =	sadd.s32 s3, s9;
	s6 =	sadd.s32 @!p0 $0x88, s6;
	s7 =	simm.s32 @p2 $0x1082  }
0x22: {  	[simem:s7], [sflag:s8] =	dma.local @!p0 [hbm:s6], $0xF7A  }
0x23: {  	s9 =	sor.u32 $0xD0000000, s2;
	s6 =	simm.s32 $0x108;
	_ =	swait.ge @!p0 [sflag:s8], $0x0  }
0x24: {  	s3 =	sadd.s32 $0x88, s3;
	s6 =	simm.s32 @!p1 $0x1082;
	[sflag:s4] =	ssyncset.s32 $0xFFFFF086  }
0x25: {  	[simem:s6], [sflag:s4] =	dma.local [hbm:s3], $0xF7A  }
0x26: {  	[smem:$0x3F99] =	sst s1;
	(tag) =	ssettag s2;
	_ =	strace s9  }
0x27: {  	s1 =	sld [smem:$0x3FA9]  }
0x28: {  	s2 =	sld [smem:$0x3FAA]  }
0x29: {  	s4 =	sld [smem:$0x3FAC]  }
0x2a: {  	p0 =	seq.s32 s5, $0x0;
	s5 =	sld [smem:$0x3FAD]  }
0x2b: {  	s6 =	sld [smem:$0x3FAE]  }
0x2c: {  	s7 =	sld [smem:$0x3FAF]  }
0x2d: {  	s3 =	simm.s32 $0x108;
	s8 =	sld [smem:$0x3FB0]  }
0x2e: {  	s3 =	simm.s32 @!p0 $0x1082;
	s9 =	sld [smem:$0x3FB1]  }
0x2f: {  	lr =	sadd.s32 s0, s3;
	s0 =	sld [smem:$0x3FA8]  }
0x30: {  	s3 =	sld [smem:$0x3FAB]  }
0x31: {  	[smem:$0x3FB4] =	sst s10  }
0x32: {  	s10 =	sld [smem:$0x3FB2];
	_ =	sdelay $0x3  }
0x33: {  	p0 =	seq.s32 s10, $0x1;
	s10 =	sld [smem:$0x3FB4];
	_ =	sdelay $0x3  }
0x34: {  	[smem:$0x3FB4] =	sst s10  }
0x35: {  	s10 =	sld [smem:$0x3FB3];
	_ =	sdelay $0x3  }
0x36: {  	p1 =	seq.s32 s10, $0x1;
	s10 =	sld [smem:$0x3FB4];
	_ =	sdelay $0x3  }
0x37: {  	[smem:$0x3FB4] =	sst s10  }
0x38: {  	s10 =	sld [smem:$0x3FB5]  }
0x39: {  	_ = 	snop;
	(pc) =	sbr.ind lr, $3  }
0x3a: {  	_ = 	snop  }
0x3b: {  	_ = 	snop  }
0x3c: {  	p2 =	seq.s32 s10, $0x1;
	s10 =	sld [smem:$0x3FB4]  }
0x3d: {  	_ =	shalt  }
0x3e: {  	_ =	shalt  }
0x3f: {  	_ =	shalt  }
0x40: {  	_ =	shalt  }
0x41: {  	_ =	shalt  }
0x42: {  	_ =	shalt  }
0x43: {  	_ =	shalt  }
0x44: {  	_ =	shalt  }
0x45: {  	_ =	shalt  }
0x46: {  	_ =	shalt  }
0x47: {  	_ =	shalt  }
0x48: {  	_ =	shalt  }
0x49: {  	_ =	shalt  }
0x4a: {  	_ =	shalt  }
0x4b: {  	_ =	shalt  }
0x4c: {  	_ =	shalt  }
0x4d: {  	_ =	shalt  }
0x4e: {  	_ =	shalt  }
0x4f: {  	_ =	shalt  }
0x50: {  	_ =	shalt  }
0x51: {  	_ =	shalt  }
0x52: {  	_ =	shalt  }
0x53: {  	_ =	shalt  }
0x54: {  	_ =	shalt  }
0x55: {  	_ =	shalt  }
0x56: {  	_ =	shalt  }
0x57: {  	_ =	shalt  }
0x58: {  	_ =	shalt  }
0x59: {  	_ =	shalt  }
0x5a: {  	_ =	shalt  }
0x5b: {  	_ =	shalt  }
0x5c: {  	_ =	shalt  }
0x5d: {  	_ =	shalt  }
0x5e: {  	_ =	shalt  }
0x5f: {  	_ =	shalt  }
0x60: {  	_ =	shalt  }
0x61: {  	_ =	shalt  }
0x62: {  	_ =	shalt  }
0x63: {  	_ =	shalt  }
0x64: {  	_ =	shalt  }
0x65: {  	_ =	shalt  }
0x66: {  	_ =	shalt  }
0x67: {  	_ =	shalt  }
0x68: {  	_ =	shalt  }
0x69: {  	_ =	shalt  }
0x6a: {  	_ =	shalt  }
0x6b: {  	_ =	shalt  }
0x6c: {  	_ =	shalt  }
0x6d: {  	_ =	shalt  }
0x6e: {  	_ =	shalt  }
0x6f: {  	_ =	shalt  }
0x70: {  	_ =	shalt  }
0x71: {  	_ =	shalt  }
0x72: {  	_ =	shalt  }
0x73: {  	_ =	shalt  }
0x74: {  	_ =	shalt  }
0x75: {  	_ =	shalt  }
0x76: {  	_ =	shalt  }
0x77: {  	_ =	shalt  }
0x78: {  	_ =	shalt  }
0x79: {  	_ =	shalt  }
0x7a: {  	_ =	shalt  }
0x7b: {  	_ =	shalt  }
0x7c: {  	_ =	shalt  }
0x7d: {  	_ =	shalt  }
0x7e: {  	_ =	shalt  }
0x7f: {  	_ =	shalt  }
0x80: {  	_ =	shalt  }
0x81: {  	_ =	shalt  }
0x82: {  	_ =	shalt  }
0x83: {  	_ =	shalt  }
0x84: {  	_ =	shalt  }
0x85: {  	_ =	shalt  }
0x86: {  	_ =	shalt  }
0x87: {  	_ =	shalt  }
.Lfunc_end0:
.L_simem_size_0:
called_computation.1_lowered:
.L_overlay_start_0:
0x88: {  	s2 =	sld [smem:$0x3FD9]  }
0x89: {  	s3 =	sld [smem:$0x3FFE];
	_ =	sdelay $0x1  }
0x8a: {  	s1 =	srdreg.scid  }
0x8b: {  	s0 =	sand.u32 $0x1, s1  }
0x8c: {  	s17 =	sshll.u32 s0, $0xA;
	s2 =	sadd.s32 s3, s2  }
0x8d: {  	s2 =	sadd.s32 s2, s17  }
0x8e: {  	[smem:$0x3FC0] =	sst s2  }
0x8f: {  	_ = 	snop  }
0x90: {  	s2 =	sld [smem:$0x3FD0];
	(tm) =	ssettm $0x1  }
0x91: {  	s18 =	sld [smem:$0x3FFB];
	_ =	sdelay $0x3  }
0x92: {  	_ =	strace s18  }
0x93: {  	s3 =	sld [smem:$0x3FFC];
	_ =	sdelay $0x3  }
0x94: {  	_ =	strace s3  }
0x95: {  	s3 =	sld [smem:$0x3FFD];
	_ =	sdelay $0x3  }
0x96: {  	_ =	strace s3  }
0x97: {  	_ =	strace $0x8FFFFFFF  }
0x98: {  	s19 =	sld [smem:$0x3FDB];
	_ =	sdelay $0x1  }
0x99: {  	s4 =	simm.s32 $_scs_section_size  }
0x9a: {  	s5 =	simm.s32 $_size__tile_overlayer_lowered;
	s6 =	simm.s32 $_tile_overlayer_lowered  }
0x9b: {  	s22 =	simm.s32 $0x1BFF;
	s21 =	sshll.u32 s6, $0x1;
	s3 =	sadd.s32 s4, s19  }
0x9c: {  	s7 =	simm.s32 $0x0;
	s20 =	sshll.u32 s5, $0x1;
	s5 =	sadd.s32 s21, s3  }
0x9d: {  	[timem:s7], [sflag:s22] =	dma.local [hbm:s5], s20  }
0x9e: {  	_ =	swait.ge [sflag:s22], s20  }
0x9f: {  	s4 =	ssub.s32 $0x0, s20;
	[sflag:s22] =	ssyncset.done $0x0  }
0xa0: {  	[sflag:s22] =	ssyncadd.s32 s4;
	_ =	sdelay $0x1  }
0xa1: {  	s23 =	simm.s32 $0x1B8B  }
0xa2: {  	_ =	swait.ge [sflag:s23], $0x1  }
0xa3: {  	[sflag:s23] =	ssyncset.done $0x0  }
0xa4: {  	s25 =	simm.s32 $0x1B8E;
	s24 =	sld [smem:$0x3FFE];
	[sflag:s23] =	ssyncadd.s32 $0xFFFFFFFF  }
0xa5: {  	s26 =	simm.s32 $execute0_lowered;
	[smem:$0x3FD2] =	sst s25  }
0xa6: {  	s5 =	sshll.u32 s26, $0x1;
	_ =	strace $0x80000049;
	[dreg:$0x1] =	wrdreg $0xFFFFFFFF  }
0xa7: {  	s28 =	simm.s32 $_size_execute0_lowered;
	s3 =	sadd.s32 s3, s5;
	[dreg:$0x0] =	wrdreg $0x0  }
0xa8: {  	s5 =	sshll.u32 s28, $0x1;
	[dreg:$0x2] =	wrdreg s3  }
0xa9: {  	[dreg:$0x3] =	wrdreg s5  }
0xaa: {  	[dreg:$0x4] =	wrdreg $0xC0  }
0xab: {  	_ =	task [dreg:s7], $0x5FFFF  }
0xac: {  	[dreg:$0x1] =	wrdreg $0xFFFFFFFF  }
0xad: {  	[dreg:$0x0] =	wrdreg $0x60  }
0xae: {  	[dreg:$0x2] =	wrdreg s24  }
0xaf: {  	[dreg:$0x3] =	wrdreg s2  }
0xb0: {  	[dreg:$0x4] =	wrdreg $0x9F600  }
0xb1: {  	[dreg:$0x5] =	wrdreg $0x9  }
0xb2: {  	_ =	task.clear_ibuf [dreg:s7], $0x6FFFF;
	_ =	strace $0x90000049  }
0xb3: {  	s29 =	simm.s32 $0x9;
	_ =	strace $0x8000004B  }
0xb4: {  	_ =	swait.ge [sflag:s29], $0x1  }
0xb5: {  	[sflag:s29] =	ssyncadd.s32 $0xFFFFFFFF  }
0xb6: {  	_ =	strace $0x9000004B  }
0xb7: {  	_ =	sfence  }
0xb8: {  	s30 =	sld [smem:$0x0];
	_ =	sdelay $0x2  }
0xb9: {  	s31 =	sshll.u32 s1, $0xD;
	s1 =	sshrl.u32 s1, $0x2  }
0xba: {  	s3 =	sand.u32 $0x4000, s31;
	s1 =	sadd.s32 s1, s30  }
0xbb: {  	s0 =	sor.u32 s3, s0;
	s1 =	sshll.u32 s1, $0x11  }
0xbc: {  	s0 =	sor.u32 s1, s0  }
0xbd: {  	s0 =	sadd.s32 $0x8F2B, s0  }
0xbe: {  	[sflag:s0] =	ssyncadd.remote.s32 $0x1  }
0xbf: {  	_ =	sfence.sel $0xFFFF  }
0xc0: {  	[dreg:$0x0] =	wrdreg $0xFFFFFFFF;
	(pc) =	sbr.abs _section_cstart, $3  }
0xc1: {  	[dreg:$0x1] =	wrdreg $0xFFFFFFFF  }
0xc2: {  	_ =	task.clear_ibuf [dreg:s7], $0x2FFFF;
	_ =	strace $0x9FFFFFFF  }
0xc3: {  	(tm) =	ssettm $0x7FFFFFFF  }
tec
execute0_lowered:
.L_overlay_start_1:
0x0: {  	(tag) =	ssettag $0x1  }
0x1: {  	s0 =	rddreg [dreg:$0x0]  }
0x2: {  	s1 =	rddreg [dreg:$0x1]  }
0x3: {  	s2 =	rddreg [dreg:$0x2];
	s14 =	stileid.u32  }
0x4: {  	s5 =	srdreg.scid;
	s4 =	simm.s32 $0x0;
	s18 =	simm.s32 $0xD  }
0x5: {  	s19 =	simm.s32 $0x9E20;
	s28 =	simm.s32 $0x7620;
	s3 =	smul.u32 $0x4E20, s14  }
0x6: {  	s30 =	simm.s32 $0x8A20;
	s31 =	simm.s32 $0x1;
	s7 =	smul.u32 $0xA000, s14  }
0x7: {  	s6 =	sand.u32 $0x1, s5;
	[smem:$0x7FF] =	sst s4;
	s24 =	smul.u32 $0x9C4, s14  }
0x8: {  	s13 =	sshll.u32 s14, $0x6;
	s5 =	smul.u32 $0xA0000, s6;
	_ =	strace $0x8000004A  }
0x9: {  	s9 =	ssub.s32 $0x2, s6;
	p0 =	seq.s32 s6, $0x0;
	s8 =	sshrl.u32 s3, $0x3  }
0xa: {  	s12 =	sshrl.u32 s9, $0x1;
	s20 =	sadd.s32 s7, s2;
	s5 =	sadd.s32 s7, s5  }
0xb: {  	s10 =	sadd.s32 s8, s0;
	s9 =	ssub.s32 s9, s12;
	s7 =	sshrl.u32 s7, $0x3  }
0xc: {  	s11 =	sshrl.u32 s5, $0x3;
	s5 =	sadd.s32 $0x1600, s0;
	s1 =	sadd.s32 s1, s7  }
0xd: {  	s7 =	sor.u32 $0x1C0D, s13;
	s21 =	sadd.s32 $0xB400, s10;
	[dreg:$0x4] =	wrdreg s1  }
0xe: {  	s26 =	smax.u32 s9, $0x1;
	s9 =	simm.s32 $0x0;
	[dreg:$0x7] =	wrdreg s21  }
0xf: {  	s11 =	sadd.s32 s11, s0;
	s8 =	sadd.s32 s5, s8;
	[dreg:$0xc] =	wrdreg s26  }
0x10: {  	s1 =	simm.s32 $0x15200;
	s29 =	sadd.s32 s24, s5;
	[dreg:$0x5] =	wrdreg s7  }
0x11: {  	s21 =	simm.s32 $0x9EC0;
	s22 =	sadd.s32 $0xA, s8;
	[dreg:$0x6] =	wrdreg s8  }
0x12: {  	s24 =	simm.s32 $0x4E20;
	s23 =	sadd.s32 $0x14, s8;
	[dreg:$0x8] =	wrdreg s22  }
0x13: {  	s26 =	simm.s32 $0x7;
	s8 =	sadd.s32 $0x1E, s8;
	[dreg:$0x9] =	wrdreg s23  }
0x14: {  	s25 =	sadd.s32 $0x3CC00, s11;
	s1 =	simm.s32 @!p0 $0x28C00;
	[dreg:$0xa] =	wrdreg s8  }
0x15: {  	[dreg:$0xb] =	wrdreg s25;
	s15 =	sadd.s32 s1, s0;
	s0 =	sadd.s32 $0x1E, s29  }
0x16: {  	s8 =	sshrl.u32 s20, $0x3;
	s20 =	simm.s32 $0x9E70;
	s22 =	simm.s32 $0x9F10  }
0x17: {  	s23 =	simm.s32 $0x50;
	s25 =	simm.s32 $0x6220;
	[dreg:$0xd] =	wrdreg s0  }
0x18: {  	s1 =	simm.s32 $0x4;
	s0 =	simm.s32 $0x6;
	[dreg:$0xe] =	wrdreg s8  }
.LBB2_1:
0x19: {  	[dreg:$0xf] =	wrdreg s9  }
0x1a: {  	s6 =	rddreg [dreg:$0x4]  }
0x1b: {  	[spmem:s8], [sflag:s7] =	dma.local [hbm:s6], $0x1400  }
0x1c: {  	_ =	swait.ge [sflag:s18], $0x1400  }
0x1d: {  	[sflag:s18] =	ssyncset.done $0x0  }
0x1e: {  	s9 =	rddreg [dreg:$0x7];
	[sflag:s18] =	ssyncadd.s32 $0xFFFFEC00  }
0x1f: {  	[tilespmem:s4], [sflag:$0xD] =	stream.linear.gather [hbm4b:s9+s4], $0x4E20, $0x38;
	[tilespmem:$0x13F60] =	vst v63  }
0x20: {  	_ =	swait.ge [sflag:s18], $0x4E20  }
0x21: {  	[sflag:s18] =	ssyncset.done $0x0  }
0x22: {  	s10 =	rddreg [dreg:$0x6];
	[sflag:s18] =	ssyncadd.s32 $0xFFFFB1E0  }
0x23: {  	[tilespmem:s19], [sflag:$0xD] =	stream.linear.gather [hbm4b:s10+s4], $0x50, $0x38;
	[tilespmem:$0x13F60] =	vst v63  }
0x24: {  	_ =	swait.ge [sflag:s18], $0x50  }
0x25: {  	[sflag:s18] =	ssyncset.done $0x0  }
0x26: {  	s11 =	rddreg [dreg:$0x8];
	[sflag:s18] =	ssyncadd.s32 $0xFFFFFFB0  }
0x27: {  	[tilespmem:s20], [sflag:$0xD] =	stream.linear.gather [hbm4b:s11+s4], $0x50, $0x38;
	[tilespmem:$0x13F60] =	vst v63  }
0x28: {  	_ =	swait.ge [sflag:s18], $0x50  }
0x29: {  	[sflag:s18] =	ssyncset.done $0x0  }
0x2a: {  	s12 =	rddreg [dreg:$0x9];
	[sflag:s18] =	ssyncadd.s32 $0xFFFFFFB0  }
0x2b: {  	[tilespmem:s21], [sflag:$0xD] =	stream.linear.gather [hbm4b:s12+s4], $0x50, $0x38;
	[tilespmem:$0x13F60] =	vst v63  }
0x2c: {  	_ =	swait.ge [sflag:s18], $0x50  }
0x2d: {  	[sflag:s18] =	ssyncset.done $0x0  }
0x2e: {  	s13 =	rddreg [dreg:$0xa];
	[sflag:s18] =	ssyncadd.s32 $0xFFFFFFB0  }
0x2f: {  	[tilespmem:s22], [sflag:$0xD] =	stream.linear.gather [hbm4b:s13+s4], $0x50, $0x38;
	[tilespmem:$0x13F60] =	vst v63  }
0x30: {  	_ =	swait.ge [sflag:s18], $0x50  }
0x31: {  	[sflag:s18] =	ssyncset.done $0x0  }
0x32: {  	[sflag:s18] =	ssyncadd.s32 $0xFFFFFFB0  }
0x33: {  	[bflag:$0x0] =	sbarrier.arrive $0xFFFF  }
0x34: {  	[tilespmem:s24], [sflag:$0x1] =	stream.indirect.gather [hbm4b:s15+s23], $0x40, s4, s23, $0xb8;
	[tilespmem:$0x13F60] =	vst v63  }
0x35: {  	_ = 	snop  }
0x36: {  	[tilespmem:s25], [sflag:$0x2] =	stream.indirect.gather [hbm4b:s15+s23], $0x40, s23, s23, $0xb8;
	[tilespmem:$0x13F60] =	vst v63  }
0x37: {  	s14 =	simm.s32 $0xA0  }
0x38: {  	[tilespmem:s28], [sflag:$0x3] =	stream.indirect.gather [hbm4b:s15+s23], $0x40, s14, s23, $0xb8;
	[tilespmem:$0x13F60] =	vst v63  }
0x39: {  	s16 =	simm.s32 $0xF0  }
0x3a: {  	[tilespmem:s30], [sflag:$0x4] =	stream.indirect.gather [hbm4b:s15+s23], $0x40, s16, s23, $0xb8;
	[tilespmem:$0x13F60] =	vst v63  }
0x3b: {  	p0 =	por $0x1, $0x1;
	_ =	swait.ge [sflag:s31], $0x1400  }
0x3c: {  	s6 =	simm.s32 @p0 $0x50;
	s13 =	simm.s32 @p0 $0x9E20;
	[sflag:s31] =	ssyncset.done $0x0  }
0x3d: {  	s14 =	simm.s32 @p0 $0x4E20;
	s16 =	simm.s32 @p0 $0x2;
	[sflag:s31] =	ssyncadd.s32 $0xFFFFEC00  }
0x3e: {  	[spmem:s2] =	stream.indirect.scatter.add.f32 @p0 [tilespmem:s14], [sflag:$0x5], $0x40, s13, s6, $0xb8;
	[tilespmem:$0x13F60] =	vst v63  }
0x3f: {  	_ =	swait.ge @p0 [sflag:s16], $0x1400  }
0x40: {  	[sflag:s16] =	ssyncset.done @p0 $0x0  }
0x41: {  	s13 =	simm.s32 @p0 $0x5;
	[sflag:s16] =	ssyncadd.s32 @p0 $0xFFFFEC00  }
0x42: {  	_ =	swait.ge @p0 [sflag:s13], $0x1400  }
0x43: {  	s14 =	simm.s32 @p0 $0x9E70;
	[sflag:s13] =	ssyncset.done @p0 $0x0  }
0x44: {  	s16 =	simm.s32 @p0 $0x6220;
	[sflag:s13] =	ssyncadd.s32 @p0 $0xFFFFEC00;
	s13 =	simm.s32 @p0 $0x3  }
0x45: {  	[spmem:s2] =	stream.indirect.scatter.add.f32 @p0 [tilespmem:s16], [sflag:$0x6], $0x40, s14, s6, $0xb8;
	[tilespmem:$0x13F60] =	vst v63  }
0x46: {  	_ =	swait.ge @p0 [sflag:s13], $0x1400  }
0x47: {  	[sflag:s13] =	ssyncset.done @p0 $0x0  }
0x48: {  	s6 =	simm.s32 @!p0 $0x9;
	[sflag:s13] =	ssyncadd.s32 @p0 $0xFFFFEC00  }
0x49: {  	_ =	swait.ge @!p0 [sflag:s6], $0x50  }
0x4a: {  	[sflag:s6] =	ssyncset.done @!p0 $0x0  }
0x4b: {  	s13 =	simm.s32 @!p0 $0x8;
	[sflag:s6] =	ssyncadd.s32 @!p0 $0xFFFFFFB0  }
0x4c: {  	_ =	swait.ge @!p0 [sflag:s13], $0x1400  }
0x4d: {  	s14 =	simm.s32 @!p0 $0x50;
	s16 =	simm.s32 @!p0 $0x9E20;
	[sflag:s13] =	ssyncset.done @!p0 $0x0  }
0x4e: {  	s6 =	simm.s32 @!p0 $0x4E20;
	s7 =	rddreg [dreg:$0xd];
	[sflag:s13] =	ssyncadd.s32 @!p0 $0xFFFFEC00  }
0x4f: {  	[spmem:s2] =	stream.indirect.scatter.add.f32 @!p0 [tilespmem:s6], [sflag:$0x5], $0x40, s16, s14, $0xb8;
	[tilespmem:$0x13F60] =	vst v63  }
0x50: {  	s13 =	sadd.s32 @!p0 $0xFFFFFFF6, s7;
	s6 =	simm.s32 @!p0 $0x9EC0;
	s16 =	simm.s32 @!p0 $0x0  }
0x51: {  	[tilespmem:s6], [sflag:$0xB] =	stream.linear.gather @!p0 [hbm4b:s13+s16], $0x50, $0x38;
	[tilespmem:$0x13F60] =	vst v63  }
0x52: {  	s6 =	simm.s32 @!p0 $0xA0;
	s13 =	simm.s32 @!p0 $0x7620  }
0x53: {  	[tilespmem:s13], [sflag:$0x3] =	stream.indirect.gather @!p0 [hbm4b:s15+s14], $0x40, s6, s14, $0xb8;
	[tilespmem:$0x13F60] =	vst v63  }
0x54: {  	s6 =	simm.s32 @!p0 $0x2  }
0x55: {  	_ =	swait.ge @!p0 [sflag:s6], $0x1400  }
0x56: {  	[sflag:s6] =	ssyncset.done @!p0 $0x0  }
0x57: {  	s13 =	simm.s32 @!p0 $0xA;
	[sflag:s6] =	ssyncadd.s32 @!p0 $0xFFFFEC00  }
0x58: {  	_ =	swait.ge @!p0 [sflag:s13], $0x50  }
0x59: {  	[sflag:s13] =	ssyncset.done @!p0 $0x0  }
0x5a: {  	s6 =	simm.s32 @!p0 $0x5;
	[sflag:s13] =	ssyncadd.s32 @!p0 $0xFFFFFFB0  }
0x5b: {  	_ =	swait.ge @!p0 [sflag:s6], $0x1400  }
0x5c: {  	[sflag:s6] =	ssyncset.done @!p0 $0x0  }
0x5d: {  	s13 =	simm.s32 @!p0 $0x9E70;
	[sflag:s6] =	ssyncadd.s32 @!p0 $0xFFFFEC00;
	s6 =	simm.s32 @!p0 $0x6220  }
0x5e: {  	[spmem:s2] =	stream.indirect.scatter.add.f32 @!p0 [tilespmem:s6], [sflag:$0x6], $0x40, s13, s14, $0xb8;
	[tilespmem:$0x13F60] =	vst v63  }
0x5f: {  	s6 =	simm.s32 @!p0 $0x9F10  }
0x60: {  	[tilespmem:s6], [sflag:$0xC] =	stream.linear.gather @!p0 [hbm4b:s7+s16], $0x50, $0x38;
	[tilespmem:$0x13F60] =	vst v63  }
0x61: {  	s13 =	simm.s32 @!p0 $0x8A20;
	s6 =	simm.s32 @!p0 $0xF0;
	s16 =	simm.s32 @!p0 $0x3  }
0x62: {  	[tilespmem:s13], [sflag:$0x4] =	stream.indirect.gather @!p0 [hbm4b:s15+s14], $0x40, s6, s14, $0xb8;
	[tilespmem:$0x13F60] =	vst v63  }
0x63: {  	_ =	swait.ge @!p0 [sflag:s16], $0x1400  }
0x64: {  	[sflag:s16] =	ssyncset.done @!p0 $0x0  }
0x65: {  	s6 =	simm.s32 @!p0 $0xB;
	[sflag:s16] =	ssyncadd.s32 @!p0 $0xFFFFEC00  }
0x66: {  	_ =	swait.ge @!p0 [sflag:s6], $0x50  }
0x67: {  	s13 =	simm.s32 $0x0;
	[sflag:s6] =	ssyncset.done @!p0 $0x0  }
0x68: {  	s13 =	simm.s32 @p0 $0x0;
	[sflag:s6] =	ssyncadd.s32 @!p0 $0xFFFFFFB0  }
0x69: {  	s17 =	sadd.s32 $0x140, s13;
	_ =	swait.ge [sflag:s0], $0x1400  }
0x6a: {  	s29 =	sadd.s32 s3, s17;
	[sflag:s0] =	ssyncset.done $0x0  }
0x6b: {  	s14 =	sshrl.u32 s29, $0x3;
	[sflag:s0] =	ssyncadd.s32 $0xFFFFEC00  }
0x6c: {  	[spmem:s2] =	stream.indirect.scatter.add.f32 [tilespmem:s28], [sflag:$0x7], $0x40, s21, s23, $0xb8;
	[tilespmem:$0x13F60] =	vst v63  }
0x6d: {  	s14 =	sadd.s32 s5, s14  }
0x6e: {  	[tilespmem:s19], [sflag:$0x9] =	stream.linear.gather [hbm4b:s14+s4], $0x50, $0x38;
	[tilespmem:$0x13F60] =	vst v63  }
0x6f: {  	_ = 	snop  }
0x70: {  	[tilespmem:s24], [sflag:$0x1] =	stream.indirect.gather [hbm4b:s15+s23], $0x40, s17, s23, $0xb8;
	[tilespmem:$0x13F60] =	vst v63  }
0x71: {  	_ =	swait.ge [sflag:s1], $0x1400  }
0x72: {  	[sflag:s1] =	ssyncset.done $0x0  }
0x73: {  	s6 =	simm.s32 @!p0 $0xC;
	[sflag:s1] =	ssyncadd.s32 $0xFFFFEC00  }
0x74: {  	_ =	swait.ge @!p0 [sflag:s6], $0x50  }
0x75: {  	[sflag:s6] =	ssyncset.done @!p0 $0x0  }
0x76: {  	[sflag:s6] =	ssyncadd.s32 @!p0 $0xFFFFFFB0  }
0x77: {  	s6 =	sadd.s32 $0x190, s13;
	_ =	swait.ge [sflag:s26], $0x1400  }
0x78: {  	s13 =	sadd.s32 s3, s6;
	[sflag:s26] =	ssyncset.done $0x0  }
0x79: {  	s13 =	sshrl.u32 s13, $0x3;
	[sflag:s26] =	ssyncadd.s32 $0xFFFFEC00  }
0x7a: {  	[spmem:s2] =	stream.indirect.scatter.add.f32 [tilespmem:s30], [sflag:$0x8], $0x40, s22, s23, $0xb8;
	[tilespmem:$0x13F60] =	vst v63  }
0x7b: {  	s13 =	sadd.s32 s5, s13  }
0x7c: {  	[tilespmem:s20], [sflag:$0xA] =	stream.linear.gather [hbm4b:s13+s4], $0x50, $0x38;
	[tilespmem:$0x13F60] =	vst v63  }
0x7d: {  	s16 =	smov.u32 s7;
	s14 =	simm.s32 $0x0;
	s13 =	simm.s32 $0x500  }
.LBB2_2:
0x7e: {  	s14 =	sadd.s32 $0x140, s14  }
0x7f: {  	s16 =	sadd.s32 $0x28, s16;
	s29 =	smov.u32 s13;
	s13 =	sadd.s32 $0x500, s13  }
0x80: {  	[tilespmem:s25], [sflag:$0x2] =	stream.indirect.gather [hbm4b:s15+s23], $0x40, s6, s23, $0xb8;
	[tilespmem:$0x13F60] =	vst v63  }
0x81: {  	p1 =	seq.s32 s29, $0x0;
	p0 =	sne.s32 s13, $0x13600;
	_ =	swait.ge [sflag:s31], $0x1400  }
0x82: {  	s9 =	simm.s32 @p1 $0x50;
	s6 =	simm.s32 @p1 $0x9E20;
	[sflag:s31] =	ssyncset.done $0x0  }
0x83: {  	s10 =	simm.s32 @p1 $0x4E20;
	s11 =	simm.s32 @p1 $0x2;
	[sflag:s31] =	ssyncadd.s32 $0xFFFFEC00  }
0x84: {  	[spmem:s2] =	stream.indirect.scatter.add.f32 @p1 [tilespmem:s10], [sflag:$0x5], $0x40, s6, s9, $0xb8;
	[tilespmem:$0x13F60] =	vst v63  }
0x85: {  	s6 =	sshra.s32 @!p1 s29, $0x2;
	s29 =	smov.u32 s14  }
0x86: {  	_ =	swait.ge @p1 [sflag:s11], $0x1400;
	s29 =	simm.s32 @p1 $0x0  }
0x87: {  	s10 =	simm.s32 @p1 $0x5;
	s7 =	sadd.s32 @!p1 $0xA0, s6;
	[sflag:s11] =	ssyncset.done @p1 $0x0  }
0x88: {  	s6 =	sadd.s32 @!p1 $0xF0, s6;
	[sflag:s11] =	ssyncadd.s32 @p1 $0xFFFFEC00  }
0x89: {  	_ =	swait.ge @p1 [sflag:s10], $0x1400  }
0x8a: {  	s17 =	simm.s32 @p1 $0x6220;
	s11 =	simm.s32 @p1 $0x9E70;
	[sflag:s10] =	ssyncset.done @p1 $0x0  }
0x8b: {  	[sflag:s10] =	ssyncadd.s32 @p1 $0xFFFFEC00;
	s10 =	simm.s32 @p1 $0x3  }
0x8c: {  	[spmem:s2] =	stream.indirect.scatter.add.f32 @p1 [tilespmem:s17], [sflag:$0x6], $0x40, s11, s9, $0xb8;
	[tilespmem:$0x13F60] =	vst v63  }
0x8d: {  	_ =	swait.ge @p1 [sflag:s10], $0x1400  }
0x8e: {  	s9 =	simm.s32 @!p1 $0x9;
	[sflag:s10] =	ssyncset.done @p1 $0x0  }
0x8f: {  	[sflag:s10] =	ssyncadd.s32 @p1 $0xFFFFEC00  }
0x90: {  	_ =	swait.ge @!p1 [sflag:s9], $0x50  }
0x91: {  	s10 =	simm.s32 @!p1 $0x8;
	[sflag:s9] =	ssyncset.done @!p1 $0x0  }
0x92: {  	[sflag:s9] =	ssyncadd.s32 @!p1 $0xFFFFFFB0  }
0x93: {  	s11 =	simm.s32 @!p1 $0x9EC0;
	s9 =	simm.s32 @!p1 $0x4E20;
	_ =	swait.ge @!p1 [sflag:s10], $0x1400  }
0x94: {  	s8 =	simm.s32 @!p1 $0x9E20;
	s17 =	simm.s32 @!p1 $0x50;
	[sflag:s10] =	ssyncset.done @!p1 $0x0  }
0x95: {  	s12 =	simm.s32 @!p1 $0x0;
	[sflag:s10] =	ssyncadd.s32 @!p1 $0xFFFFEC00;
	s10 =	sadd.s32 @!p1 $0xFFFFFFF6, s16  }
0x96: {  	[spmem:s2] =	stream.indirect.scatter.add.f32 @!p1 [tilespmem:s9], [sflag:$0x5], $0x40, s8, s17, $0xb8;
	[tilespmem:$0x13F60] =	vst v63  }
0x97: {  	s8 =	simm.s32 @!p1 $0x7620  }
0x98: {  	[tilespmem:s11], [sflag:$0xB] =	stream.linear.gather @!p1 [hbm4b:s10+s12], $0x50, $0x38;
	[tilespmem:$0x13F60] =	vst v63  }
0x99: {  	s9 =	simm.s32 @!p1 $0x2  }
0x9a: {  	[tilespmem:s8], [sflag:$0x3] =	stream.indirect.gather @!p1 [hbm4b:s15+s17], $0x40, s7, s17, $0xb8;
	[tilespmem:$0x13F60] =	vst v63  }
0x9b: {  	_ =	swait.ge @!p1 [sflag:s9], $0x1400  }
0x9c: {  	s7 =	simm.s32 @!p1 $0xA;
	[sflag:s9] =	ssyncset.done @!p1 $0x0  }
0x9d: {  	[sflag:s9] =	ssyncadd.s32 @!p1 $0xFFFFEC00  }
0x9e: {  	_ =	swait.ge @!p1 [sflag:s7], $0x50  }
0x9f: {  	s8 =	simm.s32 @!p1 $0x5;
	[sflag:s7] =	ssyncset.done @!p1 $0x0  }
0xa0: {  	[sflag:s7] =	ssyncadd.s32 @!p1 $0xFFFFFFB0  }
0xa1: {  	_ =	swait.ge @!p1 [sflag:s8], $0x1400  }
0xa2: {  	s9 =	simm.s32 @!p1 $0x6220;
	s7 =	simm.s32 @!p1 $0x9E70;
	[sflag:s8] =	ssyncset.done @!p1 $0x0  }
0xa3: {  	[sflag:s8] =	ssyncadd.s32 @!p1 $0xFFFFEC00;
	s8 =	simm.s32 @!p1 $0x9F10  }
0xa4: {  	[spmem:s2] =	stream.indirect.scatter.add.f32 @!p1 [tilespmem:s9], [sflag:$0x6], $0x40, s7, s17, $0xb8;
	[tilespmem:$0x13F60] =	vst v63  }
0xa5: {  	s7 =	simm.s32 @!p1 $0x8A20  }
0xa6: {  	[tilespmem:s8], [sflag:$0xC] =	stream.linear.gather @!p1 [hbm4b:s16+s12], $0x50, $0x38;
	[tilespmem:$0x13F60] =	vst v63  }
0xa7: {  	s8 =	simm.s32 @!p1 $0x3  }
0xa8: {  	[tilespmem:s7], [sflag:$0x4] =	stream.indirect.gather @!p1 [hbm4b:s15+s17], $0x40, s6, s17, $0xb8;
	[tilespmem:$0x13F60] =	vst v63  }
0xa9: {  	_ =	swait.ge @!p1 [sflag:s8], $0x1400  }
0xaa: {  	s6 =	simm.s32 @!p1 $0xB;
	[sflag:s8] =	ssyncset.done @!p1 $0x0  }
0xab: {  	[sflag:s8] =	ssyncadd.s32 @!p1 $0xFFFFEC00  }
0xac: {  	_ =	swait.ge @!p1 [sflag:s6], $0x50  }
0xad: {  	[sflag:s6] =	ssyncset.done @!p1 $0x0  }
0xae: {  	[sflag:s6] =	ssyncadd.s32 @!p1 $0xFFFFFFB0  }
0xaf: {  	s6 =	sadd.s32 $0x140, s29;
	_ =	swait.ge [sflag:s0], $0x1400  }
0xb0: {  	s7 =	sadd.s32 s3, s6;
	[sflag:s0] =	ssyncset.done $0x0  }
0xb1: {  	s7 =	sshrl.u32 s7, $0x3;
	[sflag:s0] =	ssyncadd.s32 $0xFFFFEC00  }
0xb2: {  	[spmem:s2] =	stream.indirect.scatter.add.f32 [tilespmem:s28], [sflag:$0x7], $0x40, s21, s23, $0xb8;
	[tilespmem:$0x13F60] =	vst v63  }
0xb3: {  	s7 =	sadd.s32 s5, s7  }
0xb4: {  	[tilespmem:s19], [sflag:$0x9] =	stream.linear.gather [hbm4b:s7+s4], $0x50, $0x38;
	[tilespmem:$0x13F60] =	vst v63  }
0xb5: {  	_ = 	snop  }
0xb6: {  	[tilespmem:s24], [sflag:$0x1] =	stream.indirect.gather [hbm4b:s15+s23], $0x40, s6, s23, $0xb8;
	[tilespmem:$0x13F60] =	vst v63  }
0xb7: {  	_ =	swait.ge [sflag:s1], $0x1400  }
0xb8: {  	s6 =	simm.s32 @!p1 $0xC;
	[sflag:s1] =	ssyncset.done $0x0  }
0xb9: {  	[sflag:s1] =	ssyncadd.s32 $0xFFFFEC00  }
0xba: {  	_ =	swait.ge @!p1 [sflag:s6], $0x50  }
0xbb: {  	[sflag:s6] =	ssyncset.done @!p1 $0x0  }
0xbc: {  	[sflag:s6] =	ssyncadd.s32 @!p1 $0xFFFFFFB0  }
0xbd: {  	s6 =	sadd.s32 $0x190, s29;
	_ =	swait.ge [sflag:s26], $0x1400  }
.Ltmp0:
0xbe: {  	s7 =	sadd.s32 s3, s6;
	[sflag:s26] =	ssyncset.done $0x0;
	(pc) =	sbr.rel @p0 .LBB2_2-.Ltmp0, $4  }
0xbf: {  	s7 =	sshrl.u32 s7, $0x3;
	[sflag:s26] =	ssyncadd.s32 $0xFFFFEC00  }
0xc0: {  	[spmem:s2] =	stream.indirect.scatter.add.f32 [tilespmem:s30], [sflag:$0x8], $0x40, s22, s23, $0xb8;
	[tilespmem:$0x13F60] =	vst v63  }
0xc1: {  	s7 =	sadd.s32 s5, s7  }
0xc2: {  	[tilespmem:s20], [sflag:$0xA] =	stream.linear.gather [hbm4b:s7+s4], $0x50, $0x38;
	[tilespmem:$0x13F60] =	vst v63  }
0xc3: {  	[tilespmem:s25], [sflag:$0x2] =	stream.indirect.gather [hbm4b:s15+s23], $0x40, s6, s23, $0xb8;
	[tilespmem:$0x13F60] =	vst v63  }
0xc4: {  	_ =	swait.ge [sflag:s31], $0x1400  }
0xc5: {  	[sflag:s31] =	ssyncset.done $0x0  }
0xc6: {  	s11 =	simm.s32 $0x9;
	[sflag:s31] =	ssyncadd.s32 $0xFFFFEC00  }
0xc7: {  	_ =	swait.ge [sflag:s11], $0x50  }
0xc8: {  	[sflag:s11] =	ssyncset.done $0x0  }
0xc9: {  	s12 =	simm.s32 $0x8;
	[sflag:s11] =	ssyncadd.s32 $0xFFFFFFB0  }
0xca: {  	_ =	swait.ge [sflag:s12], $0x1400  }
0xcb: {  	[sflag:s12] =	ssyncset.done $0x0  }
0xcc: {  	s13 =	simm.s32 $0x2;
	[sflag:s12] =	ssyncadd.s32 $0xFFFFEC00  }
0xcd: {  	[spmem:s2] =	stream.indirect.scatter.add.f32 [tilespmem:s24], [sflag:$0x5], $0x40, s19, s23, $0xb8;
	[tilespmem:$0x13F60] =	vst v63  }
0xce: {  	_ =	swait.ge [sflag:s13], $0x1400  }
0xcf: {  	[sflag:s13] =	ssyncset.done $0x0  }
0xd0: {  	s14 =	simm.s32 $0xA;
	[sflag:s13] =	ssyncadd.s32 $0xFFFFEC00  }
0xd1: {  	_ =	swait.ge [sflag:s14], $0x50  }
0xd2: {  	[sflag:s14] =	ssyncset.done $0x0  }
0xd3: {  	s16 =	simm.s32 $0x5;
	[sflag:s14] =	ssyncadd.s32 $0xFFFFFFB0  }
0xd4: {  	_ =	swait.ge [sflag:s16], $0x1400  }
0xd5: {  	[sflag:s16] =	ssyncset.done $0x0  }
0xd6: {  	[sflag:s16] =	ssyncadd.s32 $0xFFFFEC00  }
0xd7: {  	[spmem:s2] =	stream.indirect.scatter.add.f32 [tilespmem:s25], [sflag:$0x6], $0x40, s20, s23, $0xb8;
	[tilespmem:$0x13F60] =	vst v63  }
0xd8: {  	_ =	swait.ge [sflag:s0], $0x1400  }
0xd9: {  	[sflag:s0] =	ssyncset.done $0x0  }
0xda: {  	[sflag:s0] =	ssyncadd.s32 $0xFFFFEC00  }
0xdb: {  	[bflag:$0x0] =	sbarrier.arrive $0xFFFF  }
0xdc: {  	s7 =	rddreg [dreg:$0x5]  }
0xdd: {  	s17 =	rddreg [dreg:$0xb]  }
0xde: {  	s8 =	rddreg [dreg:$0xe]  }
0xdf: {  	[hbm:s17], [sflag:s7] =	dma.local [spmem:s8], $0x1400  }
0xe0: {  	_ =	swait.ge [sflag:s18], $0x1400  }
0xe1: {  	s9 =	rddreg [dreg:$0xf]  }
0xe2: {  	s29 =	rddreg [dreg:$0xc];
	s9 =	sadd.s32 $0x1, s9  }
0xe3: {  	p0 =	sne.s32 s9, s29  }
.Ltmp1:
0xe4: {  	_ = 	snop;
	(pc) =	sbr.rel @p0 .LBB2_1-.Ltmp1, $3  }
0xe5: {  	_ =	sdelay $0x1  }
0xe6: {  	[sflag:s18] =	ssyncset.done $0x0  }
0xe7: {  	[sflag:s18] =	ssyncadd.s32 $0xFFFFEC00  }
0xe8: {  	_ =	sfence.sel $0x180000  }
0xe9: {  	[bflag:$0x0] =	sbarrier.arrive $0xFFFF  }
0xea: {  	_ =	strace $0x9000004A  }
0xeb: {  	s0 =	stileid.u32;
	[bflag:$0x2] =	sbarrier.arrive $0xFFFF  }
0xec: {  	p0 =	sne.s32 s0, $0x0;
	s0 =	rddreg [dreg:$0x3]  }
0xed: {  	s0 =	sadd.s32 @!p0 $0x100000, s0  }
0xee: {  	[sflag:s0] =	ssyncadd.tile.s32 @!p0 $0x1;
	_ =	shalt  }
.Lfunc_end2:
_tile_overlayer_lowered:
.L_overlay_start_2:
0xef: {  	(tag) =	ssettag $0x2  }
0xf0: {  	s0 =	rddreg [dreg:$0x0];
	s2 =	stileid.u32  }
0xf1: {  	s1 =	rddreg [dreg:$0x1];
	p0 =	sne.s32 s2, $0x0  }
0xf2: {  	s3 =	rddreg [dreg:$0x2];
	[bflag:$0x3] =	sbarrier.arrive $0xFFFF;
	s2 =	simm.s32 @!p0 $0x1C0D  }
0xf3: {  	[timem:s3], [sflag:s2] =	dma.local @!p0 [hbm:s0], s1  }
0xf4: {  	s0 =	simm.s32 @!p0 $0xD  }
0xf5: {  	_ =	swait.ge @!p0 [sflag:s0], s1  }
0xf6: {  	s1 =	ssub.s32 @!p0 $0x0, s1;
	[sflag:s0] =	ssyncset.done @!p0 $0x0  }
0xf7: {  	[sflag:s0] =	ssyncadd.s32 @!p0 s1  }
0xf8: {  	[bflag:$0x3] =	sbarrier.arrive $0xFFFF  }
0xf9: {  	_ =	shalt  }

// kernel: kernel.7.cloned.1.call-start
scs
__scs_entry_jumppad:
0x0: {  	(pc) =	sbr.rel $0x88, $3  }
0x1: {  	(tag) =	ssettag $0x0;
	lr =	simm.s32 $0x1  }
0x2: {  	[smem:$0x3F99] =	sst lr;
	_ =	strace $0xD0000000  }
0x3: {  	_ = 	snop  }
0x4: {  	_ = 	snop  }
0x5: {  	_ = 	snop  }
0x6: {  	_ = 	snop  }
0x7: {  	_ = 	snop  }
__scs_overlays_trampoline_lowered:
0x8: {  	[smem:$0x3FA8] =	sst s0  }
0x9: {  	[smem:$0x3FA9] =	sst s1  }
0xa: {  	[smem:$0x3FAA] =	sst s2  }
0xb: {  	[smem:$0x3FAB] =	sst s3  }
0xc: {  	[smem:$0x3FAC] =	sst s4  }
0xd: {  	[smem:$0x3FAD] =	sst s5  }
0xe: {  	[smem:$0x3FAE] =	sst s6  }
0xf: {  	[smem:$0x3FAF] =	sst s7  }
0x10: {  	[smem:$0x3FB0] =	sst s8  }
0x11: {  	[smem:$0x3FB1] =	sst s9;
	s0 =	simm.s32 @!p0 $0x0  }
0x12: {  	s1 =	sld [smem:$0x3F97];
	s0 =	simm.s32 @p0 $0x1  }
0x13: {  	[smem:$0x3FB2] =	sst s0;
	s0 =	simm.s32 @!p1 $0x0  }
0x14: {  	s2 =	sld [smem:$0x3F96];
	s0 =	simm.s32 @p1 $0x1  }
0x15: {  	[smem:$0x3FB3] =	sst s0;
	s0 =	simm.s32 @!p2 $0x0  }
0x16: {  	s3 =	sld [smem:$0x3FDB];
	s0 =	simm.s32 @p2 $0x1  }
0x17: {  	s4 =	simm.s32 $0x1BF5;
	[smem:$0x3FB5] =	sst s0  }
0x18: {  	s0 =	sld [smem:$0x3F98];
	_ =	swait.ge [sflag:s4], $0x0  }
0x19: {  	s7 =	sld [smem:$0x3F99]  }
0x1a: {  	s8 =	sadd.s32 $0xFFFFE003, lr  }
0x1b: {  	s9 =	sadd.s32 $0xFFFFFEF7, lr;
	s5 =	simm.s32 $0xFFFFFFFF;
	p2 =	slt.u32 s8, $0xFFFFF086  }
0x1c: {  	p1 =	slt.u32 s9, $0xF7A;
	s5 =	simm.s32 @!p2 $0x0  }
0x1d: {  	s5 =	simm.s32 @p1 $0x1;
	p0 =	seq.s32 s7, s2  }
0x1e: {  	s7 =	smul.u32 @!p0 $0xF7A, s2;
	p2 =	seq.s32 @!p0 s5, $0x0  }
0x1f: {  	s9 =	smul.u32 $0xF7A, s1;
	s8 =	simm.s32 @!p0 $0x1BF5;
	p2 =	por !p2, p0  }
0x20: {  	[sflag:s8] =	ssyncset.s32 @!p0 $0xFFFFF086;
	s6 =	sadd.s32 @!p0 s3, s7;
	s7 =	simm.s32 @!p0 $0x108  }
0x21: {  	s3 =	sadd.s32 s3, s9;
	s6 =	sadd.s32 @!p0 $0x88, s6;
	s7 =	simm.s32 @p2 $0x1082  }
0x22: {  	[simem:s7], [sflag:s8] =	dma.local @!p0 [hbm:s6], $0xF7A  }
0x23: {  	s9 =	sor.u32 $0xD0000000, s2;
	s6 =	simm.s32 $0x108;
	_ =	swait.ge @!p0 [sflag:s8], $0x0  }
0x24: {  	s3 =	sadd.s32 $0x88, s3;
	s6 =	simm.s32 @!p1 $0x1082;
	[sflag:s4] =	ssyncset.s32 $0xFFFFF086  }
0x25: {  	[simem:s6], [sflag:s4] =	dma.local [hbm:s3], $0xF7A  }
0x26: {  	[smem:$0x3F99] =	sst s1;
	(tag) =	ssettag s2;
	_ =	strace s9  }
0x27: {  	s1 =	sld [smem:$0x3FA9]  }
0x28: {  	s2 =	sld [smem:$0x3FAA]  }
0x29: {  	s4 =	sld [smem:$0x3FAC]  }
0x2a: {  	p0 =	seq.s32 s5, $0x0;
	s5 =	sld [smem:$0x3FAD]  }
0x2b: {  	s6 =	sld [smem:$0x3FAE]  }
0x2c: {  	s7 =	sld [smem:$0x3FAF]  }
0x2d: {  	s3 =	simm.s32 $0x108;
	s8 =	sld [smem:$0x3FB0]  }
0x2e: {  	s3 =	simm.s32 @!p0 $0x1082;
	s9 =	sld [smem:$0x3FB1]  }
0x2f: {  	lr =	sadd.s32 s0, s3;
	s0 =	sld [smem:$0x3FA8]  }
0x30: {  	s3 =	sld [smem:$0x3FAB]  }
0x31: {  	[smem:$0x3FB4] =	sst s10  }
0x32: {  	s10 =	sld [smem:$0x3FB2];
	_ =	sdelay $0x3  }
0x33: {  	p0 =	seq.s32 s10, $0x1;
	s10 =	sld [smem:$0x3FB4];
	_ =	sdelay $0x3  }
0x34: {  	[smem:$0x3FB4] =	sst s10  }
0x35: {  	s10 =	sld [smem:$0x3FB3];
	_ =	sdelay $0x3  }
0x36: {  	p1 =	seq.s32 s10, $0x1;
	s10 =	sld [smem:$0x3FB4];
	_ =	sdelay $0x3  }
0x37: {  	[smem:$0x3FB4] =	sst s10  }
0x38: {  	s10 =	sld [smem:$0x3FB5]  }
0x39: {  	_ = 	snop;
	(pc) =	sbr.ind lr, $3  }
0x3a: {  	_ = 	snop  }
0x3b: {  	_ = 	snop  }
0x3c: {  	p2 =	seq.s32 s10, $0x1;
	s10 =	sld [smem:$0x3FB4]  }
0x3d: {  	_ =	shalt  }
0x3e: {  	_ =	shalt  }
0x3f: {  	_ =	shalt  }
0x40: {  	_ =	shalt  }
0x41: {  	_ =	shalt  }
0x42: {  	_ =	shalt  }
0x43: {  	_ =	shalt  }
0x44: {  	_ =	shalt  }
0x45: {  	_ =	shalt  }
0x46: {  	_ =	shalt  }
0x47: {  	_ =	shalt  }
0x48: {  	_ =	shalt  }
0x49: {  	_ =	shalt  }
0x4a: {  	_ =	shalt  }
0x4b: {  	_ =	shalt  }
0x4c: {  	_ =	shalt  }
0x4d: {  	_ =	shalt  }
0x4e: {  	_ =	shalt  }
0x4f: {  	_ =	shalt  }
0x50: {  	_ =	shalt  }
0x51: {  	_ =	shalt  }
0x52: {  	_ =	shalt  }
0x53: {  	_ =	shalt  }
0x54: {  	_ =	shalt  }
0x55: {  	_ =	shalt  }
0x56: {  	_ =	shalt  }
0x57: {  	_ =	shalt  }
0x58: {  	_ =	shalt  }
0x59: {  	_ =	shalt  }
0x5a: {  	_ =	shalt  }
0x5b: {  	_ =	shalt  }
0x5c: {  	_ =	shalt  }
0x5d: {  	_ =	shalt  }
0x5e: {  	_ =	shalt  }
0x5f: {  	_ =	shalt  }
0x60: {  	_ =	shalt  }
0x61: {  	_ =	shalt  }
0x62: {  	_ =	shalt  }
0x63: {  	_ =	shalt  }
0x64: {  	_ =	shalt  }
0x65: {  	_ =	shalt  }
0x66: {  	_ =	shalt  }
0x67: {  	_ =	shalt  }
0x68: {  	_ =	shalt  }
0x69: {  	_ =	shalt  }
0x6a: {  	_ =	shalt  }
0x6b: {  	_ =	shalt  }
0x6c: {  	_ =	shalt  }
0x6d: {  	_ =	shalt  }
0x6e: {  	_ =	shalt  }
0x6f: {  	_ =	shalt  }
0x70: {  	_ =	shalt  }
0x71: {  	_ =	shalt  }
0x72: {  	_ =	shalt  }
0x73: {  	_ =	shalt  }
0x74: {  	_ =	shalt  }
0x75: {  	_ =	shalt  }
0x76: {  	_ =	shalt  }
0x77: {  	_ =	shalt  }
0x78: {  	_ =	shalt  }
0x79: {  	_ =	shalt  }
0x7a: {  	_ =	shalt  }
0x7b: {  	_ =	shalt  }
0x7c: {  	_ =	shalt  }
0x7d: {  	_ =	shalt  }
0x7e: {  	_ =	shalt  }
0x7f: {  	_ =	shalt  }
0x80: {  	_ =	shalt  }
0x81: {  	_ =	shalt  }
0x82: {  	_ =	shalt  }
0x83: {  	_ =	shalt  }
0x84: {  	_ =	shalt  }
0x85: {  	_ =	shalt  }
0x86: {  	_ =	shalt  }
0x87: {  	_ =	shalt  }
.Lfunc_end0:
.L_simem_size_0:
called_computation_lowered:
.L_overlay_start_0:
0x88: {  	s2 =	sld [smem:$0x3FD9]  }
0x89: {  	s3 =	sld [smem:$0x3FFE];
	_ =	sdelay $0x1  }
0x8a: {  	s1 =	srdreg.scid  }
0x8b: {  	s0 =	sand.u32 $0x1, s1  }
0x8c: {  	s17 =	sshll.u32 s0, $0xA;
	s2 =	sadd.s32 s3, s2  }
0x8d: {  	s2 =	sadd.s32 s2, s17  }
0x8e: {  	[smem:$0x3FC0] =	sst s2  }
0x8f: {  	_ = 	snop  }
0x90: {  	s2 =	sld [smem:$0x3FD0];
	(tm) =	ssettm $0x1  }
0x91: {  	s18 =	sld [smem:$0x3FFB];
	_ =	sdelay $0x3  }
0x92: {  	_ =	strace s18  }
0x93: {  	s3 =	sld [smem:$0x3FFC];
	_ =	sdelay $0x3  }
0x94: {  	_ =	strace s3  }
0x95: {  	s3 =	sld [smem:$0x3FFD];
	_ =	sdelay $0x3  }
0x96: {  	_ =	strace s3  }
0x97: {  	_ =	strace $0x8FFFFFFF  }
0x98: {  	s19 =	sld [smem:$0x3FDB];
	_ =	sdelay $0x1  }
0x99: {  	s4 =	simm.s32 $_scs_section_size  }
0x9a: {  	s5 =	simm.s32 $_size__tile_overlayer_lowered;
	s6 =	simm.s32 $_tile_overlayer_lowered  }
0x9b: {  	s22 =	simm.s32 $0x1BFF;
	s21 =	sshll.u32 s6, $0x1;
	s3 =	sadd.s32 s4, s19  }
0x9c: {  	s7 =	simm.s32 $0x0;
	s20 =	sshll.u32 s5, $0x1;
	s5 =	sadd.s32 s21, s3  }
0x9d: {  	[timem:s7], [sflag:s22] =	dma.local [hbm:s5], s20  }
0x9e: {  	_ =	swait.ge [sflag:s22], s20  }
0x9f: {  	s4 =	ssub.s32 $0x0, s20;
	[sflag:s22] =	ssyncset.done $0x0  }
0xa0: {  	[sflag:s22] =	ssyncadd.s32 s4;
	_ =	sdelay $0x1  }
0xa1: {  	s23 =	simm.s32 $0x1B8B  }
0xa2: {  	_ =	swait.ge [sflag:s23], $0x1  }
0xa3: {  	[sflag:s23] =	ssyncset.done $0x0  }
0xa4: {  	s25 =	simm.s32 $0x1B8E;
	s24 =	sld [smem:$0x3FFE];
	[sflag:s23] =	ssyncadd.s32 $0xFFFFFFFF  }
0xa5: {  	s26 =	simm.s32 $execute0_lowered;
	[smem:$0x3FD2] =	sst s25  }
0xa6: {  	s5 =	sshll.u32 s26, $0x1;
	_ =	strace $0x80000046;
	[dreg:$0x1] =	wrdreg $0xFFFFFFFF  }
0xa7: {  	s28 =	simm.s32 $_size_execute0_lowered;
	s3 =	sadd.s32 s3, s5;
	[dreg:$0x0] =	wrdreg $0x0  }
0xa8: {  	s5 =	sshll.u32 s28, $0x1;
	[dreg:$0x2] =	wrdreg s3  }
0xa9: {  	[dreg:$0x3] =	wrdreg s5  }
0xaa: {  	[dreg:$0x4] =	wrdreg $0xC0  }
0xab: {  	_ =	task [dreg:s7], $0x5FFFF  }
0xac: {  	[dreg:$0x1] =	wrdreg $0xFFFFFFFF  }
0xad: {  	[dreg:$0x0] =	wrdreg $0x60  }
0xae: {  	[dreg:$0x2] =	wrdreg s24  }
0xaf: {  	[dreg:$0x3] =	wrdreg s2  }
0xb0: {  	[dreg:$0x4] =	wrdreg $0x9FB00  }
0xb1: {  	[dreg:$0x5] =	wrdreg $0x13FB00  }
0xb2: {  	[dreg:$0x6] =	wrdreg $0x9  }
0xb3: {  	_ =	task.clear_ibuf [dreg:s7], $0x7FFFF;
	_ =	strace $0x90000046  }
0xb4: {  	s29 =	simm.s32 $0x9;
	_ =	strace $0x80000048  }
0xb5: {  	_ =	swait.ge [sflag:s29], $0x1  }
0xb6: {  	[sflag:s29] =	ssyncadd.s32 $0xFFFFFFFF  }
0xb7: {  	_ =	strace $0x90000048  }
0xb8: {  	_ =	sfence  }
0xb9: {  	s30 =	sld [smem:$0x0];
	_ =	sdelay $0x2  }
0xba: {  	s31 =	sshll.u32 s1, $0xD;
	s1 =	sshrl.u32 s1, $0x2  }
0xbb: {  	s3 =	sand.u32 $0x4000, s31;
	s1 =	sadd.s32 s1, s30  }
0xbc: {  	s0 =	sor.u32 s3, s0;
	s1 =	sshll.u32 s1, $0x11  }
0xbd: {  	s0 =	sor.u32 s1, s0  }
0xbe: {  	s0 =	sadd.s32 $0x8F2B, s0  }
0xbf: {  	[sflag:s0] =	ssyncadd.remote.s32 $0x1  }
0xc0: {  	_ =	sfence.sel $0xFFFF  }
0xc1: {  	[dreg:$0x0] =	wrdreg $0xFFFFFFFF;
	(pc) =	sbr.abs _section_cstart, $3  }
0xc2: {  	[dreg:$0x1] =	wrdreg $0xFFFFFFFF  }
0xc3: {  	_ =	task.clear_ibuf [dreg:s7], $0x2FFFF;
	_ =	strace $0x9FFFFFFF  }
0xc4: {  	(tm) =	ssettm $0x7FFFFFFF  }
0xc5: {  	_ =	shalt  }
tec
execute0_lowered:
.L_overlay_start_1:
0x0: {  	(tag) =	ssettag $0x1  }
0x1: {  	s0 =	rddreg [dreg:$0x0]  }
0x2: {  	s1 =	rddreg [dreg:$0x1]  }
0x3: {  	s2 =	rddreg [dreg:$0x2]  }
0x4: {  	s3 =	rddreg [dreg:$0x3];
	s15 =	stileid.u32  }
0x5: {  	s4 =	simm.s32 $0x0;
	s5 =	srdreg.scid;
	s16 =	simm.s32 $0x11  }
0x6: {  	s28 =	simm.s32 $0x4E20;
	s29 =	simm.s32 $0x6220;
	s31 =	simm.s32 $0x7620  }
0x7: {  	s30 =	simm.s32 $0x5;
	s7 =	smul.u32 $0x4E20, s15;
	[smem:$0x7FF] =	sst s4  }
0x8: {  	s8 =	sand.u32 $0x1, s5;
	s9 =	smul.u32 $0xA000, s15;
	s5 =	sadd.s32 $0x15200, s0  }
0x9: {  	s6 =	sadd.s32 $0x28C00, s0;
	s13 =	sadd.s32 $0x1600, s0;
	s11 =	sadd.s32 $0x3C600, s0  }
0xa: {  	s19 =	sshll.u32 s15, $0x6;
	s24 =	smul.u32 $0x9C4, s15;
	_ =	strace $0x80000047  }
0xb: {  	s10 =	smul.u32 $0xA0000, s8;
	[dreg:$0x5] =	wrdreg s11;
	s17 =	ssub.s32 $0x2, s8  }
0xc: {  	s11 =	sor.u32 $0x1C11, s19;
	p0 =	seq.s32 s8, $0x0;
	s25 =	sor.u32 s15, s8  }
0xd: {  	p2 =	sne.s32 s8, $0x0;
	s8 =	simm.s32 $0x7;
	s7 =	sshrl.u32 s7, $0x3  }
0xe: {  	s18 =	sshrl.u32 s17, $0x1;
	s14 =	sadd.s32 s9, s2;
	s19 =	sadd.s32 s24, s13  }
0xf: {  	p1 =	sne.s32 s25, $0x0;
	s25 =	simm.s32 $0x2;
	[dreg:$0x9] =	wrdreg s11  }
0x10: {  	s12 =	sadd.s32 s7, s0;
	s10 =	sadd.s32 s9, s10;
	s7 =	sadd.s32 s13, s7  }
0x11: {  	s9 =	sshrl.u32 s9, $0x3;
	s15 =	sshrl.u32 s14, $0x3;
	[dreg:$0x8] =	wrdreg s7  }
0x12: {  	s13 =	simm.s32 $0xE;
	s1 =	sadd.s32 s1, s9;
	[dreg:$0x10] =	wrdreg s15  }
0x13: {  	s10 =	sshrl.u32 s10, $0x3;
	s20 =	sadd.s32 $0xB400, s12;
	[dreg:$0x7] =	wrdreg s1  }
0x14: {  	s21 =	sadd.s32 $0xA, s7;
	s22 =	sadd.s32 $0x14, s7;
	[dreg:$0xa] =	wrdreg s20  }
0x15: {  	s23 =	sadd.s32 $0x1E, s7;
	s7 =	simm.s32 $0x4;
	[dreg:$0xb] =	wrdreg s21  }
0x16: {  	s9 =	simm.s32 $0xD;
	s12 =	simm.s32 $0x8;
	[dreg:$0xc] =	wrdreg s22  }
0x17: {  	s10 =	sadd.s32 s10, s0;
	s0 =	sadd.s32 $0x3CC00, s0;
	[dreg:$0xd] =	wrdreg s23  }
.Ltmp0:
0x18: {  	s22 =	simm.s32 $0x9E20;
	s23 =	simm.s32 $0x9E70;
	(pc) =	sbr.rel .LBB2_1-.Ltmp0, $4  }
0x19: {  	s1 =	simm.s32 $0x1;
	[dreg:$0x6] =	wrdreg s0;
	s0 =	ssub.s32 s17, s18  }
0x1a: {  	s26 =	sadd.s32 $0x3F400, s10;
	s17 =	smov.u32 s6;
	s18 =	simm.s32 $0x0  }
0x1b: {  	[dreg:$0xe] =	wrdreg s26;
	s0 =	smax.u32 s0, $0x1;
	s17 =	smov.u32 @p0 s5  }
0x1c: {  	v0 =	vimm.f32 $1.000000000e+00;
	s26 =	simm.s32 $0x50;
	[dreg:$0xf] =	wrdreg s0;
	s0 =	simm.s32 $0x6  }
.LBB2_6:
0x1d: {  	_ =	swait.ge [sflag:s1], $0x1400  }
0x1e: {  	[sflag:s1] =	ssyncset.done $0x0  }
0x1f: {  	[sflag:s1] =	ssyncadd.s32 $0xFFFFEC00  }
0x20: {  	_ =	swait.ge [sflag:s9], $0x50  }
0x21: {  	[sflag:s9] =	ssyncset.done $0x0  }
0x22: {  	[sflag:s9] =	ssyncadd.s32 $0xFFFFFFB0  }
0x23: {  	_ =	swait.ge [sflag:s12], $0x1400  }
0x24: {  	[sflag:s12] =	ssyncset.done $0x0  }
0x25: {  	s11 =	simm.s32 @p2 $0x9E20;
	s14 =	simm.s32 @p2 $0x4E20;
	[sflag:s12] =	ssyncadd.s32 $0xFFFFEC00  }
0x26: {  	[spmem:s2] =	stream.indirect.scatter.add.f32 @p2 [tilespmem:s14], [sflag:$0x5], $0x40, s11, s10, $0xb8;
	[tilespmem:$0x14230] =	vst v63  }
0x27: {  	s10 =	simm.s32 @!p2 $0xC  }
0x28: {  	_ =	swait.ge @!p2 [sflag:s10], $0x50  }
0x29: {  	[sflag:s10] =	ssyncset.done @!p2 $0x0  }
0x2a: {  	s11 =	simm.s32 @!p2 $0x4E20;
	[sflag:s10] =	ssyncadd.s32 @!p2 $0xFFFFFFB0;
	s10 =	simm.s32 @!p2 $0x9E20  }
0x2b: {  	[spmem:s2] =	stream.indirect.scatter.add.f32 @!p2 [tilespmem:s11], [sflag:$0x5], $0x40, s10, s20, $0xb8;
	[tilespmem:$0x14230] =	vst v63  }
0x2c: {  	_ = 	snop  }
0x2d: {  	[spmem:s3] =	stream.indirect.scatter.add.f32 @!p2 [tilespmem:s15], [sflag:$0x9], $0x1, s10, s20, $0xb8;
	[tilespmem:$0x14230] =	vst v63  }
0x2e: {  	_ =	swait.ge [sflag:s25], $0x1400  }
0x2f: {  	[sflag:s25] =	ssyncset.done $0x0  }
0x30: {  	[sflag:s25] =	ssyncadd.s32 $0xFFFFEC00  }
0x31: {  	_ =	swait.ge [sflag:s13], $0x50  }
0x32: {  	[sflag:s13] =	ssyncset.done $0x0  }
0x33: {  	[sflag:s13] =	ssyncadd.s32 $0xFFFFFFB0  }
0x34: {  	_ =	swait.ge [sflag:s30], $0x1400  }
0x35: {  	[sflag:s30] =	ssyncset.done $0x0  }
0x36: {  	s10 =	simm.s32 @p0 $0x9;
	[sflag:s30] =	ssyncadd.s32 $0xFFFFEC00  }
0x37: {  	_ =	swait.ge @p0 [sflag:s10], $0x50  }
0x38: {  	s14 =	simm.s32 @p0 $0x6220;
	[sflag:s10] =	ssyncset.done @p0 $0x0  }
0x39: {  	s11 =	simm.s32 @p0 $0x9E70;
	[sflag:s10] =	ssyncadd.s32 @p0 $0xFFFFFFB0;
	s10 =	simm.s32 @p0 $0x50  }
0x3a: {  	[spmem:s2] =	stream.indirect.scatter.add.f32 @p0 [tilespmem:s14], [sflag:$0x6], $0x40, s11, s10, $0xb8;
	[tilespmem:$0x14230] =	vst v63  }
0x3b: {  	s14 =	simm.s32 @p0 $0x9F60  }
0x3c: {  	[spmem:s3] =	stream.indirect.scatter.add.f32 @p0 [tilespmem:s14], [sflag:$0xA], $0x1, s11, s10, $0xb8;
	[tilespmem:$0x14230] =	vst v63  }
0x3d: {  	s10 =	simm.s32 @p0 $0x6  }
0x3e: {  	_ =	swait.ge @p0 [sflag:s10], $0x1400  }
0x3f: {  	[sflag:s10] =	ssyncset.done @p0 $0x0  }
0x40: {  	[sflag:s10] =	ssyncadd.s32 @p0 $0xFFFFEC00;
	s10 =	simm.s32 @p0 $0xA  }
0x41: {  	_ =	swait.ge @p0 [sflag:s10], $0x50  }
0x42: {  	s11 =	simm.s32 @!p0 $0x9E70;
	[sflag:s10] =	ssyncset.done @p0 $0x0  }
0x43: {  	s14 =	simm.s32 @!p0 $0x6220;
	[sflag:s10] =	ssyncadd.s32 @p0 $0xFFFFFFB0;
	s10 =	simm.s32 @!p0 $0x50  }
0x44: {  	[spmem:s2] =	stream.indirect.scatter.add.f32 @!p0 [tilespmem:s14], [sflag:$0x6], $0x40, s11, s10, $0xb8;
	[tilespmem:$0x14230] =	vst v63  }
0x45: {  	s10 =	simm.s32 @!p0 $0x6  }
0x46: {  	_ =	swait.ge @!p0 [sflag:s10], $0x1400  }
0x47: {  	[sflag:s10] =	ssyncset.done @!p0 $0x0  }
0x48: {  	[sflag:s10] =	ssyncadd.s32 @!p0 $0xFFFFEC00  }
0x49: {  	[bflag:$0x0] =	sbarrier.arrive $0xFFFF  }
0x4a: {  	s11 =	rddreg [dreg:$0x9]  }
0x4b: {  	s21 =	rddreg [dreg:$0xe]  }
0x4c: {  	s16 =	simm.s32 $0x11;
	s15 =	rddreg [dreg:$0x10]  }
0x4d: {  	[hbm:s21], [sflag:s11] =	dma.local [spmem:s15], $0x1400  }
0x4e: {  	_ =	swait.ge [sflag:s16], $0x1400  }
0x4f: {  	[sflag:s16] =	ssyncset.done $0x0;
	s10 =	rddreg [dreg:$0x6]  }
0x50: {  	s14 =	rddreg [dreg:$0x12];
	[sflag:s16] =	ssyncadd.s32 $0xFFFFEC00  }
0x51: {  	[hbm:s10], [sflag:s11] =	dma.local @!p1 [spmem:s14], $0x500  }
0x52: {  	s10 =	simm.s32 @!p1 $0x11  }
0x53: {  	_ =	swait.ge @!p1 [sflag:s10], $0x500  }
0x54: {  	s18 =	rddreg [dreg:$0x11]  }
0x55: {  	s24 =	rddreg [dreg:$0xf];
	s18 =	sadd.s32 $0x1, s18  }
0x56: {  	p3 =	sne.s32 s18, s24  }
.Ltmp1:
0x57: {  	_ = 	snop;
	(pc) =	sbr.rel @!p3 .LBB2_7-.Ltmp1, $3  }
0x58: {  	_ =	sdelay $0x1  }
0x59: {  	[sflag:s10] =	ssyncset.done @!p1 $0x0  }
0x5a: {  	[sflag:s10] =	ssyncadd.s32 @!p1 $0xFFFFFB00  }
.LBB2_1:
0x5b: {  	[dreg:$0x11] =	wrdreg s18  }
0x5c: {  	s10 =	rddreg [dreg:$0x7]  }
0x5d: {  	[spmem:s15], [sflag:s11] =	dma.local [hbm:s10], $0x1400  }
0x5e: {  	_ =	swait.ge [sflag:s16], $0x1400  }
0x5f: {  	[sflag:s16] =	ssyncset.done $0x0  }
0x60: {  	s21 =	rddreg [dreg:$0xa];
	[sflag:s16] =	ssyncadd.s32 $0xFFFFEC00  }
0x61: {  	[tilespmem:s4], [sflag:$0x11] =	stream.linear.gather [hbm4b:s21+s4], $0x4E20, $0x38;
	[tilespmem:$0x14230] =	vst v63  }
0x62: {  	_ =	swait.ge [sflag:s16], $0x4E20  }
0x63: {  	[sflag:s16] =	ssyncset.done $0x0  }
0x64: {  	s24 =	rddreg [dreg:$0x8];
	[sflag:s16] =	ssyncadd.s32 $0xFFFFB1E0  }
0x65: {  	[tilespmem:s22], [sflag:$0x11] =	stream.linear.gather [hbm4b:s24+s4], $0x50, $0x38;
	[tilespmem:$0x14230] =	vst v63  }
0x66: {  	_ =	swait.ge [sflag:s16], $0x50  }
0x67: {  	[sflag:s16] =	ssyncset.done $0x0  }
0x68: {  	s14 =	rddreg [dreg:$0xb];
	[sflag:s16] =	ssyncadd.s32 $0xFFFFFFB0  }
0x69: {  	[tilespmem:s23], [sflag:$0x11] =	stream.linear.gather [hbm4b:s14+s4], $0x50, $0x38;
	[tilespmem:$0x14230] =	vst v63  }
0x6a: {  	_ =	swait.ge [sflag:s16], $0x50  }
0x6b: {  	[sflag:s16] =	ssyncset.done $0x0  }
0x6c: {  	s14 =	simm.s32 $0x9EC0;
	s15 =	rddreg [dreg:$0xc];
	[sflag:s16] =	ssyncadd.s32 $0xFFFFFFB0  }
0x6d: {  	[tilespmem:s14], [sflag:$0x11] =	stream.linear.gather [hbm4b:s15+s4], $0x50, $0x38;
	[tilespmem:$0x14230] =	vst v63  }
0x6e: {  	_ =	swait.ge [sflag:s16], $0x50  }
0x6f: {  	[sflag:s16] =	ssyncset.done $0x0  }
0x70: {  	s20 =	simm.s32 $0x9F10;
	s18 =	rddreg [dreg:$0xd];
	[sflag:s16] =	ssyncadd.s32 $0xFFFFFFB0  }
0x71: {  	[tilespmem:s20], [sflag:$0x11] =	stream.linear.gather [hbm4b:s18+s4], $0x50, $0x38;
	[tilespmem:$0x14230] =	vst v63  }
0x72: {  	s14 =	sshrl.u32 @!p1 s3, $0x3;
	_ =	swait.ge [sflag:s16], $0x50  }
0x73: {  	[dreg:$0x12] =	wrdreg s14;
	[sflag:s16] =	ssyncset.done $0x0  }
0x74: {  	s10 =	rddreg [dreg:$0x5];
	[sflag:s16] =	ssyncadd.s32 $0xFFFFFFB0  }
0x75: {  	[spmem:s14], [sflag:s11] =	dma.local @!p1 [hbm:s10], $0x500  }
0x76: {  	s10 =	simm.s32 @!p1 $0x11  }
0x77: {  	_ =	swait.ge @!p1 [sflag:s10], $0x500  }
0x78: {  	[sflag:s10] =	ssyncset.done @!p1 $0x0  }
0x79: {  	[sflag:s10] =	ssyncadd.s32 @!p1 $0xFFFFFB00  }
0x7a: {  	[tilespmem:$0x9F60] =	vst v0  }
0x7b: {  	[tilespmem:$0x9F70] =	vst v0  }
0x7c: {  	[tilespmem:$0x9F80] =	vst v0  }
0x7d: {  	[tilespmem:$0x9F90] =	vst v0  }
0x7e: {  	[tilespmem:$0x9FA0] =	vst v0  }
0x7f: {  	[bflag:$0x0] =	sbarrier.arrive $0xFFFF  }
0x80: {  	[tilespmem:s28], [sflag:$0x1] =	stream.indirect.gather [hbm4b:s17+s26], $0x40, s4, s26, $0xb8;
	[tilespmem:$0x14230] =	vst v63  }
0x81: {  	_ = 	snop  }
0x82: {  	[tilespmem:s29], [sflag:$0x2] =	stream.indirect.gather [hbm4b:s17+s26], $0x40, s26, s26, $0xb8;
	[tilespmem:$0x14230] =	vst v63  }
.Ltmp2:
0x83: {  	_ = 	snop;
	(pc) =	sbr.rel .LBB2_2-.Ltmp2, $4  }
0x84: {  	s21 =	simm.s32 $0xA0  }
0x85: {  	[tilespmem:s31], [sflag:$0x3] =	stream.indirect.gather [hbm4b:s17+s26], $0x40, s21, s26, $0xb8;
	[tilespmem:$0x14230] =	vst v63  }
0x86: {  	s24 =	simm.s32 $0x8A20;
	s18 =	simm.s32 $0x0;
	s16 =	simm.s32 $0xF0  }
0x87: {  	[tilespmem:s24], [sflag:$0x4] =	stream.indirect.gather [hbm4b:s17+s26], $0x40, s16, s26, $0xb8;
	[tilespmem:$0x14230] =	vst v63  }
.LBB2_4:
0x88: {  	[spmem:s2] =	stream.indirect.scatter.add.f32 [tilespmem:s28], [sflag:$0x5], $0x40, s22, s26, $0xb8;
	[tilespmem:$0x14230] =	vst v63  }
0x89: {  	s10 =	simm.s32 @!p2 $0x50;
	s15 =	simm.s32 @!p2 $0x9E20;
	s20 =	simm.s32 @!p2 $0x9F60  }
0x8a: {  	[spmem:s3] =	stream.indirect.scatter.add.f32 @!p2 [tilespmem:s20], [sflag:$0x9], $0x1, s15, s10, $0xb8;
	[tilespmem:$0x14230] =	vst v63  }
0x8b: {  	_ =	swait.ge [sflag:s25], $0x1400  }
0x8c: {  	[sflag:s25] =	ssyncset.done $0x0  }
0x8d: {  	[sflag:s25] =	ssyncadd.s32 $0xFFFFEC00  }
.LBB2_5:
0x8e: {  	_ =	swait.ge [sflag:s30], $0x1400  }
0x8f: {  	s10 =	simm.s32 @p2 $0x50;
	[sflag:s30] =	ssyncset.done $0x0  }
0x90: {  	s15 =	simm.s32 @p2 $0x9E70;
	s20 =	simm.s32 @p2 $0x6220;
	[sflag:s30] =	ssyncadd.s32 $0xFFFFEC00  }
0x91: {  	[spmem:s2] =	stream.indirect.scatter.add.f32 @p2 [tilespmem:s20], [sflag:$0x6], $0x40, s15, s10, $0xb8;
	[tilespmem:$0x14230] =	vst v63  }
0x92: {  	s15 =	simm.s32 @!p2 $0x9  }
0x93: {  	_ =	swait.ge @!p2 [sflag:s15], $0x50  }
0x94: {  	s11 =	simm.s32 @!p2 $0x9E70;
	[sflag:s15] =	ssyncset.done @!p2 $0x0  }
0x95: {  	s20 =	simm.s32 @!p2 $0x50;
	[sflag:s15] =	ssyncadd.s32 @!p2 $0xFFFFFFB0;
	s15 =	simm.s32 @!p2 $0x6220  }
0x96: {  	[spmem:s2] =	stream.indirect.scatter.add.f32 @!p2 [tilespmem:s15], [sflag:$0x6], $0x40, s11, s20, $0xb8;
	[tilespmem:$0x14230] =	vst v63  }
0x97: {  	s15 =	simm.s32 @!p2 $0x9F60  }
0x98: {  	[spmem:s3] =	stream.indirect.scatter.add.f32 @!p2 [tilespmem:s15], [sflag:$0xA], $0x1, s11, s20, $0xb8;
	[tilespmem:$0x14230] =	vst v63  }
0x99: {  	s11 =	simm.s32 @p3 $0x3  }
0x9a: {  	_ =	swait.ge @p3 [sflag:s11], $0x1400  }
0x9b: {  	[sflag:s11] =	ssyncset.done @p3 $0x0  }
0x9c: {  	[sflag:s11] =	ssyncadd.s32 @p3 $0xFFFFEC00;
	s11 =	sadd.s32 @!p3 s18, s19  }
0x9d: {  	s14 =	simm.s32 @!p3 $0x0;
	s21 =	simm.s32 @!p3 $0x9F10;
	s11 =	sadd.s32 @!p3 $0x1E, s11  }
0x9e: {  	[tilespmem:s21], [sflag:$0x10] =	stream.linear.gather @!p3 [hbm4b:s11+s14], $0x50, $0x38;
	[tilespmem:$0x14230] =	vst v63  }
0x9f: {  	s11 =	simm.s32 @!p3 $0x50;
	s14 =	simm.s32 @!p3 $0x8A20  }
0xa0: {  	[tilespmem:s14], [sflag:$0x4] =	stream.indirect.gather @!p3 [hbm4b:s17+s11], $0x40, s16, s11, $0xb8;
	[tilespmem:$0x14230] =	vst v63  }
0xa1: {  	s11 =	simm.s32 @!p3 $0x3  }
0xa2: {  	_ =	swait.ge @!p3 [sflag:s11], $0x1400  }
0xa3: {  	[sflag:s11] =	ssyncset.done @!p3 $0x0  }
0xa4: {  	[sflag:s11] =	ssyncadd.s32 @!p3 $0xFFFFEC00;
	s11 =	simm.s32 @!p3 $0xF  }
0xa5: {  	_ =	swait.ge @!p3 [sflag:s11], $0x50  }
0xa6: {  	[sflag:s11] =	ssyncset.done @!p3 $0x0  }
0xa7: {  	[sflag:s11] =	ssyncadd.s32 @!p3 $0xFFFFFFB0  }
0xa8: {  	_ =	swait.ge [sflag:s0], $0x1400  }
0xa9: {  	[sflag:s0] =	ssyncset.done $0x0  }
0xaa: {  	s14 =	simm.s32 @p2 $0x7620;
	s11 =	simm.s32 @p2 $0x9EC0;
	[sflag:s0] =	ssyncadd.s32 $0xFFFFEC00  }
0xab: {  	[spmem:s2] =	stream.indirect.scatter.add.f32 @p2 [tilespmem:s14], [sflag:$0x7], $0x40, s11, s10, $0xb8;
	[tilespmem:$0x14230] =	vst v63  }
0xac: {  	s11 =	simm.s32 @!p2 $0xA  }
0xad: {  	_ =	swait.ge @!p2 [sflag:s11], $0x50  }
0xae: {  	[sflag:s11] =	ssyncset.done @!p2 $0x0  }
0xaf: {  	s14 =	simm.s32 @!p2 $0x7620;
	[sflag:s11] =	ssyncadd.s32 @!p2 $0xFFFFFFB0;
	s11 =	simm.s32 @!p2 $0x9EC0  }
0xb0: {  	[spmem:s2] =	stream.indirect.scatter.add.f32 @!p2 [tilespmem:s14], [sflag:$0x7], $0x40, s11, s20, $0xb8;
	[tilespmem:$0x14230] =	vst v63  }
0xb1: {  	_ = 	snop  }
0xb2: {  	[spmem:s3] =	stream.indirect.scatter.add.f32 @!p2 [tilespmem:s15], [sflag:$0xB], $0x1, s11, s20, $0xb8;
	[tilespmem:$0x14230] =	vst v63  }
0xb3: {  	s11 =	sadd.s32 s18, s19  }
0xb4: {  	s21 =	smov.u32 s5;
	s24 =	sadd.s32 $0x28, s11  }
0xb5: {  	[tilespmem:s22], [sflag:$0xD] =	stream.linear.gather [hbm4b:s24+s4], $0x50, $0x38;
	[tilespmem:$0x14230] =	vst v63  }
0xb6: {  	s21 =	smov.u32 @p2 s6;
	s24 =	sadd.s32 $0x50, s16  }
0xb7: {  	[tilespmem:s28], [sflag:$0x1] =	stream.indirect.gather [hbm4b:s21+s26], $0x40, s24, s26, $0xb8;
	[tilespmem:$0x14230] =	vst v63  }
0xb8: {  	_ =	swait.ge [sflag:s7], $0x1400  }
0xb9: {  	[sflag:s7] =	ssyncset.done $0x0  }
0xba: {  	s14 =	simm.s32 @!p3 $0x10;
	[sflag:s7] =	ssyncadd.s32 $0xFFFFEC00  }
0xbb: {  	_ =	swait.ge @!p3 [sflag:s14], $0x50  }
0xbc: {  	[sflag:s14] =	ssyncset.done @!p3 $0x0  }
0xbd: {  	[sflag:s14] =	ssyncadd.s32 @!p3 $0xFFFFFFB0  }
0xbe: {  	_ =	swait.ge [sflag:s8], $0x1400  }
0xbf: {  	[sflag:s8] =	ssyncset.done $0x0  }
0xc0: {  	s24 =	simm.s32 @p2 $0x8A20;
	s14 =	simm.s32 @p2 $0x9F10;
	[sflag:s8] =	ssyncadd.s32 $0xFFFFEC00  }
0xc1: {  	[spmem:s2] =	stream.indirect.scatter.add.f32 @p2 [tilespmem:s24], [sflag:$0x8], $0x40, s14, s10, $0xb8;
	[tilespmem:$0x14230] =	vst v63  }
0xc2: {  	s14 =	simm.s32 @!p2 $0xB  }
0xc3: {  	_ =	swait.ge @!p2 [sflag:s14], $0x50  }
0xc4: {  	s18 =	sadd.s32 $0x28, s18;
	[sflag:s14] =	ssyncset.done @!p2 $0x0  }
0xc5: {  	s24 =	simm.s32 @!p2 $0x8A20;
	[sflag:s14] =	ssyncadd.s32 @!p2 $0xFFFFFFB0;
	s14 =	simm.s32 @!p2 $0x9F10  }
0xc6: {  	[spmem:s2] =	stream.indirect.scatter.add.f32 @!p2 [tilespmem:s24], [sflag:$0x8], $0x40, s14, s20, $0xb8;
	[tilespmem:$0x14230] =	vst v63  }
0xc7: {  	p3 =	sne.s32 s18, $0x9B0  }
0xc8: {  	[spmem:s3] =	stream.indirect.scatter.add.f32 @!p2 [tilespmem:s15], [sflag:$0xC], $0x1, s14, s20, $0xb8;
	[tilespmem:$0x14230] =	vst v63  }
.Ltmp3:
0xc9: {  	_ = 	snop;
	(pc) =	sbr.rel @!p3 .LBB2_6-.Ltmp3, $4  }
0xca: {  	s11 =	sadd.s32 $0x32, s11  }
0xcb: {  	[tilespmem:s23], [sflag:$0xE] =	stream.linear.gather [hbm4b:s11+s4], $0x50, $0x38;
	[tilespmem:$0x14230] =	vst v63  }
0xcc: {  	s24 =	sadd.s32 $0xA0, s16;
	s16 =	sadd.s32 $0x140, s16  }
0xcd: {  	[tilespmem:s29], [sflag:$0x2] =	stream.indirect.gather [hbm4b:s21+s26], $0x40, s24, s26, $0xb8;
	[tilespmem:$0x14230] =	vst v63  }
.LBB2_2:
0xce: {  	p3 =	seq.s32 s18, $0x0  }
.Ltmp4:
0xcf: {  	_ = 	snop;
	(pc) =	sbr.rel @p3 .LBB2_4-.Ltmp4, $4  }
0xd0: {  	_ = 	snop  }
0xd1: {  	_ =	swait.ge [sflag:s1], $0x1400  }
0xd2: {  	[sflag:s1] =	ssyncset.done $0x0  }
0xd3: {  	[sflag:s1] =	ssyncadd.s32 $0xFFFFEC00  }
0xd4: {  	_ =	swait.ge [sflag:s9], $0x50  }
0xd5: {  	[sflag:s9] =	ssyncset.done $0x0  }
0xd6: {  	[sflag:s9] =	ssyncadd.s32 $0xFFFFFFB0  }
0xd7: {  	_ =	swait.ge [sflag:s12], $0x1400  }
0xd8: {  	[sflag:s12] =	ssyncset.done $0x0  }
0xd9: {  	s10 =	simm.s32 @p0 $0xC;
	[sflag:s12] =	ssyncadd.s32 $0xFFFFEC00  }
0xda: {  	_ =	swait.ge @p0 [sflag:s10], $0x50  }
0xdb: {  	s15 =	simm.s32 @p0 $0x9E20;
	[sflag:s10] =	ssyncset.done @p0 $0x0  }
0xdc: {  	s20 =	simm.s32 @p0 $0x4E20;
	[sflag:s10] =	ssyncadd.s32 @p0 $0xFFFFFFB0;
	s10 =	simm.s32 @p0 $0x50  }
0xdd: {  	[spmem:s2] =	stream.indirect.scatter.add.f32 @p0 [tilespmem:s20], [sflag:$0x5], $0x40, s15, s10, $0xb8;
	[tilespmem:$0x14230] =	vst v63  }
0xde: {  	s21 =	sadd.s32 s18, s19;
	s20 =	simm.s32 @p0 $0x9F60  }
0xdf: {  	[spmem:s3] =	stream.indirect.scatter.add.f32 @p0 [tilespmem:s20], [sflag:$0x9], $0x1, s15, s10, $0xb8;
	[tilespmem:$0x14230] =	vst v63  }
0xe0: {  	s10 =	simm.s32 @!p0 $0x50;
	s15 =	simm.s32 @!p0 $0x9E20;
	s20 =	simm.s32 @!p0 $0x4E20  }
0xe1: {  	[spmem:s2] =	stream.indirect.scatter.add.f32 @!p0 [tilespmem:s20], [sflag:$0x5], $0x40, s15, s10, $0xb8;
	[tilespmem:$0x14230] =	vst v63  }
0xe2: {  	s11 =	simm.s32 $0x9EC0;
	s10 =	sadd.s32 $0x14, s21  }
0xe3: {  	[tilespmem:s11], [sflag:$0xF] =	stream.linear.gather [hbm4b:s10+s4], $0x50, $0x38;
	[tilespmem:$0x14230] =	vst v63  }
0xe4: {  	s24 =	sadd.s32 $0xFFFFFFB0, s16  }
0xe5: {  	[tilespmem:s31], [sflag:$0x3] =	stream.indirect.gather [hbm4b:s17+s26], $0x40, s24, s26, $0xb8;
	[tilespmem:$0x14230] =	vst v63  }
0xe6: {  	_ =	swait.ge [sflag:s25], $0x1400  }
.Ltmp5:
0xe7: {  	[sflag:s25] =	ssyncset.done $0x0;
	(pc) =	sbr.rel .LBB2_5-.Ltmp5, $4  }
0xe8: {  	[sflag:s25] =	ssyncadd.s32 $0xFFFFEC00  }
0xe9: {  	_ =	swait.ge [sflag:s13], $0x50  }
0xea: {  	[sflag:s13] =	ssyncset.done $0x0  }
0xeb: {  	[sflag:s13] =	ssyncadd.s32 $0xFFFFFFB0  }
.LBB2_7:
0xec: {  	_ =	sfence.sel $0x180000  }
0xed: {  	[bflag:$0x0] =	sbarrier.arrive $0xFFFF  }
0xee: {  	_ =	strace $0x90000047  }
0xef: {  	s0 =	stileid.u32;
	[bflag:$0x2] =	sbarrier.arrive $0xFFFF  }
0xf0: {  	p0 =	sne.s32 s0, $0x0;
	s0 =	rddreg [dreg:$0x4]  }
0xf1: {  	s0 =	sadd.s32 @!p0 $0x100000, s0  }
0xf2: {  	[sflag:s0] =	ssyncadd.tile.s32 @!p0 $0x1;
	_ =	shalt  }
.Lfunc_end2:
_tile_overlayer_lowered:
.L_overlay_start_2:
0xf3: {  	(tag) =	ssettag $0x2  }
0xf4: {  	s0 =	rddreg [dreg:$0x0];
	s2 =	stileid.u32  }
0xf5: {  	s1 =	rddreg [dreg:$0x1];
	p0 =	sne.s32 s2, $0x0  }
0xf6: {  	s3 =	rddreg [dreg:$0x2];
	[bflag:$0x3] =	sbarrier.arrive $0xFFFF;
	s2 =	simm.s32 @!p0 $0x1C11  }
0xf7: {  	[timem:s3], [sflag:s2] =	dma.local @!p0 [hbm:s0], s1  }
0xf8: {  	s0 =	simm.s32 @!p0 $0x11  }
0xf9: {  	_ =	swait.ge @!p0 [sflag:s0], s1  }
0xfa: {  	s1 =	ssub.s32 @!p0 $0x0, s1;
	[sflag:s0] =	ssyncset.done @!p0 $0x0  }
0xfb: {  	[sflag:s0] =	ssyncadd.s32 @!p0 s1  }
0xfc: {  	[bflag:$0x3] =	sbarrier.arrive $0xFFFF  }
0xfd: {  	_ =	shalt  }

</sc_bundles>
